<compile_context>
chip_gen: v7x
topology: tpu7x:2x2x1
jax: 0.10.2.dev20260603
libtpu: 0.0.44.dev20260713+nightly
codegen_flags: <defaults>
</compile_context>

<pallas_src>
import functools

import jax
import jax.numpy as jnp
from jax import lax
from jax.experimental import pallas as pl
from jax.experimental.pallas import tpu as pltpu
from jax.experimental.pallas import tpu_sc as plsc

B, T = 4, 8192
VOCAB, CHAR_DIM, N_FREQ = 1000, 32, 4
OUT_DIM = CHAR_DIM * N_FREQ
NTOK = B * T
NUM_CORES, NUM_SUBCORES, LANES = 2, 16, 16
NW = NUM_CORES * NUM_SUBCORES
TPW = NTOK // NW
CHUNK = 128
TPOS = T // NW
NTC = TPOS // CHUNK
NU = NTC * B
RPB = 128
NBLK = VOCAB // RPB
NTAIL = VOCAB - NBLK * RPB

_mesh = plsc.VectorSubcoreMesh(core_axis_name="c", subcore_axis_name="s")


@functools.partial(
    pl.kernel,
    out_type=jax.ShapeDtypeStruct((NTOK, OUT_DIM), jnp.float32),
    mesh=_mesh,
    scratch_types=[
        [pltpu.VMEM((CHUNK,), jnp.int32) for _ in range(NU)],
        [pltpu.VMEM((CHUNK, OUT_DIM), jnp.float32) for _ in range(2)],
        [pltpu.VMEM((CHUNK, OUT_DIM), jnp.float32) for _ in range(3)],
        pltpu.VMEM_SHARED((VOCAB, OUT_DIM), jnp.float32),
        [pltpu.SemaphoreType.DMA for _ in range(NU)],
        [pltpu.SemaphoreType.DMA for _ in range(2)],
        [pltpu.SemaphoreType.DMA for _ in range(3)],
        [pltpu.SemaphoreType.DMA for _ in range(3)],
    ],
)
def _encode(idx_hbm, cat_hbm, pos_hbm, out_hbm,
            idx_v, pos_v, rows_v, cat_sh, si, sp, sg, so):
    sid = lax.axis_index("s")
    w = sid * NUM_CORES + lax.axis_index("c")
    t_base = w * TPOS

    r0 = jnp.minimum(sid * 64, VOCAB - 64)
    pltpu.sync_copy(cat_hbm.at[pl.ds(r0, 64)], cat_sh.at[pl.ds(r0, 64)])
    plsc.subcore_barrier()

    def bt0_of(u):
        tc, b = divmod(u, B)
        return b, t_base + tc * CHUNK

    def tok0_of(u):
        b, t0 = bt0_of(u)
        return b * T + t0

    def start_idx(u):
        b, t0 = bt0_of(u)
        return pltpu.async_copy(
            idx_hbm.at[b, pl.ds(t0, CHUNK)], idx_v[u], si[u])

    def start_pos(tc):
        return pltpu.async_copy(
            pos_hbm.at[pl.ds(t_base + tc * CHUNK, CHUNK)], pos_v[tc], sp[tc])

    def start_gather(u):
        p = u % 3
        return pltpu.async_copy(cat_sh.at[idx_v[u]], rows_v[p], sg[p])

    def start_out(u):
        p = u % 3
        return pltpu.async_copy(
            rows_v[p], out_hbm.at[pl.ds(tok0_of(u), CHUNK)], so[p])

    di = []
    for u in range(NU):
        di.append(start_idx(u))
        if u == 0:
            dpos = [start_pos(0), start_pos(1)]
    di[0].wait()
    di[1].wait()
    dg = [start_gather(0), start_gather(1), None]
    dout = [None, None, None]
    dpos[0].wait()
    dpos[1].wait()

    for u in range(NU):
        p = u % 3
        if u + 2 < NU:
            q = (u + 2) % 3
            if dout[q] is not None:
                dout[q].wait()
                dout[q] = None
            di[u + 2].wait()
            dg[q] = start_gather(u + 2)
        dg[p].wait()

        rows = rows_v[p]
        pos = pos_v[u // B]

        def tok_body(i2, c2, rows=rows, pos=pos):
            for j in range(2):
                i = i2 * 2 + j
                for k in range(OUT_DIM // LANES):
                    v = pos[i, pl.ds(k * LANES, LANES)]
                    plsc.addupdate(rows.at[i, pl.ds(k * LANES, LANES)], v)
            return c2

        lax.fori_loop(0, CHUNK // 2, tok_body, 0)
        dout[p] = start_out(u)

    for d in dout:
        if d is not None:
            d.wait()


def kernel(raw_char_indices, emb0, emb1, emb2, emb3, pos_table):
    cat = jnp.concatenate([emb0, emb1, emb2, emb3], axis=1)
    out = _encode(raw_char_indices, cat, pos_table)
    return out.reshape(B, T, OUT_DIM)

# --- scband reference (transcript-rebuilt; emitter-appended) ---
"""Pipeline reference for scband-universal-raw-text-encoder-80144089743710 (READ-ONLY COPY).

The authoritative reference and input builder live on the scoring server;
editing this copy changes nothing except your own understanding.
"""

import jax, jax.numpy as jnp
import numpy as np

VOCAB = 1000
CHAR_DIM = 32
N_FREQ = 4
BLOCK = 8192
B, T = 4, 8192
OUT_DIM = CHAR_DIM * N_FREQ


def setup_inputs(seed: int = 0) -> dict:
    key = jax.random.key(seed)
    ks = jax.random.split(key, N_FREQ + 2)
    raw_char_indices = jax.random.randint(ks[0], (B, T), 0, VOCAB, dtype=jnp.int32)
    inp = {"raw_char_indices": raw_char_indices}
    for i in range(N_FREQ):
        inp[f"emb{i}"] = jax.random.normal(ks[1 + i], (VOCAB, CHAR_DIM), dtype=jnp.float32) * 0.02
    inp["pos_table"] = jax.random.normal(ks[N_FREQ + 1], (BLOCK, OUT_DIM), dtype=jnp.float32) * 0.02
    return inp


def reference(raw_char_indices, emb0, emb1, emb2, emb3, pos_table):
    # MultiFrequencyCharEmbedding: gather from each frequency table and concat
    tables = (emb0, emb1, emb2, emb3)
    embeds = [jnp.take(tbl, raw_char_indices, axis=0) for tbl in tables]  # each [B, T, CHAR_DIM]
    x = jnp.concatenate(embeds, axis=-1)  # [B, T, OUT_DIM]
    # positional embedding gather
    Tlen = raw_char_indices.shape[1]
    pos = jnp.arange(0, Tlen, dtype=jnp.int32)
    pos_emb = jnp.take(pos_table, pos, axis=0)  # [T, OUT_DIM]
    # dropout is identity in eval mode
    x = x + pos_emb[None, :, :]
    return x

if __name__ == "__main__":
    import jax
    _d = setup_inputs()
    print(jax.jit(kernel)(*tuple(_d.values())))

</pallas_src>

<mosaic_0001>
#map = affine_map<(d0, d1) -> (0, 0)>
module attributes {stable_mosaic.version = 14 : i64} {
  func.func @_encode(%arg0: i32, %arg1: i32, %arg2: memref<4x8192xi32, #tpu.memory_space<hbm>>, %arg3: memref<1000x128xf32, #tpu.memory_space<hbm>>, %arg4: memref<8192x128xf32, #tpu.memory_space<hbm>>, %arg5: memref<32768x128xf32, #tpu.memory_space<hbm>>, %arg6: memref<128xi32, #tpu.memory_space<vmem>>, %arg7: memref<128xi32, #tpu.memory_space<vmem>>, %arg8: memref<128xi32, #tpu.memory_space<vmem>>, %arg9: memref<128xi32, #tpu.memory_space<vmem>>, %arg10: memref<128xi32, #tpu.memory_space<vmem>>, %arg11: memref<128xi32, #tpu.memory_space<vmem>>, %arg12: memref<128xi32, #tpu.memory_space<vmem>>, %arg13: memref<128xi32, #tpu.memory_space<vmem>>, %arg14: memref<128x128xf32, #tpu.memory_space<vmem>>, %arg15: memref<128x128xf32, #tpu.memory_space<vmem>>, %arg16: memref<128x128xf32, #tpu.memory_space<vmem>>, %arg17: memref<128x128xf32, #tpu.memory_space<vmem>>, %arg18: memref<128x128xf32, #tpu.memory_space<vmem>>, %arg19: memref<1000x128xf32, #tpu.memory_space<vmem_shared>>, %arg20: memref<!tpu.dma_semaphore, #tpu.memory_space<semaphore_mem>>, %arg21: memref<!tpu.dma_semaphore, #tpu.memory_space<semaphore_mem>>, %arg22: memref<!tpu.dma_semaphore, #tpu.memory_space<semaphore_mem>>, %arg23: memref<!tpu.dma_semaphore, #tpu.memory_space<semaphore_mem>>, %arg24: memref<!tpu.dma_semaphore, #tpu.memory_space<semaphore_mem>>, %arg25: memref<!tpu.dma_semaphore, #tpu.memory_space<semaphore_mem>>, %arg26: memref<!tpu.dma_semaphore, #tpu.memory_space<semaphore_mem>>, %arg27: memref<!tpu.dma_semaphore, #tpu.memory_space<semaphore_mem>>, %arg28: memref<!tpu.dma_semaphore, #tpu.memory_space<semaphore_mem>>, %arg29: memref<!tpu.dma_semaphore, #tpu.memory_space<semaphore_mem>>, %arg30: memref<!tpu.dma_semaphore, #tpu.memory_space<semaphore_mem>>, %arg31: memref<!tpu.dma_semaphore, #tpu.memory_space<semaphore_mem>>, %arg32: memref<!tpu.dma_semaphore, #tpu.memory_space<semaphore_mem>>, %arg33: memref<!tpu.dma_semaphore, #tpu.memory_space<semaphore_mem>>, %arg34: memref<!tpu.dma_semaphore, #tpu.memory_space<semaphore_mem>>, %arg35: memref<!tpu.dma_semaphore, #tpu.memory_space<semaphore_mem>>) attributes {dimension_semantics = [#tpu.dimension_semantics<core_parallel>, #tpu.dimension_semantics<subcore_parallel>], iteration_bounds = array<i64: 2, 16>, scalar_prefetch = 0 : i64, scratch_operands = 30 : i64, tpu.core_type = #tpu.core_type<sc_vector_subcore>, window_params = [{transform_indices = #map}, {transform_indices = #map}, {transform_indices = #map}, {transform_indices = #map}]} {
    %mul3A = arith.constant 2 : i32
    %mul3A_0 = arith.muli %arg1, %mul3A : i32
    %add3A = arith.addi %mul3A_0, %arg0 : i32
    %mul3A_1 = arith.constant 256 : i32
    %mul3A_2 = arith.muli %add3A, %mul3A_1 : i32
    %mul3A_3 = arith.constant 64 : i32
    %mul3A_4 = arith.muli %arg1, %mul3A_3 : i32
    %min3A = arith.constant 936 : i32
    %min3A_5 = arith.minsi %mul3A_4, %min3A : i32
    "tpu.region"() ({
      %run_scoped3A = tpu.sem_alloc : memref<!tpu.dma_semaphore, #tpu.memory_space<semaphore_mem>>
      %dma_start3A_311 = arith.constant 0 : i32
      %dma_start3A_312 = tpu.memref_slice %arg19[%min3A_5, %dma_start3A_311] : memref<1000x128xf32, #tpu.memory_space<vmem_shared>> -> memref<64x128xf32, #tpu.memory_space<vmem_shared>>
      %dma_start3A_313 = arith.constant 0 : i32
      %dma_start3A_314 = tpu.memref_slice %arg3[%min3A_5, %dma_start3A_313] : memref<1000x128xf32, #tpu.memory_space<hbm>> -> memref<64x128xf32, #tpu.memory_space<hbm>>
      tpu.enqueue_dma source(%dma_start3A_314 : memref<64x128xf32, #tpu.memory_space<hbm>>) target(%dma_start3A_312 : memref<64x128xf32, #tpu.memory_space<vmem_shared>>) target_semaphore(%run_scoped3A : memref<!tpu.dma_semaphore, #tpu.memory_space<semaphore_mem>>)
      %dma_wait3A_315 = arith.constant 0 : i32
      %dma_wait3A_316 = tpu.memref_slice %arg19[%min3A_5, %dma_wait3A_315] : memref<1000x128xf32, #tpu.memory_space<vmem_shared>> -> memref<64x128xf32, #tpu.memory_space<vmem_shared>>
      %dma_wait3A_317 = arith.constant 0 : i32
      %dma_wait3A_318 = tpu.memref_slice %arg3[%min3A_5, %dma_wait3A_317] : memref<1000x128xf32, #tpu.memory_space<hbm>> -> memref<64x128xf32, #tpu.memory_space<hbm>>
      tpu.wait_dma2 semaphore(%run_scoped3A : memref<!tpu.dma_semaphore, #tpu.memory_space<semaphore_mem>>) src(%dma_wait3A_318 : memref<64x128xf32, #tpu.memory_space<hbm>>) dst(%dma_wait3A_316 : memref<64x128xf32, #tpu.memory_space<vmem_shared>>)
      tpu.yield
    }) : () -> ()
    %barrier3A = arith.constant 0 : index
    tpu.barrier barrier_id(%barrier3A)
    %add3A_6 = arith.constant 0 : i32
    %add3A_7 = arith.addi %mul3A_2, %add3A_6 : i32
    %dma_start3A = arith.constant 0 : i32
    %dma_start3A_8 = tpu.memref_slice %arg2[%dma_start3A, %add3A_7] : memref<4x8192xi32, #tpu.memory_space<hbm>> -> memref<1x128xi32, #tpu.memory_space<hbm>>
    %dma_start3A_9 = tpu.memref_squeeze %dma_start3A_8 : memref<1x128xi32, #tpu.memory_space<hbm>> -> memref<128xi32, #tpu.memory_space<hbm>>
    %dma_start3A_10 = tpu.memref_slice %arg2[%dma_start3A, %add3A_7] : memref<4x8192xi32, #tpu.memory_space<hbm>> -> memref<1x128xi32, #tpu.memory_space<hbm>>
    %dma_start3A_11 = tpu.memref_squeeze %dma_start3A_10 : memref<1x128xi32, #tpu.memory_space<hbm>> -> memref<128xi32, #tpu.memory_space<hbm>>
    tpu.enqueue_dma source(%dma_start3A_11 : memref<128xi32, #tpu.memory_space<hbm>>) target(%arg6 : memref<128xi32, #tpu.memory_space<vmem>>) target_semaphore(%arg20 : memref<!tpu.dma_semaphore, #tpu.memory_space<semaphore_mem>>)
    %add3A_12 = arith.constant 0 : i32
    %add3A_13 = arith.addi %mul3A_2, %add3A_12 : i32
    %dma_start3A_14 = arith.constant 0 : i32
    %dma_start3A_15 = tpu.memref_slice %arg4[%add3A_13, %dma_start3A_14] : memref<8192x128xf32, #tpu.memory_space<hbm>> -> memref<128x128xf32, #tpu.memory_space<hbm>>
    %dma_start3A_16 = arith.constant 0 : i32
    %dma_start3A_17 = tpu.memref_slice %arg4[%add3A_13, %dma_start3A_16] : memref<8192x128xf32, #tpu.memory_space<hbm>> -> memref<128x128xf32, #tpu.memory_space<hbm>>
    tpu.enqueue_dma source(%dma_start3A_17 : memref<128x128xf32, #tpu.memory_space<hbm>>) target(%arg14 : memref<128x128xf32, #tpu.memory_space<vmem>>) target_semaphore(%arg28 : memref<!tpu.dma_semaphore, #tpu.memory_space<semaphore_mem>>)
    %add3A_18 = arith.constant 128 : i32
    %add3A_19 = arith.addi %mul3A_2, %add3A_18 : i32
    %dma_start3A_20 = arith.constant 0 : i32
    %dma_start3A_21 = tpu.memref_slice %arg4[%add3A_19, %dma_start3A_20] : memref<8192x128xf32, #tpu.memory_space<hbm>> -> memref<128x128xf32, #tpu.memory_space<hbm>>
    %dma_start3A_22 = arith.constant 0 : i32
    %dma_start3A_23 = tpu.memref_slice %arg4[%add3A_19, %dma_start3A_22] : memref<8192x128xf32, #tpu.memory_space<hbm>> -> memref<128x128xf32, #tpu.memory_space<hbm>>
    tpu.enqueue_dma source(%dma_start3A_23 : memref<128x128xf32, #tpu.memory_space<hbm>>) target(%arg15 : memref<128x128xf32, #tpu.memory_space<vmem>>) target_semaphore(%arg29 : memref<!tpu.dma_semaphore, #tpu.memory_space<semaphore_mem>>)
    %add3A_24 = arith.constant 0 : i32
    %add3A_25 = arith.addi %mul3A_2, %add3A_24 : i32
    %dma_start3A_26 = arith.constant 1 : i32
    %dma_start3A_27 = tpu.memref_slice %arg2[%dma_start3A_26, %add3A_25] : memref<4x8192xi32, #tpu.memory_space<hbm>> -> memref<1x128xi32, #tpu.memory_space<hbm>>
    %dma_start3A_28 = tpu.memref_squeeze %dma_start3A_27 : memref<1x128xi32, #tpu.memory_space<hbm>> -> memref<128xi32, #tpu.memory_space<hbm>>
    %dma_start3A_29 = tpu.memref_slice %arg2[%dma_start3A_26, %add3A_25] : memref<4x8192xi32, #tpu.memory_space<hbm>> -> memref<1x128xi32, #tpu.memory_space<hbm>>
    %dma_start3A_30 = tpu.memref_squeeze %dma_start3A_29 : memref<1x128xi32, #tpu.memory_space<hbm>> -> memref<128xi32, #tpu.memory_space<hbm>>
    tpu.enqueue_dma source(%dma_start3A_30 : memref<128xi32, #tpu.memory_space<hbm>>) target(%arg7 : memref<128xi32, #tpu.memory_space<vmem>>) target_semaphore(%arg21 : memref<!tpu.dma_semaphore, #tpu.memory_space<semaphore_mem>>)
    %add3A_31 = arith.constant 0 : i32
    %add3A_32 = arith.addi %mul3A_2, %add3A_31 : i32
    %dma_start3A_33 = arith.constant 2 : i32
    %dma_start3A_34 = tpu.memref_slice %arg2[%dma_start3A_33, %add3A_32] : memref<4x8192xi32, #tpu.memory_space<hbm>> -> memref<1x128xi32, #tpu.memory_space<hbm>>
    %dma_start3A_35 = tpu.memref_squeeze %dma_start3A_34 : memref<1x128xi32, #tpu.memory_space<hbm>> -> memref<128xi32, #tpu.memory_space<hbm>>
    %dma_start3A_36 = tpu.memref_slice %arg2[%dma_start3A_33, %add3A_32] : memref<4x8192xi32, #tpu.memory_space<hbm>> -> memref<1x128xi32, #tpu.memory_space<hbm>>
    %dma_start3A_37 = tpu.memref_squeeze %dma_start3A_36 : memref<1x128xi32, #tpu.memory_space<hbm>> -> memref<128xi32, #tpu.memory_space<hbm>>
    tpu.enqueue_dma source(%dma_start3A_37 : memref<128xi32, #tpu.memory_space<hbm>>) target(%arg8 : memref<128xi32, #tpu.memory_space<vmem>>) target_semaphore(%arg22 : memref<!tpu.dma_semaphore, #tpu.memory_space<semaphore_mem>>)
    %add3A_38 = arith.constant 0 : i32
    %add3A_39 = arith.addi %mul3A_2, %add3A_38 : i32
    %dma_start3A_40 = arith.constant 3 : i32
    %dma_start3A_41 = tpu.memref_slice %arg2[%dma_start3A_40, %add3A_39] : memref<4x8192xi32, #tpu.memory_space<hbm>> -> memref<1x128xi32, #tpu.memory_space<hbm>>
    %dma_start3A_42 = tpu.memref_squeeze %dma_start3A_41 : memref<1x128xi32, #tpu.memory_space<hbm>> -> memref<128xi32, #tpu.memory_space<hbm>>
    %dma_start3A_43 = tpu.memref_slice %arg2[%dma_start3A_40, %add3A_39] : memref<4x8192xi32, #tpu.memory_space<hbm>> -> memref<1x128xi32, #tpu.memory_space<hbm>>
    %dma_start3A_44 = tpu.memref_squeeze %dma_start3A_43 : memref<1x128xi32, #tpu.memory_space<hbm>> -> memref<128xi32, #tpu.memory_space<hbm>>
    tpu.enqueue_dma source(%dma_start3A_44 : memref<128xi32, #tpu.memory_space<hbm>>) target(%arg9 : memref<128xi32, #tpu.memory_space<vmem>>) target_semaphore(%arg23 : memref<!tpu.dma_semaphore, #tpu.memory_space<semaphore_mem>>)
    %add3A_45 = arith.constant 128 : i32
    %add3A_46 = arith.addi %mul3A_2, %add3A_45 : i32
    %dma_start3A_47 = arith.constant 0 : i32
    %dma_start3A_48 = tpu.memref_slice %arg2[%dma_start3A_47, %add3A_46] : memref<4x8192xi32, #tpu.memory_space<hbm>> -> memref<1x128xi32, #tpu.memory_space<hbm>>
    %dma_start3A_49 = tpu.memref_squeeze %dma_start3A_48 : memref<1x128xi32, #tpu.memory_space<hbm>> -> memref<128xi32, #tpu.memory_space<hbm>>
    %dma_start3A_50 = tpu.memref_slice %arg2[%dma_start3A_47, %add3A_46] : memref<4x8192xi32, #tpu.memory_space<hbm>> -> memref<1x128xi32, #tpu.memory_space<hbm>>
    %dma_start3A_51 = tpu.memref_squeeze %dma_start3A_50 : memref<1x128xi32, #tpu.memory_space<hbm>> -> memref<128xi32, #tpu.memory_space<hbm>>
    tpu.enqueue_dma source(%dma_start3A_51 : memref<128xi32, #tpu.memory_space<hbm>>) target(%arg10 : memref<128xi32, #tpu.memory_space<vmem>>) target_semaphore(%arg24 : memref<!tpu.dma_semaphore, #tpu.memory_space<semaphore_mem>>)
    %add3A_52 = arith.constant 128 : i32
    %add3A_53 = arith.addi %mul3A_2, %add3A_52 : i32
    %dma_start3A_54 = arith.constant 1 : i32
    %dma_start3A_55 = tpu.memref_slice %arg2[%dma_start3A_54, %add3A_53] : memref<4x8192xi32, #tpu.memory_space<hbm>> -> memref<1x128xi32, #tpu.memory_space<hbm>>
    %dma_start3A_56 = tpu.memref_squeeze %dma_start3A_55 : memref<1x128xi32, #tpu.memory_space<hbm>> -> memref<128xi32, #tpu.memory_space<hbm>>
    %dma_start3A_57 = tpu.memref_slice %arg2[%dma_start3A_54, %add3A_53] : memref<4x8192xi32, #tpu.memory_space<hbm>> -> memref<1x128xi32, #tpu.memory_space<hbm>>
    %dma_start3A_58 = tpu.memref_squeeze %dma_start3A_57 : memref<1x128xi32, #tpu.memory_space<hbm>> -> memref<128xi32, #tpu.memory_space<hbm>>
    tpu.enqueue_dma source(%dma_start3A_58 : memref<128xi32, #tpu.memory_space<hbm>>) target(%arg11 : memref<128xi32, #tpu.memory_space<vmem>>) target_semaphore(%arg25 : memref<!tpu.dma_semaphore, #tpu.memory_space<semaphore_mem>>)
    %add3A_59 = arith.constant 128 : i32
    %add3A_60 = arith.addi %mul3A_2, %add3A_59 : i32
    %dma_start3A_61 = arith.constant 2 : i32
    %dma_start3A_62 = tpu.memref_slice %arg2[%dma_start3A_61, %add3A_60] : memref<4x8192xi32, #tpu.memory_space<hbm>> -> memref<1x128xi32, #tpu.memory_space<hbm>>
    %dma_start3A_63 = tpu.memref_squeeze %dma_start3A_62 : memref<1x128xi32, #tpu.memory_space<hbm>> -> memref<128xi32, #tpu.memory_space<hbm>>
    %dma_start3A_64 = tpu.memref_slice %arg2[%dma_start3A_61, %add3A_60] : memref<4x8192xi32, #tpu.memory_space<hbm>> -> memref<1x128xi32, #tpu.memory_space<hbm>>
    %dma_start3A_65 = tpu.memref_squeeze %dma_start3A_64 : memref<1x128xi32, #tpu.memory_space<hbm>> -> memref<128xi32, #tpu.memory_space<hbm>>
    tpu.enqueue_dma source(%dma_start3A_65 : memref<128xi32, #tpu.memory_space<hbm>>) target(%arg12 : memref<128xi32, #tpu.memory_space<vmem>>) target_semaphore(%arg26 : memref<!tpu.dma_semaphore, #tpu.memory_space<semaphore_mem>>)
    %add3A_66 = arith.constant 128 : i32
    %add3A_67 = arith.addi %mul3A_2, %add3A_66 : i32
    %dma_start3A_68 = arith.constant 3 : i32
    %dma_start3A_69 = tpu.memref_slice %arg2[%dma_start3A_68, %add3A_67] : memref<4x8192xi32, #tpu.memory_space<hbm>> -> memref<1x128xi32, #tpu.memory_space<hbm>>
    %dma_start3A_70 = tpu.memref_squeeze %dma_start3A_69 : memref<1x128xi32, #tpu.memory_space<hbm>> -> memref<128xi32, #tpu.memory_space<hbm>>
    %dma_start3A_71 = tpu.memref_slice %arg2[%dma_start3A_68, %add3A_67] : memref<4x8192xi32, #tpu.memory_space<hbm>> -> memref<1x128xi32, #tpu.memory_space<hbm>>
    %dma_start3A_72 = tpu.memref_squeeze %dma_start3A_71 : memref<1x128xi32, #tpu.memory_space<hbm>> -> memref<128xi32, #tpu.memory_space<hbm>>
    tpu.enqueue_dma source(%dma_start3A_72 : memref<128xi32, #tpu.memory_space<hbm>>) target(%arg13 : memref<128xi32, #tpu.memory_space<vmem>>) target_semaphore(%arg27 : memref<!tpu.dma_semaphore, #tpu.memory_space<semaphore_mem>>)
    %dma_wait3A = arith.constant 0 : i32
    %dma_wait3A_73 = tpu.memref_slice %arg2[%dma_wait3A, %add3A_7] : memref<4x8192xi32, #tpu.memory_space<hbm>> -> memref<1x128xi32, #tpu.memory_space<hbm>>
    %dma_wait3A_74 = tpu.memref_squeeze %dma_wait3A_73 : memref<1x128xi32, #tpu.memory_space<hbm>> -> memref<128xi32, #tpu.memory_space<hbm>>
    %dma_wait3A_75 = tpu.memref_slice %arg2[%dma_wait3A, %add3A_7] : memref<4x8192xi32, #tpu.memory_space<hbm>> -> memref<1x128xi32, #tpu.memory_space<hbm>>
    %dma_wait3A_76 = tpu.memref_squeeze %dma_wait3A_75 : memref<1x128xi32, #tpu.memory_space<hbm>> -> memref<128xi32, #tpu.memory_space<hbm>>
    tpu.wait_dma2 semaphore(%arg20 : memref<!tpu.dma_semaphore, #tpu.memory_space<semaphore_mem>>) src(%dma_wait3A_76 : memref<128xi32, #tpu.memory_space<hbm>>) dst(%arg6 : memref<128xi32, #tpu.memory_space<vmem>>)
    %dma_wait3A_77 = arith.constant 1 : i32
    %dma_wait3A_78 = tpu.memref_slice %arg2[%dma_wait3A_77, %add3A_25] : memref<4x8192xi32, #tpu.memory_space<hbm>> -> memref<1x128xi32, #tpu.memory_space<hbm>>
    %dma_wait3A_79 = tpu.memref_squeeze %dma_wait3A_78 : memref<1x128xi32, #tpu.memory_space<hbm>> -> memref<128xi32, #tpu.memory_space<hbm>>
    %dma_wait3A_80 = tpu.memref_slice %arg2[%dma_wait3A_77, %add3A_25] : memref<4x8192xi32, #tpu.memory_space<hbm>> -> memref<1x128xi32, #tpu.memory_space<hbm>>
    %dma_wait3A_81 = tpu.memref_squeeze %dma_wait3A_80 : memref<1x128xi32, #tpu.memory_space<hbm>> -> memref<128xi32, #tpu.memory_space<hbm>>
    tpu.wait_dma2 semaphore(%arg21 : memref<!tpu.dma_semaphore, #tpu.memory_space<semaphore_mem>>) src(%dma_wait3A_81 : memref<128xi32, #tpu.memory_space<hbm>>) dst(%arg7 : memref<128xi32, #tpu.memory_space<vmem>>)
    %dma_start3A_82 = arith.constant 0 : i32
    %dma_start3A_83 = arith.constant 0 : i32
    %dma_start3A_84 = tpu.memref_slice %arg19[%dma_start3A_82, %dma_start3A_83] : memref<1000x128xf32, #tpu.memory_space<vmem_shared>> -> memref<1000x128xf32, #tpu.memory_space<vmem_shared>>
    tpu.enqueue_indirect_dma source(%dma_start3A_84 : memref<1000x128xf32, #tpu.memory_space<vmem_shared>>) target(%arg16 : memref<128x128xf32, #tpu.memory_space<vmem>>) offsets(%arg6 : memref<128xi32, #tpu.memory_space<vmem>>) semaphore(%arg30 : memref<!tpu.dma_semaphore, #tpu.memory_space<semaphore_mem>>)
    %dma_start3A_85 = arith.constant 0 : i32
    %dma_start3A_86 = arith.constant 0 : i32
    %dma_start3A_87 = tpu.memref_slice %arg19[%dma_start3A_85, %dma_start3A_86] : memref<1000x128xf32, #tpu.memory_space<vmem_shared>> -> memref<1000x128xf32, #tpu.memory_space<vmem_shared>>
    tpu.enqueue_indirect_dma source(%dma_start3A_87 : memref<1000x128xf32, #tpu.memory_space<vmem_shared>>) target(%arg17 : memref<128x128xf32, #tpu.memory_space<vmem>>) offsets(%arg7 : memref<128xi32, #tpu.memory_space<vmem>>) semaphore(%arg31 : memref<!tpu.dma_semaphore, #tpu.memory_space<semaphore_mem>>)
    %dma_wait3A_88 = arith.constant 0 : i32
    %dma_wait3A_89 = tpu.memref_slice %arg4[%add3A_13, %dma_wait3A_88] : memref<8192x128xf32, #tpu.memory_space<hbm>> -> memref<128x128xf32, #tpu.memory_space<hbm>>
    %dma_wait3A_90 = arith.constant 0 : i32
    %dma_wait3A_91 = tpu.memref_slice %arg4[%add3A_13, %dma_wait3A_90] : memref<8192x128xf32, #tpu.memory_space<hbm>> -> memref<128x128xf32, #tpu.memory_space<hbm>>
    tpu.wait_dma2 semaphore(%arg28 : memref<!tpu.dma_semaphore, #tpu.memory_space<semaphore_mem>>) src(%dma_wait3A_91 : memref<128x128xf32, #tpu.memory_space<hbm>>) dst(%arg14 : memref<128x128xf32, #tpu.memory_space<vmem>>)
    %dma_wait3A_92 = arith.constant 0 : i32
    %dma_wait3A_93 = tpu.memref_slice %arg4[%add3A_19, %dma_wait3A_92] : memref<8192x128xf32, #tpu.memory_space<hbm>> -> memref<128x128xf32, #tpu.memory_space<hbm>>
    %dma_wait3A_94 = arith.constant 0 : i32
    %dma_wait3A_95 = tpu.memref_slice %arg4[%add3A_19, %dma_wait3A_94] : memref<8192x128xf32, #tpu.memory_space<hbm>> -> memref<128x128xf32, #tpu.memory_space<hbm>>
    tpu.wait_dma2 semaphore(%arg29 : memref<!tpu.dma_semaphore, #tpu.memory_space<semaphore_mem>>) src(%dma_wait3A_95 : memref<128x128xf32, #tpu.memory_space<hbm>>) dst(%arg15 : memref<128x128xf32, #tpu.memory_space<vmem>>)
    %dma_wait3A_96 = arith.constant 2 : i32
    %dma_wait3A_97 = tpu.memref_slice %arg2[%dma_wait3A_96, %add3A_32] : memref<4x8192xi32, #tpu.memory_space<hbm>> -> memref<1x128xi32, #tpu.memory_space<hbm>>
    %dma_wait3A_98 = tpu.memref_squeeze %dma_wait3A_97 : memref<1x128xi32, #tpu.memory_space<hbm>> -> memref<128xi32, #tpu.memory_space<hbm>>
    %dma_wait3A_99 = tpu.memref_slice %arg2[%dma_wait3A_96, %add3A_32] : memref<4x8192xi32, #tpu.memory_space<hbm>> -> memref<1x128xi32, #tpu.memory_space<hbm>>
    %dma_wait3A_100 = tpu.memref_squeeze %dma_wait3A_99 : memref<1x128xi32, #tpu.memory_space<hbm>> -> memref<128xi32, #tpu.memory_space<hbm>>
    tpu.wait_dma2 semaphore(%arg22 : memref<!tpu.dma_semaphore, #tpu.memory_space<semaphore_mem>>) src(%dma_wait3A_100 : memref<128xi32, #tpu.memory_space<hbm>>) dst(%arg8 : memref<128xi32, #tpu.memory_space<vmem>>)
    %dma_start3A_101 = arith.constant 0 : i32
    %dma_start3A_102 = arith.constant 0 : i32
    %dma_start3A_103 = tpu.memref_slice %arg19[%dma_start3A_101, %dma_start3A_102] : memref<1000x128xf32, #tpu.memory_space<vmem_shared>> -> memref<1000x128xf32, #tpu.memory_space<vmem_shared>>
    tpu.enqueue_indirect_dma source(%dma_start3A_103 : memref<1000x128xf32, #tpu.memory_space<vmem_shared>>) target(%arg18 : memref<128x128xf32, #tpu.memory_space<vmem>>) offsets(%arg8 : memref<128xi32, #tpu.memory_space<vmem>>) semaphore(%arg32 : memref<!tpu.dma_semaphore, #tpu.memory_space<semaphore_mem>>)
    %dma_wait3A_104 = arith.constant 0 : i32
    %dma_wait3A_105 = arith.constant 0 : i32
    %dma_wait3A_106 = tpu.memref_slice %arg19[%dma_wait3A_104, %dma_wait3A_105] : memref<1000x128xf32, #tpu.memory_space<vmem_shared>> -> memref<1000x128xf32, #tpu.memory_space<vmem_shared>>
    tpu.wait_indirect_dma semaphore(%arg30 : memref<!tpu.dma_semaphore, #tpu.memory_space<semaphore_mem>>) src(%dma_wait3A_106 : memref<1000x128xf32, #tpu.memory_space<vmem_shared>>) dst(%arg16 : memref<128x128xf32, #tpu.memory_space<vmem>>)
    %scan3A = arith.constant 0 : i32
    %scan3A_107 = arith.constant 0 : i32
    %scan3A_108 = arith.constant 64 : i32
    %scan3A_109 = arith.addi %scan3A_107, %scan3A_108 : i32
    %scan3A_110 = arith.constant 1 : i32
    scf.for %scan3A_311 = %scan3A_107 to %scan3A_109 step %scan3A_110  : i32 {
      %mul3A_312 = arith.constant 2 : i32
      %mul3A_313 = arith.muli %scan3A_311, %mul3A_312 : i32
      %add3A_314 = arith.constant 0 : i32
      %add3A_315 = arith.addi %mul3A_313, %add3A_314 : i32
      %get3A = arith.index_cast %add3A_315 : i32 to index
      %get3A_316 = arith.constant 0 : index
      %get3A_317 = tpu.vector_load %arg14[%get3A, %get3A_316] {strides = array<i32>} : memref<128x128xf32, #tpu.memory_space<vmem>>, vector<1x16xf32>,
      %get3A_318 = vector.shape_cast %get3A_317 : vector<1x16xf32> to vector<16xf32>
      %swap3A = arith.index_cast %add3A_315 : i32 to index
      %swap3A_319 = arith.constant 0 : index
      %swap3A_320 = tpu.vector_load %arg16[%swap3A, %swap3A_319] {strides = array<i32>} : memref<128x128xf32, #tpu.memory_space<vmem>>, vector<1x16xf32>,
      %swap3A_321 = vector.shape_cast %swap3A_320 : vector<1x16xf32> to vector<16xf32>
      %swap3A_322 = vector.shape_cast %get3A_318 : vector<16xf32> to vector<1x16xf32>
      tpu.vector_store %arg16[%swap3A, %swap3A_319], %swap3A_322 {add = true, strides = array<i32>} : memref<128x128xf32, #tpu.memory_space<vmem>>, vector<1x16xf32>,
      %get3A_323 = arith.index_cast %add3A_315 : i32 to index
      %get3A_324 = arith.constant 16 : index
      %get3A_325 = tpu.vector_load %arg14[%get3A_323, %get3A_324] {strides = array<i32>} : memref<128x128xf32, #tpu.memory_space<vmem>>, vector<1x16xf32>,
      %get3A_326 = vector.shape_cast %get3A_325 : vector<1x16xf32> to vector<16xf32>
      %swap3A_327 = arith.index_cast %add3A_315 : i32 to index
      %swap3A_328 = arith.constant 16 : index
      %swap3A_329 = tpu.vector_load %arg16[%swap3A_327, %swap3A_328] {strides = array<i32>} : memref<128x128xf32, #tpu.memory_space<vmem>>, vector<1x16xf32>,
      %swap3A_330 = vector.shape_cast %swap3A_329 : vector<1x16xf32> to vector<16xf32>
      %swap3A_331 = vector.shape_cast %get3A_326 : vector<16xf32> to vector<1x16xf32>
      tpu.vector_store %arg16[%swap3A_327, %swap3A_328], %swap3A_331 {add = true, strides = array<i32>} : memref<128x128xf32, #tpu.memory_space<vmem>>, vector<1x16xf32>,
      %get3A_332 = arith.index_cast %add3A_315 : i32 to index
      %get3A_333 = arith.constant 32 : index
      %get3A_334 = tpu.vector_load %arg14[%get3A_332, %get3A_333] {strides = array<i32>} : memref<128x128xf32, #tpu.memory_space<vmem>>, vector<1x16xf32>,
      %get3A_335 = vector.shape_cast %get3A_334 : vector<1x16xf32> to vector<16xf32>
      %swap3A_336 = arith.index_cast %add3A_315 : i32 to index
      %swap3A_337 = arith.constant 32 : index
      %swap3A_338 = tpu.vector_load %arg16[%swap3A_336, %swap3A_337] {strides = array<i32>} : memref<128x128xf32, #tpu.memory_space<vmem>>, vector<1x16xf32>,
      %swap3A_339 = vector.shape_cast %swap3A_338 : vector<1x16xf32> to vector<16xf32>
      %swap3A_340 = vector.shape_cast %get3A_335 : vector<16xf32> to vector<1x16xf32>
      tpu.vector_store %arg16[%swap3A_336, %swap3A_337], %swap3A_340 {add = true, strides = array<i32>} : memref<128x128xf32, #tpu.memory_space<vmem>>, vector<1x16xf32>,
      %get3A_341 = arith.index_cast %add3A_315 : i32 to index
      %get3A_342 = arith.constant 48 : index
      %get3A_343 = tpu.vector_load %arg14[%get3A_341, %get3A_342] {strides = array<i32>} : memref<128x128xf32, #tpu.memory_space<vmem>>, vector<1x16xf32>,
      %get3A_344 = vector.shape_cast %get3A_343 : vector<1x16xf32> to vector<16xf32>
      %swap3A_345 = arith.index_cast %add3A_315 : i32 to index
      %swap3A_346 = arith.constant 48 : index
      %swap3A_347 = tpu.vector_load %arg16[%swap3A_345, %swap3A_346] {strides = array<i32>} : memref<128x128xf32, #tpu.memory_space<vmem>>, vector<1x16xf32>,
      %swap3A_348 = vector.shape_cast %swap3A_347 : vector<1x16xf32> to vector<16xf32>
      %swap3A_349 = vector.shape_cast %get3A_344 : vector<16xf32> to vector<1x16xf32>
      tpu.vector_store %arg16[%swap3A_345, %swap3A_346], %swap3A_349 {add = true, strides = array<i32>} : memref<128x128xf32, #tpu.memory_space<vmem>>, vector<1x16xf32>,
      %get3A_350 = arith.index_cast %add3A_315 : i32 to index
      %get3A_351 = arith.constant 64 : index
      %get3A_352 = tpu.vector_load %arg14[%get3A_350, %get3A_351] {strides = array<i32>} : memref<128x128xf32, #tpu.memory_space<vmem>>, vector<1x16xf32>,
      %get3A_353 = vector.shape_cast %get3A_352 : vector<1x16xf32> to vector<16xf32>
      %swap3A_354 = arith.index_cast %add3A_315 : i32 to index
      %swap3A_355 = arith.constant 64 : index
      %swap3A_356 = tpu.vector_load %arg16[%swap3A_354, %swap3A_355] {strides = array<i32>} : memref<128x128xf32, #tpu.memory_space<vmem>>, vector<1x16xf32>,
      %swap3A_357 = vector.shape_cast %swap3A_356 : vector<1x16xf32> to vector<16xf32>
      %swap3A_358 = vector.shape_cast %get3A_353 : vector<16xf32> to vector<1x16xf32>
      tpu.vector_store %arg16[%swap3A_354, %swap3A_355], %swap3A_358 {add = true, strides = array<i32>} : memref<128x128xf32, #tpu.memory_space<vmem>>, vector<1x16xf32>,
      %get3A_359 = arith.index_cast %add3A_315 : i32 to index
      %get3A_360 = arith.constant 80 : index
      %get3A_361 = tpu.vector_load %arg14[%get3A_359, %get3A_360] {strides = array<i32>} : memref<128x128xf32, #tpu.memory_space<vmem>>, vector<1x16xf32>,
      %get3A_362 = vector.shape_cast %get3A_361 : vector<1x16xf32> to vector<16xf32>
      %swap3A_363 = arith.index_cast %add3A_315 : i32 to index
      %swap3A_364 = arith.constant 80 : index
      %swap3A_365 = tpu.vector_load %arg16[%swap3A_363, %swap3A_364] {strides = array<i32>} : memref<128x128xf32, #tpu.memory_space<vmem>>, vector<1x16xf32>,
      %swap3A_366 = vector.shape_cast %swap3A_365 : vector<1x16xf32> to vector<16xf32>
      %swap3A_367 = vector.shape_cast %get3A_362 : vector<16xf32> to vector<1x16xf32>
      tpu.vector_store %arg16[%swap3A_363, %swap3A_364], %swap3A_367 {add = true, strides = array<i32>} : memref<128x128xf32, #tpu.memory_space<vmem>>, vector<1x16xf32>,
      %get3A_368 = arith.index_cast %add3A_315 : i32 to index
      %get3A_369 = arith.constant 96 : index
      %get3A_370 = tpu.vector_load %arg14[%get3A_368, %get3A_369] {strides = array<i32>} : memref<128x128xf32, #tpu.memory_space<vmem>>, vector<1x16xf32>,
      %get3A_371 = vector.shape_cast %get3A_370 : vector<1x16xf32> to vector<16xf32>
      %swap3A_372 = arith.index_cast %add3A_315 : i32 to index
      %swap3A_373 = arith.constant 96 : index
      %swap3A_374 = tpu.vector_load %arg16[%swap3A_372, %swap3A_373] {strides = array<i32>} : memref<128x128xf32, #tpu.memory_space<vmem>>, vector<1x16xf32>,
      %swap3A_375 = vector.shape_cast %swap3A_374 : vector<1x16xf32> to vector<16xf32>
      %swap3A_376 = vector.shape_cast %get3A_371 : vector<16xf32> to vector<1x16xf32>
      tpu.vector_store %arg16[%swap3A_372, %swap3A_373], %swap3A_376 {add = true, strides = array<i32>} : memref<128x128xf32, #tpu.memory_space<vmem>>, vector<1x16xf32>,
      %get3A_377 = arith.index_cast %add3A_315 : i32 to index
      %get3A_378 = arith.constant 112 : index
      %get3A_379 = tpu.vector_load %arg14[%get3A_377, %get3A_378] {strides = array<i32>} : memref<128x128xf32, #tpu.memory_space<vmem>>, vector<1x16xf32>,
      %get3A_380 = vector.shape_cast %get3A_379 : vector<1x16xf32> to vector<16xf32>
      %swap3A_381 = arith.index_cast %add3A_315 : i32 to index
      %swap3A_382 = arith.constant 112 : index
      %swap3A_383 = tpu.vector_load %arg16[%swap3A_381, %swap3A_382] {strides = array<i32>} : memref<128x128xf32, #tpu.memory_space<vmem>>, vector<1x16xf32>,
      %swap3A_384 = vector.shape_cast %swap3A_383 : vector<1x16xf32> to vector<16xf32>
      %swap3A_385 = vector.shape_cast %get3A_380 : vector<16xf32> to vector<1x16xf32>
      tpu.vector_store %arg16[%swap3A_381, %swap3A_382], %swap3A_385 {add = true, strides = array<i32>} : memref<128x128xf32, #tpu.memory_space<vmem>>, vector<1x16xf32>,
      %mul3A_386 = arith.constant 2 : i32
      %mul3A_387 = arith.muli %scan3A_311, %mul3A_386 : i32
      %add3A_388 = arith.constant 1 : i32
      %add3A_389 = arith.addi %mul3A_387, %add3A_388 : i32
      %get3A_390 = arith.index_cast %add3A_389 : i32 to index
      %get3A_391 = arith.constant 0 : index
      %get3A_392 = tpu.vector_load %arg14[%get3A_390, %get3A_391] {strides = array<i32>} : memref<128x128xf32, #tpu.memory_space<vmem>>, vector<1x16xf32>,
      %get3A_393 = vector.shape_cast %get3A_392 : vector<1x16xf32> to vector<16xf32>
      %swap3A_394 = arith.index_cast %add3A_389 : i32 to index
      %swap3A_395 = arith.constant 0 : index
      %swap3A_396 = tpu.vector_load %arg16[%swap3A_394, %swap3A_395] {strides = array<i32>} : memref<128x128xf32, #tpu.memory_space<vmem>>, vector<1x16xf32>,
      %swap3A_397 = vector.shape_cast %swap3A_396 : vector<1x16xf32> to vector<16xf32>
      %swap3A_398 = vector.shape_cast %get3A_393 : vector<16xf32> to vector<1x16xf32>
      tpu.vector_store %arg16[%swap3A_394, %swap3A_395], %swap3A_398 {add = true, strides = array<i32>} : memref<128x128xf32, #tpu.memory_space<vmem>>, vector<1x16xf32>,
      %get3A_399 = arith.index_cast %add3A_389 : i32 to index
      %get3A_400 = arith.constant 16 : index
      %get3A_401 = tpu.vector_load %arg14[%get3A_399, %get3A_400] {strides = array<i32>} : memref<128x128xf32, #tpu.memory_space<vmem>>, vector<1x16xf32>,
      %get3A_402 = vector.shape_cast %get3A_401 : vector<1x16xf32> to vector<16xf32>
      %swap3A_403 = arith.index_cast %add3A_389 : i32 to index
      %swap3A_404 = arith.constant 16 : index
      %swap3A_405 = tpu.vector_load %arg16[%swap3A_403, %swap3A_404] {strides = array<i32>} : memref<128x128xf32, #tpu.memory_space<vmem>>, vector<1x16xf32>,
      %swap3A_406 = vector.shape_cast %swap3A_405 : vector<1x16xf32> to vector<16xf32>
      %swap3A_407 = vector.shape_cast %get3A_402 : vector<16xf32> to vector<1x16xf32>
      tpu.vector_store %arg16[%swap3A_403, %swap3A_404], %swap3A_407 {add = true, strides = array<i32>} : memref<128x128xf32, #tpu.memory_space<vmem>>, vector<1x16xf32>,
      %get3A_408 = arith.index_cast %add3A_389 : i32 to index
      %get3A_409 = arith.constant 32 : index
      %get3A_410 = tpu.vector_load %arg14[%get3A_408, %get3A_409] {strides = array<i32>} : memref<128x128xf32, #tpu.memory_space<vmem>>, vector<1x16xf32>,
      %get3A_411 = vector.shape_cast %get3A_410 : vector<1x16xf32> to vector<16xf32>
      %swap3A_412 = arith.index_cast %add3A_389 : i32 to index
      %swap3A_413 = arith.constant 32 : index
      %swap3A_414 = tpu.vector_load %arg16[%swap3A_412, %swap3A_413] {strides = array<i32>} : memref<128x128xf32, #tpu.memory_space<vmem>>, vector<1x16xf32>,
      %swap3A_415 = vector.shape_cast %swap3A_414 : vector<1x16xf32> to vector<16xf32>
      %swap3A_416 = vector.shape_cast %get3A_411 : vector<16xf32> to vector<1x16xf32>
      tpu.vector_store %arg16[%swap3A_412, %swap3A_413], %swap3A_416 {add = true, strides = array<i32>} : memref<128x128xf32, #tpu.memory_space<vmem>>, vector<1x16xf32>,
      %get3A_417 = arith.index_cast %add3A_389 : i32 to index
      %get3A_418 = arith.constant 48 : index
      %get3A_419 = tpu.vector_load %arg14[%get3A_417, %get3A_418] {strides = array<i32>} : memref<128x128xf32, #tpu.memory_space<vmem>>, vector<1x16xf32>,
      %get3A_420 = vector.shape_cast %get3A_419 : vector<1x16xf32> to vector<16xf32>
      %swap3A_421 = arith.index_cast %add3A_389 : i32 to index
      %swap3A_422 = arith.constant 48 : index
      %swap3A_423 = tpu.vector_load %arg16[%swap3A_421, %swap3A_422] {strides = array<i32>} : memref<128x128xf32, #tpu.memory_space<vmem>>, vector<1x16xf32>,
      %swap3A_424 = vector.shape_cast %swap3A_423 : vector<1x16xf32> to vector<16xf32>
      %swap3A_425 = vector.shape_cast %get3A_420 : vector<16xf32> to vector<1x16xf32>
      tpu.vector_store %arg16[%swap3A_421, %swap3A_422], %swap3A_425 {add = true, strides = array<i32>} : memref<128x128xf32, #tpu.memory_space<vmem>>, vector<1x16xf32>,
      %get3A_426 = arith.index_cast %add3A_389 : i32 to index
      %get3A_427 = arith.constant 64 : index
      %get3A_428 = tpu.vector_load %arg14[%get3A_426, %get3A_427] {strides = array<i32>} : memref<128x128xf32, #tpu.memory_space<vmem>>, vector<1x16xf32>,
      %get3A_429 = vector.shape_cast %get3A_428 : vector<1x16xf32> to vector<16xf32>
      %swap3A_430 = arith.index_cast %add3A_389 : i32 to index
      %swap3A_431 = arith.constant 64 : index
      %swap3A_432 = tpu.vector_load %arg16[%swap3A_430, %swap3A_431] {strides = array<i32>} : memref<128x128xf32, #tpu.memory_space<vmem>>, vector<1x16xf32>,
      %swap3A_433 = vector.shape_cast %swap3A_432 : vector<1x16xf32> to vector<16xf32>
      %swap3A_434 = vector.shape_cast %get3A_429 : vector<16xf32> to vector<1x16xf32>
      tpu.vector_store %arg16[%swap3A_430, %swap3A_431], %swap3A_434 {add = true, strides = array<i32>} : memref<128x128xf32, #tpu.memory_space<vmem>>, vector<1x16xf32>,
      %get3A_435 = arith.index_cast %add3A_389 : i32 to index
      %get3A_436 = arith.constant 80 : index
      %get3A_437 = tpu.vector_load %arg14[%get3A_435, %get3A_436] {strides = array<i32>} : memref<128x128xf32, #tpu.memory_space<vmem>>, vector<1x16xf32>,
      %get3A_438 = vector.shape_cast %get3A_437 : vector<1x16xf32> to vector<16xf32>
      %swap3A_439 = arith.index_cast %add3A_389 : i32 to index
      %swap3A_440 = arith.constant 80 : index
      %swap3A_441 = tpu.vector_load %arg16[%swap3A_439, %swap3A_440] {strides = array<i32>} : memref<128x128xf32, #tpu.memory_space<vmem>>, vector<1x16xf32>,
      %swap3A_442 = vector.shape_cast %swap3A_441 : vector<1x16xf32> to vector<16xf32>
      %swap3A_443 = vector.shape_cast %get3A_438 : vector<16xf32> to vector<1x16xf32>
      tpu.vector_store %arg16[%swap3A_439, %swap3A_440], %swap3A_443 {add = true, strides = array<i32>} : memref<128x128xf32, #tpu.memory_space<vmem>>, vector<1x16xf32>,
      %get3A_444 = arith.index_cast %add3A_389 : i32 to index
      %get3A_445 = arith.constant 96 : index
      %get3A_446 = tpu.vector_load %arg14[%get3A_444, %get3A_445] {strides = array<i32>} : memref<128x128xf32, #tpu.memory_space<vmem>>, vector<1x16xf32>,
      %get3A_447 = vector.shape_cast %get3A_446 : vector<1x16xf32> to vector<16xf32>
      %swap3A_448 = arith.index_cast %add3A_389 : i32 to index
      %swap3A_449 = arith.constant 96 : index
      %swap3A_450 = tpu.vector_load %arg16[%swap3A_448, %swap3A_449] {strides = array<i32>} : memref<128x128xf32, #tpu.memory_space<vmem>>, vector<1x16xf32>,
      %swap3A_451 = vector.shape_cast %swap3A_450 : vector<1x16xf32> to vector<16xf32>
      %swap3A_452 = vector.shape_cast %get3A_447 : vector<16xf32> to vector<1x16xf32>
      tpu.vector_store %arg16[%swap3A_448, %swap3A_449], %swap3A_452 {add = true, strides = array<i32>} : memref<128x128xf32, #tpu.memory_space<vmem>>, vector<1x16xf32>,
      %get3A_453 = arith.index_cast %add3A_389 : i32 to index
      %get3A_454 = arith.constant 112 : index
      %get3A_455 = tpu.vector_load %arg14[%get3A_453, %get3A_454] {strides = array<i32>} : memref<128x128xf32, #tpu.memory_space<vmem>>, vector<1x16xf32>,
      %get3A_456 = vector.shape_cast %get3A_455 : vector<1x16xf32> to vector<16xf32>
      %swap3A_457 = arith.index_cast %add3A_389 : i32 to index
      %swap3A_458 = arith.constant 112 : index
      %swap3A_459 = tpu.vector_load %arg16[%swap3A_457, %swap3A_458] {strides = array<i32>} : memref<128x128xf32, #tpu.memory_space<vmem>>, vector<1x16xf32>,
      %swap3A_460 = vector.shape_cast %swap3A_459 : vector<1x16xf32> to vector<16xf32>
      %swap3A_461 = vector.shape_cast %get3A_456 : vector<16xf32> to vector<1x16xf32>
      tpu.vector_store %arg16[%swap3A_457, %swap3A_458], %swap3A_461 {add = true, strides = array<i32>} : memref<128x128xf32, #tpu.memory_space<vmem>>, vector<1x16xf32>,
    }
    %scan3A_111 = arith.constant 64 : i32
    %add3A_112 = arith.constant 0 : i32
    %add3A_113 = arith.addi %mul3A_2, %add3A_112 : i32
    %add3A_114 = arith.constant 0 : i32
    %add3A_115 = arith.addi %add3A_114, %add3A_113 : i32
    %dma_start3A_116 = arith.constant 0 : i32
    %dma_start3A_117 = tpu.memref_slice %arg5[%add3A_115, %dma_start3A_116] : memref<32768x128xf32, #tpu.memory_space<hbm>> -> memref<128x128xf32, #tpu.memory_space<hbm>>
    %dma_start3A_118 = arith.constant 0 : i32
    %dma_start3A_119 = tpu.memref_slice %arg5[%add3A_115, %dma_start3A_118] : memref<32768x128xf32, #tpu.memory_space<hbm>> -> memref<128x128xf32, #tpu.memory_space<hbm>>
    tpu.enqueue_dma source(%arg16 : memref<128x128xf32, #tpu.memory_space<vmem>>) target(%dma_start3A_119 : memref<128x128xf32, #tpu.memory_space<hbm>>) target_semaphore(%arg33 : memref<!tpu.dma_semaphore, #tpu.memory_space<semaphore_mem>>)
    %dma_wait3A_120 = arith.constant 0 : i32
    %dma_wait3A_121 = tpu.memref_slice %arg5[%add3A_115, %dma_wait3A_120] : memref<32768x128xf32, #tpu.memory_space<hbm>> -> memref<128x128xf32, #tpu.memory_space<hbm>>
    %dma_wait3A_122 = arith.constant 0 : i32
    %dma_wait3A_123 = tpu.memref_slice %arg5[%add3A_115, %dma_wait3A_122] : memref<32768x128xf32, #tpu.memory_space<hbm>> -> memref<128x128xf32, #tpu.memory_space<hbm>>
    tpu.wait_dma2 semaphore(%arg33 : memref<!tpu.dma_semaphore, #tpu.memory_space<semaphore_mem>>) src(%arg16 : memref<128x128xf32, #tpu.memory_space<vmem>>) dst(%dma_wait3A_123 : memref<128x128xf32, #tpu.memory_space<hbm>>)
    %dma_wait3A_124 = arith.constant 3 : i32
    %dma_wait3A_125 = tpu.memref_slice %arg2[%dma_wait3A_124, %add3A_39] : memref<4x8192xi32, #tpu.memory_space<hbm>> -> memref<1x128xi32, #tpu.memory_space<hbm>>
    %dma_wait3A_126 = tpu.memref_squeeze %dma_wait3A_125 : memref<1x128xi32, #tpu.memory_space<hbm>> -> memref<128xi32, #tpu.memory_space<hbm>>
    %dma_wait3A_127 = tpu.memref_slice %arg2[%dma_wait3A_124, %add3A_39] : memref<4x8192xi32, #tpu.memory_space<hbm>> -> memref<1x128xi32, #tpu.memory_space<hbm>>
    %dma_wait3A_128 = tpu.memref_squeeze %dma_wait3A_127 : memref<1x128xi32, #tpu.memory_space<hbm>> -> memref<128xi32, #tpu.memory_space<hbm>>
    tpu.wait_dma2 semaphore(%arg23 : memref<!tpu.dma_semaphore, #tpu.memory_space<semaphore_mem>>) src(%dma_wait3A_128 : memref<128xi32, #tpu.memory_space<hbm>>) dst(%arg9 : memref<128xi32, #tpu.memory_space<vmem>>)
    %dma_start3A_129 = arith.constant 0 : i32
    %dma_start3A_130 = arith.constant 0 : i32
    %dma_start3A_131 = tpu.memref_slice %arg19[%dma_start3A_129, %dma_start3A_130] : memref<1000x128xf32, #tpu.memory_space<vmem_shared>> -> memref<1000x128xf32, #tpu.memory_space<vmem_shared>>
    tpu.enqueue_indirect_dma source(%dma_start3A_131 : memref<1000x128xf32, #tpu.memory_space<vmem_shared>>) target(%arg16 : memref<128x128xf32, #tpu.memory_space<vmem>>) offsets(%arg9 : memref<128xi32, #tpu.memory_space<vmem>>) semaphore(%arg30 : memref<!tpu.dma_semaphore, #tpu.memory_space<semaphore_mem>>)
    %dma_wait3A_132 = arith.constant 0 : i32
    %dma_wait3A_133 = arith.constant 0 : i32
    %dma_wait3A_134 = tpu.memref_slice %arg19[%dma_wait3A_132, %dma_wait3A_133] : memref<1000x128xf32, #tpu.memory_space<vmem_shared>> -> memref<1000x128xf32, #tpu.memory_space<vmem_shared>>
    tpu.wait_indirect_dma semaphore(%arg31 : memref<!tpu.dma_semaphore, #tpu.memory_space<semaphore_mem>>) src(%dma_wait3A_134 : memref<1000x128xf32, #tpu.memory_space<vmem_shared>>) dst(%arg17 : memref<128x128xf32, #tpu.memory_space<vmem>>)
    %scan3A_135 = arith.constant 0 : i32
    %scan3A_136 = arith.constant 0 : i32
    %scan3A_137 = arith.constant 64 : i32
    %scan3A_138 = arith.addi %scan3A_136, %scan3A_137 : i32
    %scan3A_139 = arith.constant 1 : i32
    scf.for %scan3A_311 = %scan3A_136 to %scan3A_138 step %scan3A_139  : i32 {
      %mul3A_312 = arith.constant 2 : i32
      %mul3A_313 = arith.muli %scan3A_311, %mul3A_312 : i32
      %add3A_314 = arith.constant 0 : i32
      %add3A_315 = arith.addi %mul3A_313, %add3A_314 : i32
      %get3A = arith.index_cast %add3A_315 : i32 to index
      %get3A_316 = arith.constant 0 : index
      %get3A_317 = tpu.vector_load %arg14[%get3A, %get3A_316] {strides = array<i32>} : memref<128x128xf32, #tpu.memory_space<vmem>>, vector<1x16xf32>,
      %get3A_318 = vector.shape_cast %get3A_317 : vector<1x16xf32> to vector<16xf32>
      %swap3A = arith.index_cast %add3A_315 : i32 to index
      %swap3A_319 = arith.constant 0 : index
      %swap3A_320 = tpu.vector_load %arg17[%swap3A, %swap3A_319] {strides = array<i32>} : memref<128x128xf32, #tpu.memory_space<vmem>>, vector<1x16xf32>,
      %swap3A_321 = vector.shape_cast %swap3A_320 : vector<1x16xf32> to vector<16xf32>
      %swap3A_322 = vector.shape_cast %get3A_318 : vector<16xf32> to vector<1x16xf32>
      tpu.vector_store %arg17[%swap3A, %swap3A_319], %swap3A_322 {add = true, strides = array<i32>} : memref<128x128xf32, #tpu.memory_space<vmem>>, vector<1x16xf32>,
      %get3A_323 = arith.index_cast %add3A_315 : i32 to index
      %get3A_324 = arith.constant 16 : index
      %get3A_325 = tpu.vector_load %arg14[%get3A_323, %get3A_324] {strides = array<i32>} : memref<128x128xf32, #tpu.memory_space<vmem>>, vector<1x16xf32>,
      %get3A_326 = vector.shape_cast %get3A_325 : vector<1x16xf32> to vector<16xf32>
      %swap3A_327 = arith.index_cast %add3A_315 : i32 to index
      %swap3A_328 = arith.constant 16 : index
      %swap3A_329 = tpu.vector_load %arg17[%swap3A_327, %swap3A_328] {strides = array<i32>} : memref<128x128xf32, #tpu.memory_space<vmem>>, vector<1x16xf32>,
      %swap3A_330 = vector.shape_cast %swap3A_329 : vector<1x16xf32> to vector<16xf32>
      %swap3A_331 = vector.shape_cast %get3A_326 : vector<16xf32> to vector<1x16xf32>
      tpu.vector_store %arg17[%swap3A_327, %swap3A_328], %swap3A_331 {add = true, strides = array<i32>} : memref<128x128xf32, #tpu.memory_space<vmem>>, vector<1x16xf32>,
      %get3A_332 = arith.index_cast %add3A_315 : i32 to index
      %get3A_333 = arith.constant 32 : index
      %get3A_334 = tpu.vector_load %arg14[%get3A_332, %get3A_333] {strides = array<i32>} : memref<128x128xf32, #tpu.memory_space<vmem>>, vector<1x16xf32>,
      %get3A_335 = vector.shape_cast %get3A_334 : vector<1x16xf32> to vector<16xf32>
      %swap3A_336 = arith.index_cast %add3A_315 : i32 to index
      %swap3A_337 = arith.constant 32 : index
      %swap3A_338 = tpu.vector_load %arg17[%swap3A_336, %swap3A_337] {strides = array<i32>} : memref<128x128xf32, #tpu.memory_space<vmem>>, vector<1x16xf32>,
      %swap3A_339 = vector.shape_cast %swap3A_338 : vector<1x16xf32> to vector<16xf32>
      %swap3A_340 = vector.shape_cast %get3A_335 : vector<16xf32> to vector<1x16xf32>
      tpu.vector_store %arg17[%swap3A_336, %swap3A_337], %swap3A_340 {add = true, strides = array<i32>} : memref<128x128xf32, #tpu.memory_space<vmem>>, vector<1x16xf32>,
      %get3A_341 = arith.index_cast %add3A_315 : i32 to index
      %get3A_342 = arith.constant 48 : index
      %get3A_343 = tpu.vector_load %arg14[%get3A_341, %get3A_342] {strides = array<i32>} : memref<128x128xf32, #tpu.memory_space<vmem>>, vector<1x16xf32>,
      %get3A_344 = vector.shape_cast %get3A_343 : vector<1x16xf32> to vector<16xf32>
      %swap3A_345 = arith.index_cast %add3A_315 : i32 to index
      %swap3A_346 = arith.constant 48 : index
      %swap3A_347 = tpu.vector_load %arg17[%swap3A_345, %swap3A_346] {strides = array<i32>} : memref<128x128xf32, #tpu.memory_space<vmem>>, vector<1x16xf32>,
      %swap3A_348 = vector.shape_cast %swap3A_347 : vector<1x16xf32> to vector<16xf32>
      %swap3A_349 = vector.shape_cast %get3A_344 : vector<16xf32> to vector<1x16xf32>
      tpu.vector_store %arg17[%swap3A_345, %swap3A_346], %swap3A_349 {add = true, strides = array<i32>} : memref<128x128xf32, #tpu.memory_space<vmem>>, vector<1x16xf32>,
      %get3A_350 = arith.index_cast %add3A_315 : i32 to index
      %get3A_351 = arith.constant 64 : index
      %get3A_352 = tpu.vector_load %arg14[%get3A_350, %get3A_351] {strides = array<i32>} : memref<128x128xf32, #tpu.memory_space<vmem>>, vector<1x16xf32>,
      %get3A_353 = vector.shape_cast %get3A_352 : vector<1x16xf32> to vector<16xf32>
      %swap3A_354 = arith.index_cast %add3A_315 : i32 to index
      %swap3A_355 = arith.constant 64 : index
      %swap3A_356 = tpu.vector_load %arg17[%swap3A_354, %swap3A_355] {strides = array<i32>} : memref<128x128xf32, #tpu.memory_space<vmem>>, vector<1x16xf32>,
      %swap3A_357 = vector.shape_cast %swap3A_356 : vector<1x16xf32> to vector<16xf32>
      %swap3A_358 = vector.shape_cast %get3A_353 : vector<16xf32> to vector<1x16xf32>
      tpu.vector_store %arg17[%swap3A_354, %swap3A_355], %swap3A_358 {add = true, strides = array<i32>} : memref<128x128xf32, #tpu.memory_space<vmem>>, vector<1x16xf32>,
      %get3A_359 = arith.index_cast %add3A_315 : i32 to index
      %get3A_360 = arith.constant 80 : index
      %get3A_361 = tpu.vector_load %arg14[%get3A_359, %get3A_360] {strides = array<i32>} : memref<128x128xf32, #tpu.memory_space<vmem>>, vector<1x16xf32>,
      %get3A_362 = vector.shape_cast %get3A_361 : vector<1x16xf32> to vector<16xf32>
      %swap3A_363 = arith.index_cast %add3A_315 : i32 to index
      %swap3A_364 = arith.constant 80 : index
      %swap3A_365 = tpu.vector_load %arg17[%swap3A_363, %swap3A_364] {strides = array<i32>} : memref<128x128xf32, #tpu.memory_space<vmem>>, vector<1x16xf32>,
      %swap3A_366 = vector.shape_cast %swap3A_365 : vector<1x16xf32> to vector<16xf32>
      %swap3A_367 = vector.shape_cast %get3A_362 : vector<16xf32> to vector<1x16xf32>
      tpu.vector_store %arg17[%swap3A_363, %swap3A_364], %swap3A_367 {add = true, strides = array<i32>} : memref<128x128xf32, #tpu.memory_space<vmem>>, vector<1x16xf32>,
      %get3A_368 = arith.index_cast %add3A_315 : i32 to index
      %get3A_369 = arith.constant 96 : index
      %get3A_370 = tpu.vector_load %arg14[%get3A_368, %get3A_369] {strides = array<i32>} : memref<128x128xf32, #tpu.memory_space<vmem>>, vector<1x16xf32>,
      %get3A_371 = vector.shape_cast %get3A_370 : vector<1x16xf32> to vector<16xf32>
      %swap3A_372 = arith.index_cast %add3A_315 : i32 to index
      %swap3A_373 = arith.constant 96 : index
      %swap3A_374 = tpu.vector_load %arg17[%swap3A_372, %swap3A_373] {strides = array<i32>} : memref<128x128xf32, #tpu.memory_space<vmem>>, vector<1x16xf32>,
      %swap3A_375 = vector.shape_cast %swap3A_374 : vector<1x16xf32> to vector<16xf32>
      %swap3A_376 = vector.shape_cast %get3A_371 : vector<16xf32> to vector<1x16xf32>
      tpu.vector_store %arg17[%swap3A_372, %swap3A_373], %swap3A_376 {add = true, strides = array<i32>} : memref<128x128xf32, #tpu.memory_space<vmem>>, vector<1x16xf32>,
      %get3A_377 = arith.index_cast %add3A_315 : i32 to index
      %get3A_378 = arith.constant 112 : index
      %get3A_379 = tpu.vector_load %arg14[%get3A_377, %get3A_378] {strides = array<i32>} : memref<128x128xf32, #tpu.memory_space<vmem>>, vector<1x16xf32>,
      %get3A_380 = vector.shape_cast %get3A_379 : vector<1x16xf32> to vector<16xf32>
      %swap3A_381 = arith.index_cast %add3A_315 : i32 to index
      %swap3A_382 = arith.constant 112 : index
      %swap3A_383 = tpu.vector_load %arg17[%swap3A_381, %swap3A_382] {strides = array<i32>} : memref<128x128xf32, #tpu.memory_space<vmem>>, vector<1x16xf32>,
      %swap3A_384 = vector.shape_cast %swap3A_383 : vector<1x16xf32> to vector<16xf32>
      %swap3A_385 = vector.shape_cast %get3A_380 : vector<16xf32> to vector<1x16xf32>
      tpu.vector_store %arg17[%swap3A_381, %swap3A_382], %swap3A_385 {add = true, strides = array<i32>} : memref<128x128xf32, #tpu.memory_space<vmem>>, vector<1x16xf32>,
      %mul3A_386 = arith.constant 2 : i32
      %mul3A_387 = arith.muli %scan3A_311, %mul3A_386 : i32
      %add3A_388 = arith.constant 1 : i32
      %add3A_389 = arith.addi %mul3A_387, %add3A_388 : i32
      %get3A_390 = arith.index_cast %add3A_389 : i32 to index
      %get3A_391 = arith.constant 0 : index
      %get3A_392 = tpu.vector_load %arg14[%get3A_390, %get3A_391] {strides = array<i32>} : memref<128x128xf32, #tpu.memory_space<vmem>>, vector<1x16xf32>,
      %get3A_393 = vector.shape_cast %get3A_392 : vector<1x16xf32> to vector<16xf32>
      %swap3A_394 = arith.index_cast %add3A_389 : i32 to index
      %swap3A_395 = arith.constant 0 : index
      %swap3A_396 = tpu.vector_load %arg17[%swap3A_394, %swap3A_395] {strides = array<i32>} : memref<128x128xf32, #tpu.memory_space<vmem>>, vector<1x16xf32>,
      %swap3A_397 = vector.shape_cast %swap3A_396 : vector<1x16xf32> to vector<16xf32>
      %swap3A_398 = vector.shape_cast %get3A_393 : vector<16xf32> to vector<1x16xf32>
      tpu.vector_store %arg17[%swap3A_394, %swap3A_395], %swap3A_398 {add = true, strides = array<i32>} : memref<128x128xf32, #tpu.memory_space<vmem>>, vector<1x16xf32>,
      %get3A_399 = arith.index_cast %add3A_389 : i32 to index
      %get3A_400 = arith.constant 16 : index
      %get3A_401 = tpu.vector_load %arg14[%get3A_399, %get3A_400] {strides = array<i32>} : memref<128x128xf32, #tpu.memory_space<vmem>>, vector<1x16xf32>,
      %get3A_402 = vector.shape_cast %get3A_401 : vector<1x16xf32> to vector<16xf32>
      %swap3A_403 = arith.index_cast %add3A_389 : i32 to index
      %swap3A_404 = arith.constant 16 : index
      %swap3A_405 = tpu.vector_load %arg17[%swap3A_403, %swap3A_404] {strides = array<i32>} : memref<128x128xf32, #tpu.memory_space<vmem>>, vector<1x16xf32>,
      %swap3A_406 = vector.shape_cast %swap3A_405 : vector<1x16xf32> to vector<16xf32>
      %swap3A_407 = vector.shape_cast %get3A_402 : vector<16xf32> to vector<1x16xf32>
      tpu.vector_store %arg17[%swap3A_403, %swap3A_404], %swap3A_407 {add = true, strides = array<i32>} : memref<128x128xf32, #tpu.memory_space<vmem>>, vector<1x16xf32>,
      %get3A_408 = arith.index_cast %add3A_389 : i32 to index
      %get3A_409 = arith.constant 32 : index
      %get3A_410 = tpu.vector_load %arg14[%get3A_408, %get3A_409] {strides = array<i32>} : memref<128x128xf32, #tpu.memory_space<vmem>>, vector<1x16xf32>,
      %get3A_411 = vector.shape_cast %get3A_410 : vector<1x16xf32> to vector<16xf32>
      %swap3A_412 = arith.index_cast %add3A_389 : i32 to index
      %swap3A_413 = arith.constant 32 : index
      %swap3A_414 = tpu.vector_load %arg17[%swap3A_412, %swap3A_413] {strides = array<i32>} : memref<128x128xf32, #tpu.memory_space<vmem>>, vector<1x16xf32>,
      %swap3A_415 = vector.shape_cast %swap3A_414 : vector<1x16xf32> to vector<16xf32>
      %swap3A_416 = vector.shape_cast %get3A_411 : vector<16xf32> to vector<1x16xf32>
      tpu.vector_store %arg17[%swap3A_412, %swap3A_413], %swap3A_416 {add = true, strides = array<i32>} : memref<128x128xf32, #tpu.memory_space<vmem>>, vector<1x16xf32>,
      %get3A_417 = arith.index_cast %add3A_389 : i32 to index
      %get3A_418 = arith.constant 48 : index
      %get3A_419 = tpu.vector_load %arg14[%get3A_417, %get3A_418] {strides = array<i32>} : memref<128x128xf32, #tpu.memory_space<vmem>>, vector<1x16xf32>,
      %get3A_420 = vector.shape_cast %get3A_419 : vector<1x16xf32> to vector<16xf32>
      %swap3A_421 = arith.index_cast %add3A_389 : i32 to index
      %swap3A_422 = arith.constant 48 : index
      %swap3A_423 = tpu.vector_load %arg17[%swap3A_421, %swap3A_422] {strides = array<i32>} : memref<128x128xf32, #tpu.memory_space<vmem>>, vector<1x16xf32>,
      %swap3A_424 = vector.shape_cast %swap3A_423 : vector<1x16xf32> to vector<16xf32>
      %swap3A_425 = vector.shape_cast %get3A_420 : vector<16xf32> to vector<1x16xf32>
      tpu.vector_store %arg17[%swap3A_421, %swap3A_422], %swap3A_425 {add = true, strides = array<i32>} : memref<128x128xf32, #tpu.memory_space<vmem>>, vector<1x16xf32>,
      %get3A_426 = arith.index_cast %add3A_389 : i32 to index
      %get3A_427 = arith.constant 64 : index
      %get3A_428 = tpu.vector_load %arg14[%get3A_426, %get3A_427] {strides = array<i32>} : memref<128x128xf32, #tpu.memory_space<vmem>>, vector<1x16xf32>,
      %get3A_429 = vector.shape_cast %get3A_428 : vector<1x16xf32> to vector<16xf32>
      %swap3A_430 = arith.index_cast %add3A_389 : i32 to index
      %swap3A_431 = arith.constant 64 : index
      %swap3A_432 = tpu.vector_load %arg17[%swap3A_430, %swap3A_431] {strides = array<i32>} : memref<128x128xf32, #tpu.memory_space<vmem>>, vector<1x16xf32>,
      %swap3A_433 = vector.shape_cast %swap3A_432 : vector<1x16xf32> to vector<16xf32>
      %swap3A_434 = vector.shape_cast %get3A_429 : vector<16xf32> to vector<1x16xf32>
      tpu.vector_store %arg17[%swap3A_430, %swap3A_431], %swap3A_434 {add = true, strides = array<i32>} : memref<128x128xf32, #tpu.memory_space<vmem>>, vector<1x16xf32>,
      %get3A_435 = arith.index_cast %add3A_389 : i32 to index
      %get3A_436 = arith.constant 80 : index
      %get3A_437 = tpu.vector_load %arg14[%get3A_435, %get3A_436] {strides = array<i32>} : memref<128x128xf32, #tpu.memory_space<vmem>>, vector<1x16xf32>,
      %get3A_438 = vector.shape_cast %get3A_437 : vector<1x16xf32> to vector<16xf32>
      %swap3A_439 = arith.index_cast %add3A_389 : i32 to index
      %swap3A_440 = arith.constant 80 : index
      %swap3A_441 = tpu.vector_load %arg17[%swap3A_439, %swap3A_440] {strides = array<i32>} : memref<128x128xf32, #tpu.memory_space<vmem>>, vector<1x16xf32>,
      %swap3A_442 = vector.shape_cast %swap3A_441 : vector<1x16xf32> to vector<16xf32>
      %swap3A_443 = vector.shape_cast %get3A_438 : vector<16xf32> to vector<1x16xf32>
      tpu.vector_store %arg17[%swap3A_439, %swap3A_440], %swap3A_443 {add = true, strides = array<i32>} : memref<128x128xf32, #tpu.memory_space<vmem>>, vector<1x16xf32>,
      %get3A_444 = arith.index_cast %add3A_389 : i32 to index
      %get3A_445 = arith.constant 96 : index
      %get3A_446 = tpu.vector_load %arg14[%get3A_444, %get3A_445] {strides = array<i32>} : memref<128x128xf32, #tpu.memory_space<vmem>>, vector<1x16xf32>,
      %get3A_447 = vector.shape_cast %get3A_446 : vector<1x16xf32> to vector<16xf32>
      %swap3A_448 = arith.index_cast %add3A_389 : i32 to index
      %swap3A_449 = arith.constant 96 : index
      %swap3A_450 = tpu.vector_load %arg17[%swap3A_448, %swap3A_449] {strides = array<i32>} : memref<128x128xf32, #tpu.memory_space<vmem>>, vector<1x16xf32>,
      %swap3A_451 = vector.shape_cast %swap3A_450 : vector<1x16xf32> to vector<16xf32>
      %swap3A_452 = vector.shape_cast %get3A_447 : vector<16xf32> to vector<1x16xf32>
      tpu.vector_store %arg17[%swap3A_448, %swap3A_449], %swap3A_452 {add = true, strides = array<i32>} : memref<128x128xf32, #tpu.memory_space<vmem>>, vector<1x16xf32>,
      %get3A_453 = arith.index_cast %add3A_389 : i32 to index
      %get3A_454 = arith.constant 112 : index
      %get3A_455 = tpu.vector_load %arg14[%get3A_453, %get3A_454] {strides = array<i32>} : memref<128x128xf32, #tpu.memory_space<vmem>>, vector<1x16xf32>,
      %get3A_456 = vector.shape_cast %get3A_455 : vector<1x16xf32> to vector<16xf32>
      %swap3A_457 = arith.index_cast %add3A_389 : i32 to index
      %swap3A_458 = arith.constant 112 : index
      %swap3A_459 = tpu.vector_load %arg17[%swap3A_457, %swap3A_458] {strides = array<i32>} : memref<128x128xf32, #tpu.memory_space<vmem>>, vector<1x16xf32>,
      %swap3A_460 = vector.shape_cast %swap3A_459 : vector<1x16xf32> to vector<16xf32>
      %swap3A_461 = vector.shape_cast %get3A_456 : vector<16xf32> to vector<1x16xf32>
      tpu.vector_store %arg17[%swap3A_457, %swap3A_458], %swap3A_461 {add = true, strides = array<i32>} : memref<128x128xf32, #tpu.memory_space<vmem>>, vector<1x16xf32>,
    }
    %scan3A_140 = arith.constant 64 : i32
    %add3A_141 = arith.constant 0 : i32
    %add3A_142 = arith.addi %mul3A_2, %add3A_141 : i32
    %add3A_143 = arith.constant 8192 : i32
    %add3A_144 = arith.addi %add3A_143, %add3A_142 : i32
    %dma_start3A_145 = arith.constant 0 : i32
    %dma_start3A_146 = tpu.memref_slice %arg5[%add3A_144, %dma_start3A_145] : memref<32768x128xf32, #tpu.memory_space<hbm>> -> memref<128x128xf32, #tpu.memory_space<hbm>>
    %dma_start3A_147 = arith.constant 0 : i32
    %dma_start3A_148 = tpu.memref_slice %arg5[%add3A_144, %dma_start3A_147] : memref<32768x128xf32, #tpu.memory_space<hbm>> -> memref<128x128xf32, #tpu.memory_space<hbm>>
    tpu.enqueue_dma source(%arg17 : memref<128x128xf32, #tpu.memory_space<vmem>>) target(%dma_start3A_148 : memref<128x128xf32, #tpu.memory_space<hbm>>) target_semaphore(%arg34 : memref<!tpu.dma_semaphore, #tpu.memory_space<semaphore_mem>>)
    %dma_wait3A_149 = arith.constant 0 : i32
    %dma_wait3A_150 = tpu.memref_slice %arg5[%add3A_144, %dma_wait3A_149] : memref<32768x128xf32, #tpu.memory_space<hbm>> -> memref<128x128xf32, #tpu.memory_space<hbm>>
    %dma_wait3A_151 = arith.constant 0 : i32
    %dma_wait3A_152 = tpu.memref_slice %arg5[%add3A_144, %dma_wait3A_151] : memref<32768x128xf32, #tpu.memory_space<hbm>> -> memref<128x128xf32, #tpu.memory_space<hbm>>
    tpu.wait_dma2 semaphore(%arg34 : memref<!tpu.dma_semaphore, #tpu.memory_space<semaphore_mem>>) src(%arg17 : memref<128x128xf32, #tpu.memory_space<vmem>>) dst(%dma_wait3A_152 : memref<128x128xf32, #tpu.memory_space<hbm>>)
    %dma_wait3A_153 = arith.constant 0 : i32
    %dma_wait3A_154 = tpu.memref_slice %arg2[%dma_wait3A_153, %add3A_46] : memref<4x8192xi32, #tpu.memory_space<hbm>> -> memref<1x128xi32, #tpu.memory_space<hbm>>
    %dma_wait3A_155 = tpu.memref_squeeze %dma_wait3A_154 : memref<1x128xi32, #tpu.memory_space<hbm>> -> memref<128xi32, #tpu.memory_space<hbm>>
    %dma_wait3A_156 = tpu.memref_slice %arg2[%dma_wait3A_153, %add3A_46] : memref<4x8192xi32, #tpu.memory_space<hbm>> -> memref<1x128xi32, #tpu.memory_space<hbm>>
    %dma_wait3A_157 = tpu.memref_squeeze %dma_wait3A_156 : memref<1x128xi32, #tpu.memory_space<hbm>> -> memref<128xi32, #tpu.memory_space<hbm>>
    tpu.wait_dma2 semaphore(%arg24 : memref<!tpu.dma_semaphore, #tpu.memory_space<semaphore_mem>>) src(%dma_wait3A_157 : memref<128xi32, #tpu.memory_space<hbm>>) dst(%arg10 : memref<128xi32, #tpu.memory_space<vmem>>)
    %dma_start3A_158 = arith.constant 0 : i32
    %dma_start3A_159 = arith.constant 0 : i32
    %dma_start3A_160 = tpu.memref_slice %arg19[%dma_start3A_158, %dma_start3A_159] : memref<1000x128xf32, #tpu.memory_space<vmem_shared>> -> memref<1000x128xf32, #tpu.memory_space<vmem_shared>>
    tpu.enqueue_indirect_dma source(%dma_start3A_160 : memref<1000x128xf32, #tpu.memory_space<vmem_shared>>) target(%arg17 : memref<128x128xf32, #tpu.memory_space<vmem>>) offsets(%arg10 : memref<128xi32, #tpu.memory_space<vmem>>) semaphore(%arg31 : memref<!tpu.dma_semaphore, #tpu.memory_space<semaphore_mem>>)
    %dma_wait3A_161 = arith.constant 0 : i32
    %dma_wait3A_162 = arith.constant 0 : i32
    %dma_wait3A_163 = tpu.memref_slice %arg19[%dma_wait3A_161, %dma_wait3A_162] : memref<1000x128xf32, #tpu.memory_space<vmem_shared>> -> memref<1000x128xf32, #tpu.memory_space<vmem_shared>>
    tpu.wait_indirect_dma semaphore(%arg32 : memref<!tpu.dma_semaphore, #tpu.memory_space<semaphore_mem>>) src(%dma_wait3A_163 : memref<1000x128xf32, #tpu.memory_space<vmem_shared>>) dst(%arg18 : memref<128x128xf32, #tpu.memory_space<vmem>>)
    %scan3A_164 = arith.constant 0 : i32
    %scan3A_165 = arith.constant 0 : i32
    %scan3A_166 = arith.constant 64 : i32
    %scan3A_167 = arith.addi %scan3A_165, %scan3A_166 : i32
    %scan3A_168 = arith.constant 1 : i32
    scf.for %scan3A_311 = %scan3A_165 to %scan3A_167 step %scan3A_168  : i32 {
      %mul3A_312 = arith.constant 2 : i32
      %mul3A_313 = arith.muli %scan3A_311, %mul3A_312 : i32
      %add3A_314 = arith.constant 0 : i32
      %add3A_315 = arith.addi %mul3A_313, %add3A_314 : i32
      %get3A = arith.index_cast %add3A_315 : i32 to index
      %get3A_316 = arith.constant 0 : index
      %get3A_317 = tpu.vector_load %arg14[%get3A, %get3A_316] {strides = array<i32>} : memref<128x128xf32, #tpu.memory_space<vmem>>, vector<1x16xf32>,
      %get3A_318 = vector.shape_cast %get3A_317 : vector<1x16xf32> to vector<16xf32>
      %swap3A = arith.index_cast %add3A_315 : i32 to index
      %swap3A_319 = arith.constant 0 : index
      %swap3A_320 = tpu.vector_load %arg18[%swap3A, %swap3A_319] {strides = array<i32>} : memref<128x128xf32, #tpu.memory_space<vmem>>, vector<1x16xf32>,
      %swap3A_321 = vector.shape_cast %swap3A_320 : vector<1x16xf32> to vector<16xf32>
      %swap3A_322 = vector.shape_cast %get3A_318 : vector<16xf32> to vector<1x16xf32>
      tpu.vector_store %arg18[%swap3A, %swap3A_319], %swap3A_322 {add = true, strides = array<i32>} : memref<128x128xf32, #tpu.memory_space<vmem>>, vector<1x16xf32>,
      %get3A_323 = arith.index_cast %add3A_315 : i32 to index
      %get3A_324 = arith.constant 16 : index
      %get3A_325 = tpu.vector_load %arg14[%get3A_323, %get3A_324] {strides = array<i32>} : memref<128x128xf32, #tpu.memory_space<vmem>>, vector<1x16xf32>,
      %get3A_326 = vector.shape_cast %get3A_325 : vector<1x16xf32> to vector<16xf32>
      %swap3A_327 = arith.index_cast %add3A_315 : i32 to index
      %swap3A_328 = arith.constant 16 : index
      %swap3A_329 = tpu.vector_load %arg18[%swap3A_327, %swap3A_328] {strides = array<i32>} : memref<128x128xf32, #tpu.memory_space<vmem>>, vector<1x16xf32>,
      %swap3A_330 = vector.shape_cast %swap3A_329 : vector<1x16xf32> to vector<16xf32>
      %swap3A_331 = vector.shape_cast %get3A_326 : vector<16xf32> to vector<1x16xf32>
      tpu.vector_store %arg18[%swap3A_327, %swap3A_328], %swap3A_331 {add = true, strides = array<i32>} : memref<128x128xf32, #tpu.memory_space<vmem>>, vector<1x16xf32>,
      %get3A_332 = arith.index_cast %add3A_315 : i32 to index
      %get3A_333 = arith.constant 32 : index
      %get3A_334 = tpu.vector_load %arg14[%get3A_332, %get3A_333] {strides = array<i32>} : memref<128x128xf32, #tpu.memory_space<vmem>>, vector<1x16xf32>,
      %get3A_335 = vector.shape_cast %get3A_334 : vector<1x16xf32> to vector<16xf32>
      %swap3A_336 = arith.index_cast %add3A_315 : i32 to index
      %swap3A_337 = arith.constant 32 : index
      %swap3A_338 = tpu.vector_load %arg18[%swap3A_336, %swap3A_337] {strides = array<i32>} : memref<128x128xf32, #tpu.memory_space<vmem>>, vector<1x16xf32>,
      %swap3A_339 = vector.shape_cast %swap3A_338 : vector<1x16xf32> to vector<16xf32>
      %swap3A_340 = vector.shape_cast %get3A_335 : vector<16xf32> to vector<1x16xf32>
      tpu.vector_store %arg18[%swap3A_336, %swap3A_337], %swap3A_340 {add = true, strides = array<i32>} : memref<128x128xf32, #tpu.memory_space<vmem>>, vector<1x16xf32>,
      %get3A_341 = arith.index_cast %add3A_315 : i32 to index
      %get3A_342 = arith.constant 48 : index
      %get3A_343 = tpu.vector_load %arg14[%get3A_341, %get3A_342] {strides = array<i32>} : memref<128x128xf32, #tpu.memory_space<vmem>>, vector<1x16xf32>,
      %get3A_344 = vector.shape_cast %get3A_343 : vector<1x16xf32> to vector<16xf32>
      %swap3A_345 = arith.index_cast %add3A_315 : i32 to index
      %swap3A_346 = arith.constant 48 : index
      %swap3A_347 = tpu.vector_load %arg18[%swap3A_345, %swap3A_346] {strides = array<i32>} : memref<128x128xf32, #tpu.memory_space<vmem>>, vector<1x16xf32>,
      %swap3A_348 = vector.shape_cast %swap3A_347 : vector<1x16xf32> to vector<16xf32>
      %swap3A_349 = vector.shape_cast %get3A_344 : vector<16xf32> to vector<1x16xf32>
      tpu.vector_store %arg18[%swap3A_345, %swap3A_346], %swap3A_349 {add = true, strides = array<i32>} : memref<128x128xf32, #tpu.memory_space<vmem>>, vector<1x16xf32>,
      %get3A_350 = arith.index_cast %add3A_315 : i32 to index
      %get3A_351 = arith.constant 64 : index
      %get3A_352 = tpu.vector_load %arg14[%get3A_350, %get3A_351] {strides = array<i32>} : memref<128x128xf32, #tpu.memory_space<vmem>>, vector<1x16xf32>,
      %get3A_353 = vector.shape_cast %get3A_352 : vector<1x16xf32> to vector<16xf32>
      %swap3A_354 = arith.index_cast %add3A_315 : i32 to index
      %swap3A_355 = arith.constant 64 : index
      %swap3A_356 = tpu.vector_load %arg18[%swap3A_354, %swap3A_355] {strides = array<i32>} : memref<128x128xf32, #tpu.memory_space<vmem>>, vector<1x16xf32>,
      %swap3A_357 = vector.shape_cast %swap3A_356 : vector<1x16xf32> to vector<16xf32>
      %swap3A_358 = vector.shape_cast %get3A_353 : vector<16xf32> to vector<1x16xf32>
      tpu.vector_store %arg18[%swap3A_354, %swap3A_355], %swap3A_358 {add = true, strides = array<i32>} : memref<128x128xf32, #tpu.memory_space<vmem>>, vector<1x16xf32>,
      %get3A_359 = arith.index_cast %add3A_315 : i32 to index
      %get3A_360 = arith.constant 80 : index
      %get3A_361 = tpu.vector_load %arg14[%get3A_359, %get3A_360] {strides = array<i32>} : memref<128x128xf32, #tpu.memory_space<vmem>>, vector<1x16xf32>,
      %get3A_362 = vector.shape_cast %get3A_361 : vector<1x16xf32> to vector<16xf32>
      %swap3A_363 = arith.index_cast %add3A_315 : i32 to index
      %swap3A_364 = arith.constant 80 : index
      %swap3A_365 = tpu.vector_load %arg18[%swap3A_363, %swap3A_364] {strides = array<i32>} : memref<128x128xf32, #tpu.memory_space<vmem>>, vector<1x16xf32>,
      %swap3A_366 = vector.shape_cast %swap3A_365 : vector<1x16xf32> to vector<16xf32>
      %swap3A_367 = vector.shape_cast %get3A_362 : vector<16xf32> to vector<1x16xf32>
      tpu.vector_store %arg18[%swap3A_363, %swap3A_364], %swap3A_367 {add = true, strides = array<i32>} : memref<128x128xf32, #tpu.memory_space<vmem>>, vector<1x16xf32>,
      %get3A_368 = arith.index_cast %add3A_315 : i32 to index
      %get3A_369 = arith.constant 96 : index
      %get3A_370 = tpu.vector_load %arg14[%get3A_368, %get3A_369] {strides = array<i32>} : memref<128x128xf32, #tpu.memory_space<vmem>>, vector<1x16xf32>,
      %get3A_371 = vector.shape_cast %get3A_370 : vector<1x16xf32> to vector<16xf32>
      %swap3A_372 = arith.index_cast %add3A_315 : i32 to index
      %swap3A_373 = arith.constant 96 : index
      %swap3A_374 = tpu.vector_load %arg18[%swap3A_372, %swap3A_373] {strides = array<i32>} : memref<128x128xf32, #tpu.memory_space<vmem>>, vector<1x16xf32>,
      %swap3A_375 = vector.shape_cast %swap3A_374 : vector<1x16xf32> to vector<16xf32>
      %swap3A_376 = vector.shape_cast %get3A_371 : vector<16xf32> to vector<1x16xf32>
      tpu.vector_store %arg18[%swap3A_372, %swap3A_373], %swap3A_376 {add = true, strides = array<i32>} : memref<128x128xf32, #tpu.memory_space<vmem>>, vector<1x16xf32>,
      %get3A_377 = arith.index_cast %add3A_315 : i32 to index
      %get3A_378 = arith.constant 112 : index
      %get3A_379 = tpu.vector_load %arg14[%get3A_377, %get3A_378] {strides = array<i32>} : memref<128x128xf32, #tpu.memory_space<vmem>>, vector<1x16xf32>,
      %get3A_380 = vector.shape_cast %get3A_379 : vector<1x16xf32> to vector<16xf32>
      %swap3A_381 = arith.index_cast %add3A_315 : i32 to index
      %swap3A_382 = arith.constant 112 : index
      %swap3A_383 = tpu.vector_load %arg18[%swap3A_381, %swap3A_382] {strides = array<i32>} : memref<128x128xf32, #tpu.memory_space<vmem>>, vector<1x16xf32>,
      %swap3A_384 = vector.shape_cast %swap3A_383 : vector<1x16xf32> to vector<16xf32>
      %swap3A_385 = vector.shape_cast %get3A_380 : vector<16xf32> to vector<1x16xf32>
      tpu.vector_store %arg18[%swap3A_381, %swap3A_382], %swap3A_385 {add = true, strides = array<i32>} : memref<128x128xf32, #tpu.memory_space<vmem>>, vector<1x16xf32>,
      %mul3A_386 = arith.constant 2 : i32
      %mul3A_387 = arith.muli %scan3A_311, %mul3A_386 : i32
      %add3A_388 = arith.constant 1 : i32
      %add3A_389 = arith.addi %mul3A_387, %add3A_388 : i32
      %get3A_390 = arith.index_cast %add3A_389 : i32 to index
      %get3A_391 = arith.constant 0 : index
      %get3A_392 = tpu.vector_load %arg14[%get3A_390, %get3A_391] {strides = array<i32>} : memref<128x128xf32, #tpu.memory_space<vmem>>, vector<1x16xf32>,
      %get3A_393 = vector.shape_cast %get3A_392 : vector<1x16xf32> to vector<16xf32>
      %swap3A_394 = arith.index_cast %add3A_389 : i32 to index
      %swap3A_395 = arith.constant 0 : index
      %swap3A_396 = tpu.vector_load %arg18[%swap3A_394, %swap3A_395] {strides = array<i32>} : memref<128x128xf32, #tpu.memory_space<vmem>>, vector<1x16xf32>,
      %swap3A_397 = vector.shape_cast %swap3A_396 : vector<1x16xf32> to vector<16xf32>
      %swap3A_398 = vector.shape_cast %get3A_393 : vector<16xf32> to vector<1x16xf32>
      tpu.vector_store %arg18[%swap3A_394, %swap3A_395], %swap3A_398 {add = true, strides = array<i32>} : memref<128x128xf32, #tpu.memory_space<vmem>>, vector<1x16xf32>,
      %get3A_399 = arith.index_cast %add3A_389 : i32 to index
      %get3A_400 = arith.constant 16 : index
      %get3A_401 = tpu.vector_load %arg14[%get3A_399, %get3A_400] {strides = array<i32>} : memref<128x128xf32, #tpu.memory_space<vmem>>, vector<1x16xf32>,
      %get3A_402 = vector.shape_cast %get3A_401 : vector<1x16xf32> to vector<16xf32>
      %swap3A_403 = arith.index_cast %add3A_389 : i32 to index
      %swap3A_404 = arith.constant 16 : index
      %swap3A_405 = tpu.vector_load %arg18[%swap3A_403, %swap3A_404] {strides = array<i32>} : memref<128x128xf32, #tpu.memory_space<vmem>>, vector<1x16xf32>,
      %swap3A_406 = vector.shape_cast %swap3A_405 : vector<1x16xf32> to vector<16xf32>
      %swap3A_407 = vector.shape_cast %get3A_402 : vector<16xf32> to vector<1x16xf32>
      tpu.vector_store %arg18[%swap3A_403, %swap3A_404], %swap3A_407 {add = true, strides = array<i32>} : memref<128x128xf32, #tpu.memory_space<vmem>>, vector<1x16xf32>,
      %get3A_408 = arith.index_cast %add3A_389 : i32 to index
      %get3A_409 = arith.constant 32 : index
      %get3A_410 = tpu.vector_load %arg14[%get3A_408, %get3A_409] {strides = array<i32>} : memref<128x128xf32, #tpu.memory_space<vmem>>, vector<1x16xf32>,
      %get3A_411 = vector.shape_cast %get3A_410 : vector<1x16xf32> to vector<16xf32>
      %swap3A_412 = arith.index_cast %add3A_389 : i32 to index
      %swap3A_413 = arith.constant 32 : index
      %swap3A_414 = tpu.vector_load %arg18[%swap3A_412, %swap3A_413] {strides = array<i32>} : memref<128x128xf32, #tpu.memory_space<vmem>>, vector<1x16xf32>,
      %swap3A_415 = vector.shape_cast %swap3A_414 : vector<1x16xf32> to vector<16xf32>
      %swap3A_416 = vector.shape_cast %get3A_411 : vector<16xf32> to vector<1x16xf32>
      tpu.vector_store %arg18[%swap3A_412, %swap3A_413], %swap3A_416 {add = true, strides = array<i32>} : memref<128x128xf32, #tpu.memory_space<vmem>>, vector<1x16xf32>,
      %get3A_417 = arith.index_cast %add3A_389 : i32 to index
      %get3A_418 = arith.constant 48 : index
      %get3A_419 = tpu.vector_load %arg14[%get3A_417, %get3A_418] {strides = array<i32>} : memref<128x128xf32, #tpu.memory_space<vmem>>, vector<1x16xf32>,
      %get3A_420 = vector.shape_cast %get3A_419 : vector<1x16xf32> to vector<16xf32>
      %swap3A_421 = arith.index_cast %add3A_389 : i32 to index
      %swap3A_422 = arith.constant 48 : index
      %swap3A_423 = tpu.vector_load %arg18[%swap3A_421, %swap3A_422] {strides = array<i32>} : memref<128x128xf32, #tpu.memory_space<vmem>>, vector<1x16xf32>,
      %swap3A_424 = vector.shape_cast %swap3A_423 : vector<1x16xf32> to vector<16xf32>
      %swap3A_425 = vector.shape_cast %get3A_420 : vector<16xf32> to vector<1x16xf32>
      tpu.vector_store %arg18[%swap3A_421, %swap3A_422], %swap3A_425 {add = true, strides = array<i32>} : memref<128x128xf32, #tpu.memory_space<vmem>>, vector<1x16xf32>,
      %get3A_426 = arith.index_cast %add3A_389 : i32 to index
      %get3A_427 = arith.constant 64 : index
      %get3A_428 = tpu.vector_load %arg14[%get3A_426, %get3A_427] {strides = array<i32>} : memref<128x128xf32, #tpu.memory_space<vmem>>, vector<1x16xf32>,
      %get3A_429 = vector.shape_cast %get3A_428 : vector<1x16xf32> to vector<16xf32>
      %swap3A_430 = arith.index_cast %add3A_389 : i32 to index
      %swap3A_431 = arith.constant 64 : index
      %swap3A_432 = tpu.vector_load %arg18[%swap3A_430, %swap3A_431] {strides = array<i32>} : memref<128x128xf32, #tpu.memory_space<vmem>>, vector<1x16xf32>,
      %swap3A_433 = vector.shape_cast %swap3A_432 : vector<1x16xf32> to vector<16xf32>
      %swap3A_434 = vector.shape_cast %get3A_429 : vector<16xf32> to vector<1x16xf32>
      tpu.vector_store %arg18[%swap3A_430, %swap3A_431], %swap3A_434 {add = true, strides = array<i32>} : memref<128x128xf32, #tpu.memory_space<vmem>>, vector<1x16xf32>,
      %get3A_435 = arith.index_cast %add3A_389 : i32 to index
      %get3A_436 = arith.constant 80 : index
      %get3A_437 = tpu.vector_load %arg14[%get3A_435, %get3A_436] {strides = array<i32>} : memref<128x128xf32, #tpu.memory_space<vmem>>, vector<1x16xf32>,
      %get3A_438 = vector.shape_cast %get3A_437 : vector<1x16xf32> to vector<16xf32>
      %swap3A_439 = arith.index_cast %add3A_389 : i32 to index
      %swap3A_440 = arith.constant 80 : index
      %swap3A_441 = tpu.vector_load %arg18[%swap3A_439, %swap3A_440] {strides = array<i32>} : memref<128x128xf32, #tpu.memory_space<vmem>>, vector<1x16xf32>,
      %swap3A_442 = vector.shape_cast %swap3A_441 : vector<1x16xf32> to vector<16xf32>
      %swap3A_443 = vector.shape_cast %get3A_438 : vector<16xf32> to vector<1x16xf32>
      tpu.vector_store %arg18[%swap3A_439, %swap3A_440], %swap3A_443 {add = true, strides = array<i32>} : memref<128x128xf32, #tpu.memory_space<vmem>>, vector<1x16xf32>,
      %get3A_444 = arith.index_cast %add3A_389 : i32 to index
      %get3A_445 = arith.constant 96 : index
      %get3A_446 = tpu.vector_load %arg14[%get3A_444, %get3A_445] {strides = array<i32>} : memref<128x128xf32, #tpu.memory_space<vmem>>, vector<1x16xf32>,
      %get3A_447 = vector.shape_cast %get3A_446 : vector<1x16xf32> to vector<16xf32>
      %swap3A_448 = arith.index_cast %add3A_389 : i32 to index
      %swap3A_449 = arith.constant 96 : index
      %swap3A_450 = tpu.vector_load %arg18[%swap3A_448, %swap3A_449] {strides = array<i32>} : memref<128x128xf32, #tpu.memory_space<vmem>>, vector<1x16xf32>,
      %swap3A_451 = vector.shape_cast %swap3A_450 : vector<1x16xf32> to vector<16xf32>
      %swap3A_452 = vector.shape_cast %get3A_447 : vector<16xf32> to vector<1x16xf32>
      tpu.vector_store %arg18[%swap3A_448, %swap3A_449], %swap3A_452 {add = true, strides = array<i32>} : memref<128x128xf32, #tpu.memory_space<vmem>>, vector<1x16xf32>,
      %get3A_453 = arith.index_cast %add3A_389 : i32 to index
      %get3A_454 = arith.constant 112 : index
      %get3A_455 = tpu.vector_load %arg14[%get3A_453, %get3A_454] {strides = array<i32>} : memref<128x128xf32, #tpu.memory_space<vmem>>, vector<1x16xf32>,
      %get3A_456 = vector.shape_cast %get3A_455 : vector<1x16xf32> to vector<16xf32>
      %swap3A_457 = arith.index_cast %add3A_389 : i32 to index
      %swap3A_458 = arith.constant 112 : index
      %swap3A_459 = tpu.vector_load %arg18[%swap3A_457, %swap3A_458] {strides = array<i32>} : memref<128x128xf32, #tpu.memory_space<vmem>>, vector<1x16xf32>,
      %swap3A_460 = vector.shape_cast %swap3A_459 : vector<1x16xf32> to vector<16xf32>
      %swap3A_461 = vector.shape_cast %get3A_456 : vector<16xf32> to vector<1x16xf32>
      tpu.vector_store %arg18[%swap3A_457, %swap3A_458], %swap3A_461 {add = true, strides = array<i32>} : memref<128x128xf32, #tpu.memory_space<vmem>>, vector<1x16xf32>,
    }
    %scan3A_169 = arith.constant 64 : i32
    %add3A_170 = arith.constant 0 : i32
    %add3A_171 = arith.addi %mul3A_2, %add3A_170 : i32
    %add3A_172 = arith.constant 16384 : i32
    %add3A_173 = arith.addi %add3A_172, %add3A_171 : i32
    %dma_start3A_174 = arith.constant 0 : i32
    %dma_start3A_175 = tpu.memref_slice %arg5[%add3A_173, %dma_start3A_174] : memref<32768x128xf32, #tpu.memory_space<hbm>> -> memref<128x128xf32, #tpu.memory_space<hbm>>
    %dma_start3A_176 = arith.constant 0 : i32
    %dma_start3A_177 = tpu.memref_slice %arg5[%add3A_173, %dma_start3A_176] : memref<32768x128xf32, #tpu.memory_space<hbm>> -> memref<128x128xf32, #tpu.memory_space<hbm>>
    tpu.enqueue_dma source(%arg18 : memref<128x128xf32, #tpu.memory_space<vmem>>) target(%dma_start3A_177 : memref<128x128xf32, #tpu.memory_space<hbm>>) target_semaphore(%arg35 : memref<!tpu.dma_semaphore, #tpu.memory_space<semaphore_mem>>)
    %dma_wait3A_178 = arith.constant 0 : i32
    %dma_wait3A_179 = tpu.memref_slice %arg5[%add3A_173, %dma_wait3A_178] : memref<32768x128xf32, #tpu.memory_space<hbm>> -> memref<128x128xf32, #tpu.memory_space<hbm>>
    %dma_wait3A_180 = arith.constant 0 : i32
    %dma_wait3A_181 = tpu.memref_slice %arg5[%add3A_173, %dma_wait3A_180] : memref<32768x128xf32, #tpu.memory_space<hbm>> -> memref<128x128xf32, #tpu.memory_space<hbm>>
    tpu.wait_dma2 semaphore(%arg35 : memref<!tpu.dma_semaphore, #tpu.memory_space<semaphore_mem>>) src(%arg18 : memref<128x128xf32, #tpu.memory_space<vmem>>) dst(%dma_wait3A_181 : memref<128x128xf32, #tpu.memory_space<hbm>>)
    %dma_wait3A_182 = arith.constant 1 : i32
    %dma_wait3A_183 = tpu.memref_slice %arg2[%dma_wait3A_182, %add3A_53] : memref<4x8192xi32, #tpu.memory_space<hbm>> -> memref<1x128xi32, #tpu.memory_space<hbm>>
    %dma_wait3A_184 = tpu.memref_squeeze %dma_wait3A_183 : memref<1x128xi32, #tpu.memory_space<hbm>> -> memref<128xi32, #tpu.memory_space<hbm>>
    %dma_wait3A_185 = tpu.memref_slice %arg2[%dma_wait3A_182, %add3A_53] : memref<4x8192xi32, #tpu.memory_space<hbm>> -> memref<1x128xi32, #tpu.memory_space<hbm>>
    %dma_wait3A_186 = tpu.memref_squeeze %dma_wait3A_185 : memref<1x128xi32, #tpu.memory_space<hbm>> -> memref<128xi32, #tpu.memory_space<hbm>>
    tpu.wait_dma2 semaphore(%arg25 : memref<!tpu.dma_semaphore, #tpu.memory_space<semaphore_mem>>) src(%dma_wait3A_186 : memref<128xi32, #tpu.memory_space<hbm>>) dst(%arg11 : memref<128xi32, #tpu.memory_space<vmem>>)
    %dma_start3A_187 = arith.constant 0 : i32
    %dma_start3A_188 = arith.constant 0 : i32
    %dma_start3A_189 = tpu.memref_slice %arg19[%dma_start3A_187, %dma_start3A_188] : memref<1000x128xf32, #tpu.memory_space<vmem_shared>> -> memref<1000x128xf32, #tpu.memory_space<vmem_shared>>
    tpu.enqueue_indirect_dma source(%dma_start3A_189 : memref<1000x128xf32, #tpu.memory_space<vmem_shared>>) target(%arg18 : memref<128x128xf32, #tpu.memory_space<vmem>>) offsets(%arg11 : memref<128xi32, #tpu.memory_space<vmem>>) semaphore(%arg32 : memref<!tpu.dma_semaphore, #tpu.memory_space<semaphore_mem>>)
    %dma_wait3A_190 = arith.constant 0 : i32
    %dma_wait3A_191 = arith.constant 0 : i32
    %dma_wait3A_192 = tpu.memref_slice %arg19[%dma_wait3A_190, %dma_wait3A_191] : memref<1000x128xf32, #tpu.memory_space<vmem_shared>> -> memref<1000x128xf32, #tpu.memory_space<vmem_shared>>
    tpu.wait_indirect_dma semaphore(%arg30 : memref<!tpu.dma_semaphore, #tpu.memory_space<semaphore_mem>>) src(%dma_wait3A_192 : memref<1000x128xf32, #tpu.memory_space<vmem_shared>>) dst(%arg16 : memref<128x128xf32, #tpu.memory_space<vmem>>)
    %scan3A_193 = arith.constant 0 : i32
    %scan3A_194 = arith.constant 0 : i32
    %scan3A_195 = arith.constant 64 : i32
    %scan3A_196 = arith.addi %scan3A_194, %scan3A_195 : i32
    %scan3A_197 = arith.constant 1 : i32
    scf.for %scan3A_311 = %scan3A_194 to %scan3A_196 step %scan3A_197  : i32 {
      %mul3A_312 = arith.constant 2 : i32
      %mul3A_313 = arith.muli %scan3A_311, %mul3A_312 : i32
      %add3A_314 = arith.constant 0 : i32
      %add3A_315 = arith.addi %mul3A_313, %add3A_314 : i32
      %get3A = arith.index_cast %add3A_315 : i32 to index
      %get3A_316 = arith.constant 0 : index
      %get3A_317 = tpu.vector_load %arg14[%get3A, %get3A_316] {strides = array<i32>} : memref<128x128xf32, #tpu.memory_space<vmem>>, vector<1x16xf32>,
      %get3A_318 = vector.shape_cast %get3A_317 : vector<1x16xf32> to vector<16xf32>
      %swap3A = arith.index_cast %add3A_315 : i32 to index
      %swap3A_319 = arith.constant 0 : index
      %swap3A_320 = tpu.vector_load %arg16[%swap3A, %swap3A_319] {strides = array<i32>} : memref<128x128xf32, #tpu.memory_space<vmem>>, vector<1x16xf32>,
      %swap3A_321 = vector.shape_cast %swap3A_320 : vector<1x16xf32> to vector<16xf32>
      %swap3A_322 = vector.shape_cast %get3A_318 : vector<16xf32> to vector<1x16xf32>
      tpu.vector_store %arg16[%swap3A, %swap3A_319], %swap3A_322 {add = true, strides = array<i32>} : memref<128x128xf32, #tpu.memory_space<vmem>>, vector<1x16xf32>,
      %get3A_323 = arith.index_cast %add3A_315 : i32 to index
      %get3A_324 = arith.constant 16 : index
      %get3A_325 = tpu.vector_load %arg14[%get3A_323, %get3A_324] {strides = array<i32>} : memref<128x128xf32, #tpu.memory_space<vmem>>, vector<1x16xf32>,
      %get3A_326 = vector.shape_cast %get3A_325 : vector<1x16xf32> to vector<16xf32>
      %swap3A_327 = arith.index_cast %add3A_315 : i32 to index
      %swap3A_328 = arith.constant 16 : index
      %swap3A_329 = tpu.vector_load %arg16[%swap3A_327, %swap3A_328] {strides = array<i32>} : memref<128x128xf32, #tpu.memory_space<vmem>>, vector<1x16xf32>,
      %swap3A_330 = vector.shape_cast %swap3A_329 : vector<1x16xf32> to vector<16xf32>
      %swap3A_331 = vector.shape_cast %get3A_326 : vector<16xf32> to vector<1x16xf32>
      tpu.vector_store %arg16[%swap3A_327, %swap3A_328], %swap3A_331 {add = true, strides = array<i32>} : memref<128x128xf32, #tpu.memory_space<vmem>>, vector<1x16xf32>,
      %get3A_332 = arith.index_cast %add3A_315 : i32 to index
      %get3A_333 = arith.constant 32 : index
      %get3A_334 = tpu.vector_load %arg14[%get3A_332, %get3A_333] {strides = array<i32>} : memref<128x128xf32, #tpu.memory_space<vmem>>, vector<1x16xf32>,
      %get3A_335 = vector.shape_cast %get3A_334 : vector<1x16xf32> to vector<16xf32>
      %swap3A_336 = arith.index_cast %add3A_315 : i32 to index
      %swap3A_337 = arith.constant 32 : index
      %swap3A_338 = tpu.vector_load %arg16[%swap3A_336, %swap3A_337] {strides = array<i32>} : memref<128x128xf32, #tpu.memory_space<vmem>>, vector<1x16xf32>,
      %swap3A_339 = vector.shape_cast %swap3A_338 : vector<1x16xf32> to vector<16xf32>
      %swap3A_340 = vector.shape_cast %get3A_335 : vector<16xf32> to vector<1x16xf32>
      tpu.vector_store %arg16[%swap3A_336, %swap3A_337], %swap3A_340 {add = true, strides = array<i32>} : memref<128x128xf32, #tpu.memory_space<vmem>>, vector<1x16xf32>,
      %get3A_341 = arith.index_cast %add3A_315 : i32 to index
      %get3A_342 = arith.constant 48 : index
      %get3A_343 = tpu.vector_load %arg14[%get3A_341, %get3A_342] {strides = array<i32>} : memref<128x128xf32, #tpu.memory_space<vmem>>, vector<1x16xf32>,
      %get3A_344 = vector.shape_cast %get3A_343 : vector<1x16xf32> to vector<16xf32>
      %swap3A_345 = arith.index_cast %add3A_315 : i32 to index
      %swap3A_346 = arith.constant 48 : index
      %swap3A_347 = tpu.vector_load %arg16[%swap3A_345, %swap3A_346] {strides = array<i32>} : memref<128x128xf32, #tpu.memory_space<vmem>>, vector<1x16xf32>,
      %swap3A_348 = vector.shape_cast %swap3A_347 : vector<1x16xf32> to vector<16xf32>
      %swap3A_349 = vector.shape_cast %get3A_344 : vector<16xf32> to vector<1x16xf32>
      tpu.vector_store %arg16[%swap3A_345, %swap3A_346], %swap3A_349 {add = true, strides = array<i32>} : memref<128x128xf32, #tpu.memory_space<vmem>>, vector<1x16xf32>,
      %get3A_350 = arith.index_cast %add3A_315 : i32 to index
      %get3A_351 = arith.constant 64 : index
      %get3A_352 = tpu.vector_load %arg14[%get3A_350, %get3A_351] {strides = array<i32>} : memref<128x128xf32, #tpu.memory_space<vmem>>, vector<1x16xf32>,
      %get3A_353 = vector.shape_cast %get3A_352 : vector<1x16xf32> to vector<16xf32>
      %swap3A_354 = arith.index_cast %add3A_315 : i32 to index
      %swap3A_355 = arith.constant 64 : index
      %swap3A_356 = tpu.vector_load %arg16[%swap3A_354, %swap3A_355] {strides = array<i32>} : memref<128x128xf32, #tpu.memory_space<vmem>>, vector<1x16xf32>,
      %swap3A_357 = vector.shape_cast %swap3A_356 : vector<1x16xf32> to vector<16xf32>
      %swap3A_358 = vector.shape_cast %get3A_353 : vector<16xf32> to vector<1x16xf32>
      tpu.vector_store %arg16[%swap3A_354, %swap3A_355], %swap3A_358 {add = true, strides = array<i32>} : memref<128x128xf32, #tpu.memory_space<vmem>>, vector<1x16xf32>,
      %get3A_359 = arith.index_cast %add3A_315 : i32 to index
      %get3A_360 = arith.constant 80 : index
      %get3A_361 = tpu.vector_load %arg14[%get3A_359, %get3A_360] {strides = array<i32>} : memref<128x128xf32, #tpu.memory_space<vmem>>, vector<1x16xf32>,
      %get3A_362 = vector.shape_cast %get3A_361 : vector<1x16xf32> to vector<16xf32>
      %swap3A_363 = arith.index_cast %add3A_315 : i32 to index
      %swap3A_364 = arith.constant 80 : index
      %swap3A_365 = tpu.vector_load %arg16[%swap3A_363, %swap3A_364] {strides = array<i32>} : memref<128x128xf32, #tpu.memory_space<vmem>>, vector<1x16xf32>,
      %swap3A_366 = vector.shape_cast %swap3A_365 : vector<1x16xf32> to vector<16xf32>
      %swap3A_367 = vector.shape_cast %get3A_362 : vector<16xf32> to vector<1x16xf32>
      tpu.vector_store %arg16[%swap3A_363, %swap3A_364], %swap3A_367 {add = true, strides = array<i32>} : memref<128x128xf32, #tpu.memory_space<vmem>>, vector<1x16xf32>,
      %get3A_368 = arith.index_cast %add3A_315 : i32 to index
      %get3A_369 = arith.constant 96 : index
      %get3A_370 = tpu.vector_load %arg14[%get3A_368, %get3A_369] {strides = array<i32>} : memref<128x128xf32, #tpu.memory_space<vmem>>, vector<1x16xf32>,
      %get3A_371 = vector.shape_cast %get3A_370 : vector<1x16xf32> to vector<16xf32>
      %swap3A_372 = arith.index_cast %add3A_315 : i32 to index
      %swap3A_373 = arith.constant 96 : index
      %swap3A_374 = tpu.vector_load %arg16[%swap3A_372, %swap3A_373] {strides = array<i32>} : memref<128x128xf32, #tpu.memory_space<vmem>>, vector<1x16xf32>,
      %swap3A_375 = vector.shape_cast %swap3A_374 : vector<1x16xf32> to vector<16xf32>
      %swap3A_376 = vector.shape_cast %get3A_371 : vector<16xf32> to vector<1x16xf32>
      tpu.vector_store %arg16[%swap3A_372, %swap3A_373], %swap3A_376 {add = true, strides = array<i32>} : memref<128x128xf32, #tpu.memory_space<vmem>>, vector<1x16xf32>,
      %get3A_377 = arith.index_cast %add3A_315 : i32 to index
      %get3A_378 = arith.constant 112 : index
      %get3A_379 = tpu.vector_load %arg14[%get3A_377, %get3A_378] {strides = array<i32>} : memref<128x128xf32, #tpu.memory_space<vmem>>, vector<1x16xf32>,
      %get3A_380 = vector.shape_cast %get3A_379 : vector<1x16xf32> to vector<16xf32>
      %swap3A_381 = arith.index_cast %add3A_315 : i32 to index
      %swap3A_382 = arith.constant 112 : index
      %swap3A_383 = tpu.vector_load %arg16[%swap3A_381, %swap3A_382] {strides = array<i32>} : memref<128x128xf32, #tpu.memory_space<vmem>>, vector<1x16xf32>,
      %swap3A_384 = vector.shape_cast %swap3A_383 : vector<1x16xf32> to vector<16xf32>
      %swap3A_385 = vector.shape_cast %get3A_380 : vector<16xf32> to vector<1x16xf32>
      tpu.vector_store %arg16[%swap3A_381, %swap3A_382], %swap3A_385 {add = true, strides = array<i32>} : memref<128x128xf32, #tpu.memory_space<vmem>>, vector<1x16xf32>,
      %mul3A_386 = arith.constant 2 : i32
      %mul3A_387 = arith.muli %scan3A_311, %mul3A_386 : i32
      %add3A_388 = arith.constant 1 : i32
      %add3A_389 = arith.addi %mul3A_387, %add3A_388 : i32
      %get3A_390 = arith.index_cast %add3A_389 : i32 to index
      %get3A_391 = arith.constant 0 : index
      %get3A_392 = tpu.vector_load %arg14[%get3A_390, %get3A_391] {strides = array<i32>} : memref<128x128xf32, #tpu.memory_space<vmem>>, vector<1x16xf32>,
      %get3A_393 = vector.shape_cast %get3A_392 : vector<1x16xf32> to vector<16xf32>
      %swap3A_394 = arith.index_cast %add3A_389 : i32 to index
      %swap3A_395 = arith.constant 0 : index
      %swap3A_396 = tpu.vector_load %arg16[%swap3A_394, %swap3A_395] {strides = array<i32>} : memref<128x128xf32, #tpu.memory_space<vmem>>, vector<1x16xf32>,
      %swap3A_397 = vector.shape_cast %swap3A_396 : vector<1x16xf32> to vector<16xf32>
      %swap3A_398 = vector.shape_cast %get3A_393 : vector<16xf32> to vector<1x16xf32>
      tpu.vector_store %arg16[%swap3A_394, %swap3A_395], %swap3A_398 {add = true, strides = array<i32>} : memref<128x128xf32, #tpu.memory_space<vmem>>, vector<1x16xf32>,
      %get3A_399 = arith.index_cast %add3A_389 : i32 to index
      %get3A_400 = arith.constant 16 : index
      %get3A_401 = tpu.vector_load %arg14[%get3A_399, %get3A_400] {strides = array<i32>} : memref<128x128xf32, #tpu.memory_space<vmem>>, vector<1x16xf32>,
      %get3A_402 = vector.shape_cast %get3A_401 : vector<1x16xf32> to vector<16xf32>
      %swap3A_403 = arith.index_cast %add3A_389 : i32 to index
      %swap3A_404 = arith.constant 16 : index
      %swap3A_405 = tpu.vector_load %arg16[%swap3A_403, %swap3A_404] {strides = array<i32>} : memref<128x128xf32, #tpu.memory_space<vmem>>, vector<1x16xf32>,
      %swap3A_406 = vector.shape_cast %swap3A_405 : vector<1x16xf32> to vector<16xf32>
      %swap3A_407 = vector.shape_cast %get3A_402 : vector<16xf32> to vector<1x16xf32>
      tpu.vector_store %arg16[%swap3A_403, %swap3A_404], %swap3A_407 {add = true, strides = array<i32>} : memref<128x128xf32, #tpu.memory_space<vmem>>, vector<1x16xf32>,
      %get3A_408 = arith.index_cast %add3A_389 : i32 to index
      %get3A_409 = arith.constant 32 : index
      %get3A_410 = tpu.vector_load %arg14[%get3A_408, %get3A_409] {strides = array<i32>} : memref<128x128xf32, #tpu.memory_space<vmem>>, vector<1x16xf32>,
      %get3A_411 = vector.shape_cast %get3A_410 : vector<1x16xf32> to vector<16xf32>
      %swap3A_412 = arith.index_cast %add3A_389 : i32 to index
      %swap3A_413 = arith.constant 32 : index
      %swap3A_414 = tpu.vector_load %arg16[%swap3A_412, %swap3A_413] {strides = array<i32>} : memref<128x128xf32, #tpu.memory_space<vmem>>, vector<1x16xf32>,
      %swap3A_415 = vector.shape_cast %swap3A_414 : vector<1x16xf32> to vector<16xf32>
      %swap3A_416 = vector.shape_cast %get3A_411 : vector<16xf32> to vector<1x16xf32>
      tpu.vector_store %arg16[%swap3A_412, %swap3A_413], %swap3A_416 {add = true, strides = array<i32>} : memref<128x128xf32, #tpu.memory_space<vmem>>, vector<1x16xf32>,
      %get3A_417 = arith.index_cast %add3A_389 : i32 to index
      %get3A_418 = arith.constant 48 : index
      %get3A_419 = tpu.vector_load %arg14[%get3A_417, %get3A_418] {strides = array<i32>} : memref<128x128xf32, #tpu.memory_space<vmem>>, vector<1x16xf32>,
      %get3A_420 = vector.shape_cast %get3A_419 : vector<1x16xf32> to vector<16xf32>
      %swap3A_421 = arith.index_cast %add3A_389 : i32 to index
      %swap3A_422 = arith.constant 48 : index
      %swap3A_423 = tpu.vector_load %arg16[%swap3A_421, %swap3A_422] {strides = array<i32>} : memref<128x128xf32, #tpu.memory_space<vmem>>, vector<1x16xf32>,
      %swap3A_424 = vector.shape_cast %swap3A_423 : vector<1x16xf32> to vector<16xf32>
      %swap3A_425 = vector.shape_cast %get3A_420 : vector<16xf32> to vector<1x16xf32>
      tpu.vector_store %arg16[%swap3A_421, %swap3A_422], %swap3A_425 {add = true, strides = array<i32>} : memref<128x128xf32, #tpu.memory_space<vmem>>, vector<1x16xf32>,
      %get3A_426 = arith.index_cast %add3A_389 : i32 to index
      %get3A_427 = arith.constant 64 : index
      %get3A_428 = tpu.vector_load %arg14[%get3A_426, %get3A_427] {strides = array<i32>} : memref<128x128xf32, #tpu.memory_space<vmem>>, vector<1x16xf32>,
      %get3A_429 = vector.shape_cast %get3A_428 : vector<1x16xf32> to vector<16xf32>
      %swap3A_430 = arith.index_cast %add3A_389 : i32 to index
      %swap3A_431 = arith.constant 64 : index
      %swap3A_432 = tpu.vector_load %arg16[%swap3A_430, %swap3A_431] {strides = array<i32>} : memref<128x128xf32, #tpu.memory_space<vmem>>, vector<1x16xf32>,
      %swap3A_433 = vector.shape_cast %swap3A_432 : vector<1x16xf32> to vector<16xf32>
      %swap3A_434 = vector.shape_cast %get3A_429 : vector<16xf32> to vector<1x16xf32>
      tpu.vector_store %arg16[%swap3A_430, %swap3A_431], %swap3A_434 {add = true, strides = array<i32>} : memref<128x128xf32, #tpu.memory_space<vmem>>, vector<1x16xf32>,
      %get3A_435 = arith.index_cast %add3A_389 : i32 to index
      %get3A_436 = arith.constant 80 : index
      %get3A_437 = tpu.vector_load %arg14[%get3A_435, %get3A_436] {strides = array<i32>} : memref<128x128xf32, #tpu.memory_space<vmem>>, vector<1x16xf32>,
      %get3A_438 = vector.shape_cast %get3A_437 : vector<1x16xf32> to vector<16xf32>
      %swap3A_439 = arith.index_cast %add3A_389 : i32 to index
      %swap3A_440 = arith.constant 80 : index
      %swap3A_441 = tpu.vector_load %arg16[%swap3A_439, %swap3A_440] {strides = array<i32>} : memref<128x128xf32, #tpu.memory_space<vmem>>, vector<1x16xf32>,
      %swap3A_442 = vector.shape_cast %swap3A_441 : vector<1x16xf32> to vector<16xf32>
      %swap3A_443 = vector.shape_cast %get3A_438 : vector<16xf32> to vector<1x16xf32>
      tpu.vector_store %arg16[%swap3A_439, %swap3A_440], %swap3A_443 {add = true, strides = array<i32>} : memref<128x128xf32, #tpu.memory_space<vmem>>, vector<1x16xf32>,
      %get3A_444 = arith.index_cast %add3A_389 : i32 to index
      %get3A_445 = arith.constant 96 : index
      %get3A_446 = tpu.vector_load %arg14[%get3A_444, %get3A_445] {strides = array<i32>} : memref<128x128xf32, #tpu.memory_space<vmem>>, vector<1x16xf32>,
      %get3A_447 = vector.shape_cast %get3A_446 : vector<1x16xf32> to vector<16xf32>
      %swap3A_448 = arith.index_cast %add3A_389 : i32 to index
      %swap3A_449 = arith.constant 96 : index
      %swap3A_450 = tpu.vector_load %arg16[%swap3A_448, %swap3A_449] {strides = array<i32>} : memref<128x128xf32, #tpu.memory_space<vmem>>, vector<1x16xf32>,
      %swap3A_451 = vector.shape_cast %swap3A_450 : vector<1x16xf32> to vector<16xf32>
      %swap3A_452 = vector.shape_cast %get3A_447 : vector<16xf32> to vector<1x16xf32>
      tpu.vector_store %arg16[%swap3A_448, %swap3A_449], %swap3A_452 {add = true, strides = array<i32>} : memref<128x128xf32, #tpu.memory_space<vmem>>, vector<1x16xf32>,
      %get3A_453 = arith.index_cast %add3A_389 : i32 to index
      %get3A_454 = arith.constant 112 : index
      %get3A_455 = tpu.vector_load %arg14[%get3A_453, %get3A_454] {strides = array<i32>} : memref<128x128xf32, #tpu.memory_space<vmem>>, vector<1x16xf32>,
      %get3A_456 = vector.shape_cast %get3A_455 : vector<1x16xf32> to vector<16xf32>
      %swap3A_457 = arith.index_cast %add3A_389 : i32 to index
      %swap3A_458 = arith.constant 112 : index
      %swap3A_459 = tpu.vector_load %arg16[%swap3A_457, %swap3A_458] {strides = array<i32>} : memref<128x128xf32, #tpu.memory_space<vmem>>, vector<1x16xf32>,
      %swap3A_460 = vector.shape_cast %swap3A_459 : vector<1x16xf32> to vector<16xf32>
      %swap3A_461 = vector.shape_cast %get3A_456 : vector<16xf32> to vector<1x16xf32>
      tpu.vector_store %arg16[%swap3A_457, %swap3A_458], %swap3A_461 {add = true, strides = array<i32>} : memref<128x128xf32, #tpu.memory_space<vmem>>, vector<1x16xf32>,
    }
    %scan3A_198 = arith.constant 64 : i32
    %add3A_199 = arith.constant 0 : i32
    %add3A_200 = arith.addi %mul3A_2, %add3A_199 : i32
    %add3A_201 = arith.constant 24576 : i32
    %add3A_202 = arith.addi %add3A_201, %add3A_200 : i32
    %dma_start3A_203 = arith.constant 0 : i32
    %dma_start3A_204 = tpu.memref_slice %arg5[%add3A_202, %dma_start3A_203] : memref<32768x128xf32, #tpu.memory_space<hbm>> -> memref<128x128xf32, #tpu.memory_space<hbm>>
    %dma_start3A_205 = arith.constant 0 : i32
    %dma_start3A_206 = tpu.memref_slice %arg5[%add3A_202, %dma_start3A_205] : memref<32768x128xf32, #tpu.memory_space<hbm>> -> memref<128x128xf32, #tpu.memory_space<hbm>>
    tpu.enqueue_dma source(%arg16 : memref<128x128xf32, #tpu.memory_space<vmem>>) target(%dma_start3A_206 : memref<128x128xf32, #tpu.memory_space<hbm>>) target_semaphore(%arg33 : memref<!tpu.dma_semaphore, #tpu.memory_space<semaphore_mem>>)
    %dma_wait3A_207 = arith.constant 0 : i32
    %dma_wait3A_208 = tpu.memref_slice %arg5[%add3A_202, %dma_wait3A_207] : memref<32768x128xf32, #tpu.memory_space<hbm>> -> memref<128x128xf32, #tpu.memory_space<hbm>>
    %dma_wait3A_209 = arith.constant 0 : i32
    %dma_wait3A_210 = tpu.memref_slice %arg5[%add3A_202, %dma_wait3A_209] : memref<32768x128xf32, #tpu.memory_space<hbm>> -> memref<128x128xf32, #tpu.memory_space<hbm>>
    tpu.wait_dma2 semaphore(%arg33 : memref<!tpu.dma_semaphore, #tpu.memory_space<semaphore_mem>>) src(%arg16 : memref<128x128xf32, #tpu.memory_space<vmem>>) dst(%dma_wait3A_210 : memref<128x128xf32, #tpu.memory_space<hbm>>)
    %dma_wait3A_211 = arith.constant 2 : i32
    %dma_wait3A_212 = tpu.memref_slice %arg2[%dma_wait3A_211, %add3A_60] : memref<4x8192xi32, #tpu.memory_space<hbm>> -> memref<1x128xi32, #tpu.memory_space<hbm>>
    %dma_wait3A_213 = tpu.memref_squeeze %dma_wait3A_212 : memref<1x128xi32, #tpu.memory_space<hbm>> -> memref<128xi32, #tpu.memory_space<hbm>>
    %dma_wait3A_214 = tpu.memref_slice %arg2[%dma_wait3A_211, %add3A_60] : memref<4x8192xi32, #tpu.memory_space<hbm>> -> memref<1x128xi32, #tpu.memory_space<hbm>>
    %dma_wait3A_215 = tpu.memref_squeeze %dma_wait3A_214 : memref<1x128xi32, #tpu.memory_space<hbm>> -> memref<128xi32, #tpu.memory_space<hbm>>
    tpu.wait_dma2 semaphore(%arg26 : memref<!tpu.dma_semaphore, #tpu.memory_space<semaphore_mem>>) src(%dma_wait3A_215 : memref<128xi32, #tpu.memory_space<hbm>>) dst(%arg12 : memref<128xi32, #tpu.memory_space<vmem>>)
    %dma_start3A_216 = arith.constant 0 : i32
    %dma_start3A_217 = arith.constant 0 : i32
    %dma_start3A_218 = tpu.memref_slice %arg19[%dma_start3A_216, %dma_start3A_217] : memref<1000x128xf32, #tpu.memory_space<vmem_shared>> -> memref<1000x128xf32, #tpu.memory_space<vmem_shared>>
    tpu.enqueue_indirect_dma source(%dma_start3A_218 : memref<1000x128xf32, #tpu.memory_space<vmem_shared>>) target(%arg16 : memref<128x128xf32, #tpu.memory_space<vmem>>) offsets(%arg12 : memref<128xi32, #tpu.memory_space<vmem>>) semaphore(%arg30 : memref<!tpu.dma_semaphore, #tpu.memory_space<semaphore_mem>>)
    %dma_wait3A_219 = arith.constant 0 : i32
    %dma_wait3A_220 = arith.constant 0 : i32
    %dma_wait3A_221 = tpu.memref_slice %arg19[%dma_wait3A_219, %dma_wait3A_220] : memref<1000x128xf32, #tpu.memory_space<vmem_shared>> -> memref<1000x128xf32, #tpu.memory_space<vmem_shared>>
    tpu.wait_indirect_dma semaphore(%arg31 : memref<!tpu.dma_semaphore, #tpu.memory_space<semaphore_mem>>) src(%dma_wait3A_221 : memref<1000x128xf32, #tpu.memory_space<vmem_shared>>) dst(%arg17 : memref<128x128xf32, #tpu.memory_space<vmem>>)
    %scan3A_222 = arith.constant 0 : i32
    %scan3A_223 = arith.constant 0 : i32
    %scan3A_224 = arith.constant 64 : i32
    %scan3A_225 = arith.addi %scan3A_223, %scan3A_224 : i32
    %scan3A_226 = arith.constant 1 : i32
    scf.for %scan3A_311 = %scan3A_223 to %scan3A_225 step %scan3A_226  : i32 {
      %mul3A_312 = arith.constant 2 : i32
      %mul3A_313 = arith.muli %scan3A_311, %mul3A_312 : i32
      %add3A_314 = arith.constant 0 : i32
      %add3A_315 = arith.addi %mul3A_313, %add3A_314 : i32
      %get3A = arith.index_cast %add3A_315 : i32 to index
      %get3A_316 = arith.constant 0 : index
      %get3A_317 = tpu.vector_load %arg15[%get3A, %get3A_316] {strides = array<i32>} : memref<128x128xf32, #tpu.memory_space<vmem>>, vector<1x16xf32>,
      %get3A_318 = vector.shape_cast %get3A_317 : vector<1x16xf32> to vector<16xf32>
      %swap3A = arith.index_cast %add3A_315 : i32 to index
      %swap3A_319 = arith.constant 0 : index
      %swap3A_320 = tpu.vector_load %arg17[%swap3A, %swap3A_319] {strides = array<i32>} : memref<128x128xf32, #tpu.memory_space<vmem>>, vector<1x16xf32>,
      %swap3A_321 = vector.shape_cast %swap3A_320 : vector<1x16xf32> to vector<16xf32>
      %swap3A_322 = vector.shape_cast %get3A_318 : vector<16xf32> to vector<1x16xf32>
      tpu.vector_store %arg17[%swap3A, %swap3A_319], %swap3A_322 {add = true, strides = array<i32>} : memref<128x128xf32, #tpu.memory_space<vmem>>, vector<1x16xf32>,
      %get3A_323 = arith.index_cast %add3A_315 : i32 to index
      %get3A_324 = arith.constant 16 : index
      %get3A_325 = tpu.vector_load %arg15[%get3A_323, %get3A_324] {strides = array<i32>} : memref<128x128xf32, #tpu.memory_space<vmem>>, vector<1x16xf32>,
      %get3A_326 = vector.shape_cast %get3A_325 : vector<1x16xf32> to vector<16xf32>
      %swap3A_327 = arith.index_cast %add3A_315 : i32 to index
      %swap3A_328 = arith.constant 16 : index
      %swap3A_329 = tpu.vector_load %arg17[%swap3A_327, %swap3A_328] {strides = array<i32>} : memref<128x128xf32, #tpu.memory_space<vmem>>, vector<1x16xf32>,
      %swap3A_330 = vector.shape_cast %swap3A_329 : vector<1x16xf32> to vector<16xf32>
      %swap3A_331 = vector.shape_cast %get3A_326 : vector<16xf32> to vector<1x16xf32>
      tpu.vector_store %arg17[%swap3A_327, %swap3A_328], %swap3A_331 {add = true, strides = array<i32>} : memref<128x128xf32, #tpu.memory_space<vmem>>, vector<1x16xf32>,
      %get3A_332 = arith.index_cast %add3A_315 : i32 to index
      %get3A_333 = arith.constant 32 : index
      %get3A_334 = tpu.vector_load %arg15[%get3A_332, %get3A_333] {strides = array<i32>} : memref<128x128xf32, #tpu.memory_space<vmem>>, vector<1x16xf32>,
      %get3A_335 = vector.shape_cast %get3A_334 : vector<1x16xf32> to vector<16xf32>
      %swap3A_336 = arith.index_cast %add3A_315 : i32 to index
      %swap3A_337 = arith.constant 32 : index
      %swap3A_338 = tpu.vector_load %arg17[%swap3A_336, %swap3A_337] {strides = array<i32>} : memref<128x128xf32, #tpu.memory_space<vmem>>, vector<1x16xf32>,
      %swap3A_339 = vector.shape_cast %swap3A_338 : vector<1x16xf32> to vector<16xf32>
      %swap3A_340 = vector.shape_cast %get3A_335 : vector<16xf32> to vector<1x16xf32>
      tpu.vector_store %arg17[%swap3A_336, %swap3A_337], %swap3A_340 {add = true, strides = array<i32>} : memref<128x128xf32, #tpu.memory_space<vmem>>, vector<1x16xf32>,
      %get3A_341 = arith.index_cast %add3A_315 : i32 to index
      %get3A_342 = arith.constant 48 : index
      %get3A_343 = tpu.vector_load %arg15[%get3A_341, %get3A_342] {strides = array<i32>} : memref<128x128xf32, #tpu.memory_space<vmem>>, vector<1x16xf32>,
      %get3A_344 = vector.shape_cast %get3A_343 : vector<1x16xf32> to vector<16xf32>
      %swap3A_345 = arith.index_cast %add3A_315 : i32 to index
      %swap3A_346 = arith.constant 48 : index
      %swap3A_347 = tpu.vector_load %arg17[%swap3A_345, %swap3A_346] {strides = array<i32>} : memref<128x128xf32, #tpu.memory_space<vmem>>, vector<1x16xf32>,
      %swap3A_348 = vector.shape_cast %swap3A_347 : vector<1x16xf32> to vector<16xf32>
      %swap3A_349 = vector.shape_cast %get3A_344 : vector<16xf32> to vector<1x16xf32>
      tpu.vector_store %arg17[%swap3A_345, %swap3A_346], %swap3A_349 {add = true, strides = array<i32>} : memref<128x128xf32, #tpu.memory_space<vmem>>, vector<1x16xf32>,
      %get3A_350 = arith.index_cast %add3A_315 : i32 to index
      %get3A_351 = arith.constant 64 : index
      %get3A_352 = tpu.vector_load %arg15[%get3A_350, %get3A_351] {strides = array<i32>} : memref<128x128xf32, #tpu.memory_space<vmem>>, vector<1x16xf32>,
      %get3A_353 = vector.shape_cast %get3A_352 : vector<1x16xf32> to vector<16xf32>
      %swap3A_354 = arith.index_cast %add3A_315 : i32 to index
      %swap3A_355 = arith.constant 64 : index
      %swap3A_356 = tpu.vector_load %arg17[%swap3A_354, %swap3A_355] {strides = array<i32>} : memref<128x128xf32, #tpu.memory_space<vmem>>, vector<1x16xf32>,
      %swap3A_357 = vector.shape_cast %swap3A_356 : vector<1x16xf32> to vector<16xf32>
      %swap3A_358 = vector.shape_cast %get3A_353 : vector<16xf32> to vector<1x16xf32>
      tpu.vector_store %arg17[%swap3A_354, %swap3A_355], %swap3A_358 {add = true, strides = array<i32>} : memref<128x128xf32, #tpu.memory_space<vmem>>, vector<1x16xf32>,
      %get3A_359 = arith.index_cast %add3A_315 : i32 to index
      %get3A_360 = arith.constant 80 : index
      %get3A_361 = tpu.vector_load %arg15[%get3A_359, %get3A_360] {strides = array<i32>} : memref<128x128xf32, #tpu.memory_space<vmem>>, vector<1x16xf32>,
      %get3A_362 = vector.shape_cast %get3A_361 : vector<1x16xf32> to vector<16xf32>
      %swap3A_363 = arith.index_cast %add3A_315 : i32 to index
      %swap3A_364 = arith.constant 80 : index
      %swap3A_365 = tpu.vector_load %arg17[%swap3A_363, %swap3A_364] {strides = array<i32>} : memref<128x128xf32, #tpu.memory_space<vmem>>, vector<1x16xf32>,
      %swap3A_366 = vector.shape_cast %swap3A_365 : vector<1x16xf32> to vector<16xf32>
      %swap3A_367 = vector.shape_cast %get3A_362 : vector<16xf32> to vector<1x16xf32>
      tpu.vector_store %arg17[%swap3A_363, %swap3A_364], %swap3A_367 {add = true, strides = array<i32>} : memref<128x128xf32, #tpu.memory_space<vmem>>, vector<1x16xf32>,
      %get3A_368 = arith.index_cast %add3A_315 : i32 to index
      %get3A_369 = arith.constant 96 : index
      %get3A_370 = tpu.vector_load %arg15[%get3A_368, %get3A_369] {strides = array<i32>} : memref<128x128xf32, #tpu.memory_space<vmem>>, vector<1x16xf32>,
      %get3A_371 = vector.shape_cast %get3A_370 : vector<1x16xf32> to vector<16xf32>
      %swap3A_372 = arith.index_cast %add3A_315 : i32 to index
      %swap3A_373 = arith.constant 96 : index
      %swap3A_374 = tpu.vector_load %arg17[%swap3A_372, %swap3A_373] {strides = array<i32>} : memref<128x128xf32, #tpu.memory_space<vmem>>, vector<1x16xf32>,
      %swap3A_375 = vector.shape_cast %swap3A_374 : vector<1x16xf32> to vector<16xf32>
      %swap3A_376 = vector.shape_cast %get3A_371 : vector<16xf32> to vector<1x16xf32>
      tpu.vector_store %arg17[%swap3A_372, %swap3A_373], %swap3A_376 {add = true, strides = array<i32>} : memref<128x128xf32, #tpu.memory_space<vmem>>, vector<1x16xf32>,
      %get3A_377 = arith.index_cast %add3A_315 : i32 to index
      %get3A_378 = arith.constant 112 : index
      %get3A_379 = tpu.vector_load %arg15[%get3A_377, %get3A_378] {strides = array<i32>} : memref<128x128xf32, #tpu.memory_space<vmem>>, vector<1x16xf32>,
      %get3A_380 = vector.shape_cast %get3A_379 : vector<1x16xf32> to vector<16xf32>
      %swap3A_381 = arith.index_cast %add3A_315 : i32 to index
      %swap3A_382 = arith.constant 112 : index
      %swap3A_383 = tpu.vector_load %arg17[%swap3A_381, %swap3A_382] {strides = array<i32>} : memref<128x128xf32, #tpu.memory_space<vmem>>, vector<1x16xf32>,
      %swap3A_384 = vector.shape_cast %swap3A_383 : vector<1x16xf32> to vector<16xf32>
      %swap3A_385 = vector.shape_cast %get3A_380 : vector<16xf32> to vector<1x16xf32>
      tpu.vector_store %arg17[%swap3A_381, %swap3A_382], %swap3A_385 {add = true, strides = array<i32>} : memref<128x128xf32, #tpu.memory_space<vmem>>, vector<1x16xf32>,
      %mul3A_386 = arith.constant 2 : i32
      %mul3A_387 = arith.muli %scan3A_311, %mul3A_386 : i32
      %add3A_388 = arith.constant 1 : i32
      %add3A_389 = arith.addi %mul3A_387, %add3A_388 : i32
      %get3A_390 = arith.index_cast %add3A_389 : i32 to index
      %get3A_391 = arith.constant 0 : index
      %get3A_392 = tpu.vector_load %arg15[%get3A_390, %get3A_391] {strides = array<i32>} : memref<128x128xf32, #tpu.memory_space<vmem>>, vector<1x16xf32>,
      %get3A_393 = vector.shape_cast %get3A_392 : vector<1x16xf32> to vector<16xf32>
      %swap3A_394 = arith.index_cast %add3A_389 : i32 to index
      %swap3A_395 = arith.constant 0 : index
      %swap3A_396 = tpu.vector_load %arg17[%swap3A_394, %swap3A_395] {strides = array<i32>} : memref<128x128xf32, #tpu.memory_space<vmem>>, vector<1x16xf32>,
      %swap3A_397 = vector.shape_cast %swap3A_396 : vector<1x16xf32> to vector<16xf32>
      %swap3A_398 = vector.shape_cast %get3A_393 : vector<16xf32> to vector<1x16xf32>
      tpu.vector_store %arg17[%swap3A_394, %swap3A_395], %swap3A_398 {add = true, strides = array<i32>} : memref<128x128xf32, #tpu.memory_space<vmem>>, vector<1x16xf32>,
      %get3A_399 = arith.index_cast %add3A_389 : i32 to index
      %get3A_400 = arith.constant 16 : index
      %get3A_401 = tpu.vector_load %arg15[%get3A_399, %get3A_400] {strides = array<i32>} : memref<128x128xf32, #tpu.memory_space<vmem>>, vector<1x16xf32>,
      %get3A_402 = vector.shape_cast %get3A_401 : vector<1x16xf32> to vector<16xf32>
      %swap3A_403 = arith.index_cast %add3A_389 : i32 to index
      %swap3A_404 = arith.constant 16 : index
      %swap3A_405 = tpu.vector_load %arg17[%swap3A_403, %swap3A_404] {strides = array<i32>} : memref<128x128xf32, #tpu.memory_space<vmem>>, vector<1x16xf32>,
      %swap3A_406 = vector.shape_cast %swap3A_405 : vector<1x16xf32> to vector<16xf32>
      %swap3A_407 = vector.shape_cast %get3A_402 : vector<16xf32> to vector<1x16xf32>
      tpu.vector_store %arg17[%swap3A_403, %swap3A_404], %swap3A_407 {add = true, strides = array<i32>} : memref<128x128xf32, #tpu.memory_space<vmem>>, vector<1x16xf32>,
      %get3A_408 = arith.index_cast %add3A_389 : i32 to index
      %get3A_409 = arith.constant 32 : index
      %get3A_410 = tpu.vector_load %arg15[%get3A_408, %get3A_409] {strides = array<i32>} : memref<128x128xf32, #tpu.memory_space<vmem>>, vector<1x16xf32>,
      %get3A_411 = vector.shape_cast %get3A_410 : vector<1x16xf32> to vector<16xf32>
      %swap3A_412 = arith.index_cast %add3A_389 : i32 to index
      %swap3A_413 = arith.constant 32 : index
      %swap3A_414 = tpu.vector_load %arg17[%swap3A_412, %swap3A_413] {strides = array<i32>} : memref<128x128xf32, #tpu.memory_space<vmem>>, vector<1x16xf32>,
      %swap3A_415 = vector.shape_cast %swap3A_414 : vector<1x16xf32> to vector<16xf32>
      %swap3A_416 = vector.shape_cast %get3A_411 : vector<16xf32> to vector<1x16xf32>
      tpu.vector_store %arg17[%swap3A_412, %swap3A_413], %swap3A_416 {add = true, strides = array<i32>} : memref<128x128xf32, #tpu.memory_space<vmem>>, vector<1x16xf32>,
      %get3A_417 = arith.index_cast %add3A_389 : i32 to index
      %get3A_418 = arith.constant 48 : index
      %get3A_419 = tpu.vector_load %arg15[%get3A_417, %get3A_418] {strides = array<i32>} : memref<128x128xf32, #tpu.memory_space<vmem>>, vector<1x16xf32>,
      %get3A_420 = vector.shape_cast %get3A_419 : vector<1x16xf32> to vector<16xf32>
      %swap3A_421 = arith.index_cast %add3A_389 : i32 to index
      %swap3A_422 = arith.constant 48 : index
      %swap3A_423 = tpu.vector_load %arg17[%swap3A_421, %swap3A_422] {strides = array<i32>} : memref<128x128xf32, #tpu.memory_space<vmem>>, vector<1x16xf32>,
      %swap3A_424 = vector.shape_cast %swap3A_423 : vector<1x16xf32> to vector<16xf32>
      %swap3A_425 = vector.shape_cast %get3A_420 : vector<16xf32> to vector<1x16xf32>
      tpu.vector_store %arg17[%swap3A_421, %swap3A_422], %swap3A_425 {add = true, strides = array<i32>} : memref<128x128xf32, #tpu.memory_space<vmem>>, vector<1x16xf32>,
      %get3A_426 = arith.index_cast %add3A_389 : i32 to index
      %get3A_427 = arith.constant 64 : index
      %get3A_428 = tpu.vector_load %arg15[%get3A_426, %get3A_427] {strides = array<i32>} : memref<128x128xf32, #tpu.memory_space<vmem>>, vector<1x16xf32>,
      %get3A_429 = vector.shape_cast %get3A_428 : vector<1x16xf32> to vector<16xf32>
      %swap3A_430 = arith.index_cast %add3A_389 : i32 to index
      %swap3A_431 = arith.constant 64 : index
      %swap3A_432 = tpu.vector_load %arg17[%swap3A_430, %swap3A_431] {strides = array<i32>} : memref<128x128xf32, #tpu.memory_space<vmem>>, vector<1x16xf32>,
      %swap3A_433 = vector.shape_cast %swap3A_432 : vector<1x16xf32> to vector<16xf32>
      %swap3A_434 = vector.shape_cast %get3A_429 : vector<16xf32> to vector<1x16xf32>
      tpu.vector_store %arg17[%swap3A_430, %swap3A_431], %swap3A_434 {add = true, strides = array<i32>} : memref<128x128xf32, #tpu.memory_space<vmem>>, vector<1x16xf32>,
      %get3A_435 = arith.index_cast %add3A_389 : i32 to index
      %get3A_436 = arith.constant 80 : index
      %get3A_437 = tpu.vector_load %arg15[%get3A_435, %get3A_436] {strides = array<i32>} : memref<128x128xf32, #tpu.memory_space<vmem>>, vector<1x16xf32>,
      %get3A_438 = vector.shape_cast %get3A_437 : vector<1x16xf32> to vector<16xf32>
      %swap3A_439 = arith.index_cast %add3A_389 : i32 to index
      %swap3A_440 = arith.constant 80 : index
      %swap3A_441 = tpu.vector_load %arg17[%swap3A_439, %swap3A_440] {strides = array<i32>} : memref<128x128xf32, #tpu.memory_space<vmem>>, vector<1x16xf32>,
      %swap3A_442 = vector.shape_cast %swap3A_441 : vector<1x16xf32> to vector<16xf32>
      %swap3A_443 = vector.shape_cast %get3A_438 : vector<16xf32> to vector<1x16xf32>
      tpu.vector_store %arg17[%swap3A_439, %swap3A_440], %swap3A_443 {add = true, strides = array<i32>} : memref<128x128xf32, #tpu.memory_space<vmem>>, vector<1x16xf32>,
      %get3A_444 = arith.index_cast %add3A_389 : i32 to index
      %get3A_445 = arith.constant 96 : index
      %get3A_446 = tpu.vector_load %arg15[%get3A_444, %get3A_445] {strides = array<i32>} : memref<128x128xf32, #tpu.memory_space<vmem>>, vector<1x16xf32>,
      %get3A_447 = vector.shape_cast %get3A_446 : vector<1x16xf32> to vector<16xf32>
      %swap3A_448 = arith.index_cast %add3A_389 : i32 to index
      %swap3A_449 = arith.constant 96 : index
      %swap3A_450 = tpu.vector_load %arg17[%swap3A_448, %swap3A_449] {strides = array<i32>} : memref<128x128xf32, #tpu.memory_space<vmem>>, vector<1x16xf32>,
      %swap3A_451 = vector.shape_cast %swap3A_450 : vector<1x16xf32> to vector<16xf32>
      %swap3A_452 = vector.shape_cast %get3A_447 : vector<16xf32> to vector<1x16xf32>
      tpu.vector_store %arg17[%swap3A_448, %swap3A_449], %swap3A_452 {add = true, strides = array<i32>} : memref<128x128xf32, #tpu.memory_space<vmem>>, vector<1x16xf32>,
      %get3A_453 = arith.index_cast %add3A_389 : i32 to index
      %get3A_454 = arith.constant 112 : index
      %get3A_455 = tpu.vector_load %arg15[%get3A_453, %get3A_454] {strides = array<i32>} : memref<128x128xf32, #tpu.memory_space<vmem>>, vector<1x16xf32>,
      %get3A_456 = vector.shape_cast %get3A_455 : vector<1x16xf32> to vector<16xf32>
      %swap3A_457 = arith.index_cast %add3A_389 : i32 to index
      %swap3A_458 = arith.constant 112 : index
      %swap3A_459 = tpu.vector_load %arg17[%swap3A_457, %swap3A_458] {strides = array<i32>} : memref<128x128xf32, #tpu.memory_space<vmem>>, vector<1x16xf32>,
      %swap3A_460 = vector.shape_cast %swap3A_459 : vector<1x16xf32> to vector<16xf32>
      %swap3A_461 = vector.shape_cast %get3A_456 : vector<16xf32> to vector<1x16xf32>
      tpu.vector_store %arg17[%swap3A_457, %swap3A_458], %swap3A_461 {add = true, strides = array<i32>} : memref<128x128xf32, #tpu.memory_space<vmem>>, vector<1x16xf32>,
    }
    %scan3A_227 = arith.constant 64 : i32
    %add3A_228 = arith.constant 128 : i32
    %add3A_229 = arith.addi %mul3A_2, %add3A_228 : i32
    %add3A_230 = arith.constant 0 : i32
    %add3A_231 = arith.addi %add3A_230, %add3A_229 : i32
    %dma_start3A_232 = arith.constant 0 : i32
    %dma_start3A_233 = tpu.memref_slice %arg5[%add3A_231, %dma_start3A_232] : memref<32768x128xf32, #tpu.memory_space<hbm>> -> memref<128x128xf32, #tpu.memory_space<hbm>>
    %dma_start3A_234 = arith.constant 0 : i32
    %dma_start3A_235 = tpu.memref_slice %arg5[%add3A_231, %dma_start3A_234] : memref<32768x128xf32, #tpu.memory_space<hbm>> -> memref<128x128xf32, #tpu.memory_space<hbm>>
    tpu.enqueue_dma source(%arg17 : memref<128x128xf32, #tpu.memory_space<vmem>>) target(%dma_start3A_235 : memref<128x128xf32, #tpu.memory_space<hbm>>) target_semaphore(%arg34 : memref<!tpu.dma_semaphore, #tpu.memory_space<semaphore_mem>>)
    %dma_wait3A_236 = arith.constant 0 : i32
    %dma_wait3A_237 = tpu.memref_slice %arg5[%add3A_231, %dma_wait3A_236] : memref<32768x128xf32, #tpu.memory_space<hbm>> -> memref<128x128xf32, #tpu.memory_space<hbm>>
    %dma_wait3A_238 = arith.constant 0 : i32
    %dma_wait3A_239 = tpu.memref_slice %arg5[%add3A_231, %dma_wait3A_238] : memref<32768x128xf32, #tpu.memory_space<hbm>> -> memref<128x128xf32, #tpu.memory_space<hbm>>
    tpu.wait_dma2 semaphore(%arg34 : memref<!tpu.dma_semaphore, #tpu.memory_space<semaphore_mem>>) src(%arg17 : memref<128x128xf32, #tpu.memory_space<vmem>>) dst(%dma_wait3A_239 : memref<128x128xf32, #tpu.memory_space<hbm>>)
    %dma_wait3A_240 = arith.constant 3 : i32
    %dma_wait3A_241 = tpu.memref_slice %arg2[%dma_wait3A_240, %add3A_67] : memref<4x8192xi32, #tpu.memory_space<hbm>> -> memref<1x128xi32, #tpu.memory_space<hbm>>
    %dma_wait3A_242 = tpu.memref_squeeze %dma_wait3A_241 : memref<1x128xi32, #tpu.memory_space<hbm>> -> memref<128xi32, #tpu.memory_space<hbm>>
    %dma_wait3A_243 = tpu.memref_slice %arg2[%dma_wait3A_240, %add3A_67] : memref<4x8192xi32, #tpu.memory_space<hbm>> -> memref<1x128xi32, #tpu.memory_space<hbm>>
    %dma_wait3A_244 = tpu.memref_squeeze %dma_wait3A_243 : memref<1x128xi32, #tpu.memory_space<hbm>> -> memref<128xi32, #tpu.memory_space<hbm>>
    tpu.wait_dma2 semaphore(%arg27 : memref<!tpu.dma_semaphore, #tpu.memory_space<semaphore_mem>>) src(%dma_wait3A_244 : memref<128xi32, #tpu.memory_space<hbm>>) dst(%arg13 : memref<128xi32, #tpu.memory_space<vmem>>)
    %dma_start3A_245 = arith.constant 0 : i32
    %dma_start3A_246 = arith.constant 0 : i32
    %dma_start3A_247 = tpu.memref_slice %arg19[%dma_start3A_245, %dma_start3A_246] : memref<1000x128xf32, #tpu.memory_space<vmem_shared>> -> memref<1000x128xf32, #tpu.memory_space<vmem_shared>>
    tpu.enqueue_indirect_dma source(%dma_start3A_247 : memref<1000x128xf32, #tpu.memory_space<vmem_shared>>) target(%arg17 : memref<128x128xf32, #tpu.memory_space<vmem>>) offsets(%arg13 : memref<128xi32, #tpu.memory_space<vmem>>) semaphore(%arg31 : memref<!tpu.dma_semaphore, #tpu.memory_space<semaphore_mem>>)
    %dma_wait3A_248 = arith.constant 0 : i32
    %dma_wait3A_249 = arith.constant 0 : i32
    %dma_wait3A_250 = tpu.memref_slice %arg19[%dma_wait3A_248, %dma_wait3A_249] : memref<1000x128xf32, #tpu.memory_space<vmem_shared>> -> memref<1000x128xf32, #tpu.memory_space<vmem_shared>>
    tpu.wait_indirect_dma semaphore(%arg32 : memref<!tpu.dma_semaphore, #tpu.memory_space<semaphore_mem>>) src(%dma_wait3A_250 : memref<1000x128xf32, #tpu.memory_space<vmem_shared>>) dst(%arg18 : memref<128x128xf32, #tpu.memory_space<vmem>>)
    %scan3A_251 = arith.constant 0 : i32
    %scan3A_252 = arith.constant 0 : i32
    %scan3A_253 = arith.constant 64 : i32
    %scan3A_254 = arith.addi %scan3A_252, %scan3A_253 : i32
    %scan3A_255 = arith.constant 1 : i32
    scf.for %scan3A_311 = %scan3A_252 to %scan3A_254 step %scan3A_255  : i32 {
      %mul3A_312 = arith.constant 2 : i32
      %mul3A_313 = arith.muli %scan3A_311, %mul3A_312 : i32
      %add3A_314 = arith.constant 0 : i32
      %add3A_315 = arith.addi %mul3A_313, %add3A_314 : i32
      %get3A = arith.index_cast %add3A_315 : i32 to index
      %get3A_316 = arith.constant 0 : index
      %get3A_317 = tpu.vector_load %arg15[%get3A, %get3A_316] {strides = array<i32>} : memref<128x128xf32, #tpu.memory_space<vmem>>, vector<1x16xf32>,
      %get3A_318 = vector.shape_cast %get3A_317 : vector<1x16xf32> to vector<16xf32>
      %swap3A = arith.index_cast %add3A_315 : i32 to index
      %swap3A_319 = arith.constant 0 : index
      %swap3A_320 = tpu.vector_load %arg18[%swap3A, %swap3A_319] {strides = array<i32>} : memref<128x128xf32, #tpu.memory_space<vmem>>, vector<1x16xf32>,
      %swap3A_321 = vector.shape_cast %swap3A_320 : vector<1x16xf32> to vector<16xf32>
      %swap3A_322 = vector.shape_cast %get3A_318 : vector<16xf32> to vector<1x16xf32>
      tpu.vector_store %arg18[%swap3A, %swap3A_319], %swap3A_322 {add = true, strides = array<i32>} : memref<128x128xf32, #tpu.memory_space<vmem>>, vector<1x16xf32>,
      %get3A_323 = arith.index_cast %add3A_315 : i32 to index
      %get3A_324 = arith.constant 16 : index
      %get3A_325 = tpu.vector_load %arg15[%get3A_323, %get3A_324] {strides = array<i32>} : memref<128x128xf32, #tpu.memory_space<vmem>>, vector<1x16xf32>,
      %get3A_326 = vector.shape_cast %get3A_325 : vector<1x16xf32> to vector<16xf32>
      %swap3A_327 = arith.index_cast %add3A_315 : i32 to index
      %swap3A_328 = arith.constant 16 : index
      %swap3A_329 = tpu.vector_load %arg18[%swap3A_327, %swap3A_328] {strides = array<i32>} : memref<128x128xf32, #tpu.memory_space<vmem>>, vector<1x16xf32>,
      %swap3A_330 = vector.shape_cast %swap3A_329 : vector<1x16xf32> to vector<16xf32>
      %swap3A_331 = vector.shape_cast %get3A_326 : vector<16xf32> to vector<1x16xf32>
      tpu.vector_store %arg18[%swap3A_327, %swap3A_328], %swap3A_331 {add = true, strides = array<i32>} : memref<128x128xf32, #tpu.memory_space<vmem>>, vector<1x16xf32>,
      %get3A_332 = arith.index_cast %add3A_315 : i32 to index
      %get3A_333 = arith.constant 32 : index
      %get3A_334 = tpu.vector_load %arg15[%get3A_332, %get3A_333] {strides = array<i32>} : memref<128x128xf32, #tpu.memory_space<vmem>>, vector<1x16xf32>,
      %get3A_335 = vector.shape_cast %get3A_334 : vector<1x16xf32> to vector<16xf32>
      %swap3A_336 = arith.index_cast %add3A_315 : i32 to index
      %swap3A_337 = arith.constant 32 : index
      %swap3A_338 = tpu.vector_load %arg18[%swap3A_336, %swap3A_337] {strides = array<i32>} : memref<128x128xf32, #tpu.memory_space<vmem>>, vector<1x16xf32>,
      %swap3A_339 = vector.shape_cast %swap3A_338 : vector<1x16xf32> to vector<16xf32>
      %swap3A_340 = vector.shape_cast %get3A_335 : vector<16xf32> to vector<1x16xf32>
      tpu.vector_store %arg18[%swap3A_336, %swap3A_337], %swap3A_340 {add = true, strides = array<i32>} : memref<128x128xf32, #tpu.memory_space<vmem>>, vector<1x16xf32>,
      %get3A_341 = arith.index_cast %add3A_315 : i32 to index
      %get3A_342 = arith.constant 48 : index
      %get3A_343 = tpu.vector_load %arg15[%get3A_341, %get3A_342] {strides = array<i32>} : memref<128x128xf32, #tpu.memory_space<vmem>>, vector<1x16xf32>,
      %get3A_344 = vector.shape_cast %get3A_343 : vector<1x16xf32> to vector<16xf32>
      %swap3A_345 = arith.index_cast %add3A_315 : i32 to index
      %swap3A_346 = arith.constant 48 : index
      %swap3A_347 = tpu.vector_load %arg18[%swap3A_345, %swap3A_346] {strides = array<i32>} : memref<128x128xf32, #tpu.memory_space<vmem>>, vector<1x16xf32>,
      %swap3A_348 = vector.shape_cast %swap3A_347 : vector<1x16xf32> to vector<16xf32>
      %swap3A_349 = vector.shape_cast %get3A_344 : vector<16xf32> to vector<1x16xf32>
      tpu.vector_store %arg18[%swap3A_345, %swap3A_346], %swap3A_349 {add = true, strides = array<i32>} : memref<128x128xf32, #tpu.memory_space<vmem>>, vector<1x16xf32>,
      %get3A_350 = arith.index_cast %add3A_315 : i32 to index
      %get3A_351 = arith.constant 64 : index
      %get3A_352 = tpu.vector_load %arg15[%get3A_350, %get3A_351] {strides = array<i32>} : memref<128x128xf32, #tpu.memory_space<vmem>>, vector<1x16xf32>,
      %get3A_353 = vector.shape_cast %get3A_352 : vector<1x16xf32> to vector<16xf32>
      %swap3A_354 = arith.index_cast %add3A_315 : i32 to index
      %swap3A_355 = arith.constant 64 : index
      %swap3A_356 = tpu.vector_load %arg18[%swap3A_354, %swap3A_355] {strides = array<i32>} : memref<128x128xf32, #tpu.memory_space<vmem>>, vector<1x16xf32>,
      %swap3A_357 = vector.shape_cast %swap3A_356 : vector<1x16xf32> to vector<16xf32>
      %swap3A_358 = vector.shape_cast %get3A_353 : vector<16xf32> to vector<1x16xf32>
      tpu.vector_store %arg18[%swap3A_354, %swap3A_355], %swap3A_358 {add = true, strides = array<i32>} : memref<128x128xf32, #tpu.memory_space<vmem>>, vector<1x16xf32>,
      %get3A_359 = arith.index_cast %add3A_315 : i32 to index
      %get3A_360 = arith.constant 80 : index
      %get3A_361 = tpu.vector_load %arg15[%get3A_359, %get3A_360] {strides = array<i32>} : memref<128x128xf32, #tpu.memory_space<vmem>>, vector<1x16xf32>,
      %get3A_362 = vector.shape_cast %get3A_361 : vector<1x16xf32> to vector<16xf32>
      %swap3A_363 = arith.index_cast %add3A_315 : i32 to index
      %swap3A_364 = arith.constant 80 : index
      %swap3A_365 = tpu.vector_load %arg18[%swap3A_363, %swap3A_364] {strides = array<i32>} : memref<128x128xf32, #tpu.memory_space<vmem>>, vector<1x16xf32>,
      %swap3A_366 = vector.shape_cast %swap3A_365 : vector<1x16xf32> to vector<16xf32>
      %swap3A_367 = vector.shape_cast %get3A_362 : vector<16xf32> to vector<1x16xf32>
      tpu.vector_store %arg18[%swap3A_363, %swap3A_364], %swap3A_367 {add = true, strides = array<i32>} : memref<128x128xf32, #tpu.memory_space<vmem>>, vector<1x16xf32>,
      %get3A_368 = arith.index_cast %add3A_315 : i32 to index
      %get3A_369 = arith.constant 96 : index
      %get3A_370 = tpu.vector_load %arg15[%get3A_368, %get3A_369] {strides = array<i32>} : memref<128x128xf32, #tpu.memory_space<vmem>>, vector<1x16xf32>,
      %get3A_371 = vector.shape_cast %get3A_370 : vector<1x16xf32> to vector<16xf32>
      %swap3A_372 = arith.index_cast %add3A_315 : i32 to index
      %swap3A_373 = arith.constant 96 : index
      %swap3A_374 = tpu.vector_load %arg18[%swap3A_372, %swap3A_373] {strides = array<i32>} : memref<128x128xf32, #tpu.memory_space<vmem>>, vector<1x16xf32>,
      %swap3A_375 = vector.shape_cast %swap3A_374 : vector<1x16xf32> to vector<16xf32>
      %swap3A_376 = vector.shape_cast %get3A_371 : vector<16xf32> to vector<1x16xf32>
      tpu.vector_store %arg18[%swap3A_372, %swap3A_373], %swap3A_376 {add = true, strides = array<i32>} : memref<128x128xf32, #tpu.memory_space<vmem>>, vector<1x16xf32>,
      %get3A_377 = arith.index_cast %add3A_315 : i32 to index
      %get3A_378 = arith.constant 112 : index
      %get3A_379 = tpu.vector_load %arg15[%get3A_377, %get3A_378] {strides = array<i32>} : memref<128x128xf32, #tpu.memory_space<vmem>>, vector<1x16xf32>,
      %get3A_380 = vector.shape_cast %get3A_379 : vector<1x16xf32> to vector<16xf32>
      %swap3A_381 = arith.index_cast %add3A_315 : i32 to index
      %swap3A_382 = arith.constant 112 : index
      %swap3A_383 = tpu.vector_load %arg18[%swap3A_381, %swap3A_382] {strides = array<i32>} : memref<128x128xf32, #tpu.memory_space<vmem>>, vector<1x16xf32>,
      %swap3A_384 = vector.shape_cast %swap3A_383 : vector<1x16xf32> to vector<16xf32>
      %swap3A_385 = vector.shape_cast %get3A_380 : vector<16xf32> to vector<1x16xf32>
      tpu.vector_store %arg18[%swap3A_381, %swap3A_382], %swap3A_385 {add = true, strides = array<i32>} : memref<128x128xf32, #tpu.memory_space<vmem>>, vector<1x16xf32>,
      %mul3A_386 = arith.constant 2 : i32
      %mul3A_387 = arith.muli %scan3A_311, %mul3A_386 : i32
      %add3A_388 = arith.constant 1 : i32
      %add3A_389 = arith.addi %mul3A_387, %add3A_388 : i32
      %get3A_390 = arith.index_cast %add3A_389 : i32 to index
      %get3A_391 = arith.constant 0 : index
      %get3A_392 = tpu.vector_load %arg15[%get3A_390, %get3A_391] {strides = array<i32>} : memref<128x128xf32, #tpu.memory_space<vmem>>, vector<1x16xf32>,
      %get3A_393 = vector.shape_cast %get3A_392 : vector<1x16xf32> to vector<16xf32>
      %swap3A_394 = arith.index_cast %add3A_389 : i32 to index
      %swap3A_395 = arith.constant 0 : index
      %swap3A_396 = tpu.vector_load %arg18[%swap3A_394, %swap3A_395] {strides = array<i32>} : memref<128x128xf32, #tpu.memory_space<vmem>>, vector<1x16xf32>,
      %swap3A_397 = vector.shape_cast %swap3A_396 : vector<1x16xf32> to vector<16xf32>
      %swap3A_398 = vector.shape_cast %get3A_393 : vector<16xf32> to vector<1x16xf32>
      tpu.vector_store %arg18[%swap3A_394, %swap3A_395], %swap3A_398 {add = true, strides = array<i32>} : memref<128x128xf32, #tpu.memory_space<vmem>>, vector<1x16xf32>,
      %get3A_399 = arith.index_cast %add3A_389 : i32 to index
      %get3A_400 = arith.constant 16 : index
      %get3A_401 = tpu.vector_load %arg15[%get3A_399, %get3A_400] {strides = array<i32>} : memref<128x128xf32, #tpu.memory_space<vmem>>, vector<1x16xf32>,
      %get3A_402 = vector.shape_cast %get3A_401 : vector<1x16xf32> to vector<16xf32>
      %swap3A_403 = arith.index_cast %add3A_389 : i32 to index
      %swap3A_404 = arith.constant 16 : index
      %swap3A_405 = tpu.vector_load %arg18[%swap3A_403, %swap3A_404] {strides = array<i32>} : memref<128x128xf32, #tpu.memory_space<vmem>>, vector<1x16xf32>,
      %swap3A_406 = vector.shape_cast %swap3A_405 : vector<1x16xf32> to vector<16xf32>
      %swap3A_407 = vector.shape_cast %get3A_402 : vector<16xf32> to vector<1x16xf32>
      tpu.vector_store %arg18[%swap3A_403, %swap3A_404], %swap3A_407 {add = true, strides = array<i32>} : memref<128x128xf32, #tpu.memory_space<vmem>>, vector<1x16xf32>,
      %get3A_408 = arith.index_cast %add3A_389 : i32 to index
      %get3A_409 = arith.constant 32 : index
      %get3A_410 = tpu.vector_load %arg15[%get3A_408, %get3A_409] {strides = array<i32>} : memref<128x128xf32, #tpu.memory_space<vmem>>, vector<1x16xf32>,
      %get3A_411 = vector.shape_cast %get3A_410 : vector<1x16xf32> to vector<16xf32>
      %swap3A_412 = arith.index_cast %add3A_389 : i32 to index
      %swap3A_413 = arith.constant 32 : index
      %swap3A_414 = tpu.vector_load %arg18[%swap3A_412, %swap3A_413] {strides = array<i32>} : memref<128x128xf32, #tpu.memory_space<vmem>>, vector<1x16xf32>,
      %swap3A_415 = vector.shape_cast %swap3A_414 : vector<1x16xf32> to vector<16xf32>
      %swap3A_416 = vector.shape_cast %get3A_411 : vector<16xf32> to vector<1x16xf32>
      tpu.vector_store %arg18[%swap3A_412, %swap3A_413], %swap3A_416 {add = true, strides = array<i32>} : memref<128x128xf32, #tpu.memory_space<vmem>>, vector<1x16xf32>,
      %get3A_417 = arith.index_cast %add3A_389 : i32 to index
      %get3A_418 = arith.constant 48 : index
      %get3A_419 = tpu.vector_load %arg15[%get3A_417, %get3A_418] {strides = array<i32>} : memref<128x128xf32, #tpu.memory_space<vmem>>, vector<1x16xf32>,
      %get3A_420 = vector.shape_cast %get3A_419 : vector<1x16xf32> to vector<16xf32>
      %swap3A_421 = arith.index_cast %add3A_389 : i32 to index
      %swap3A_422 = arith.constant 48 : index
      %swap3A_423 = tpu.vector_load %arg18[%swap3A_421, %swap3A_422] {strides = array<i32>} : memref<128x128xf32, #tpu.memory_space<vmem>>, vector<1x16xf32>,
      %swap3A_424 = vector.shape_cast %swap3A_423 : vector<1x16xf32> to vector<16xf32>
      %swap3A_425 = vector.shape_cast %get3A_420 : vector<16xf32> to vector<1x16xf32>
      tpu.vector_store %arg18[%swap3A_421, %swap3A_422], %swap3A_425 {add = true, strides = array<i32>} : memref<128x128xf32, #tpu.memory_space<vmem>>, vector<1x16xf32>,
      %get3A_426 = arith.index_cast %add3A_389 : i32 to index
      %get3A_427 = arith.constant 64 : index
      %get3A_428 = tpu.vector_load %arg15[%get3A_426, %get3A_427] {strides = array<i32>} : memref<128x128xf32, #tpu.memory_space<vmem>>, vector<1x16xf32>,
      %get3A_429 = vector.shape_cast %get3A_428 : vector<1x16xf32> to vector<16xf32>
      %swap3A_430 = arith.index_cast %add3A_389 : i32 to index
      %swap3A_431 = arith.constant 64 : index
      %swap3A_432 = tpu.vector_load %arg18[%swap3A_430, %swap3A_431] {strides = array<i32>} : memref<128x128xf32, #tpu.memory_space<vmem>>, vector<1x16xf32>,
      %swap3A_433 = vector.shape_cast %swap3A_432 : vector<1x16xf32> to vector<16xf32>
      %swap3A_434 = vector.shape_cast %get3A_429 : vector<16xf32> to vector<1x16xf32>
      tpu.vector_store %arg18[%swap3A_430, %swap3A_431], %swap3A_434 {add = true, strides = array<i32>} : memref<128x128xf32, #tpu.memory_space<vmem>>, vector<1x16xf32>,
      %get3A_435 = arith.index_cast %add3A_389 : i32 to index
      %get3A_436 = arith.constant 80 : index
      %get3A_437 = tpu.vector_load %arg15[%get3A_435, %get3A_436] {strides = array<i32>} : memref<128x128xf32, #tpu.memory_space<vmem>>, vector<1x16xf32>,
      %get3A_438 = vector.shape_cast %get3A_437 : vector<1x16xf32> to vector<16xf32>
      %swap3A_439 = arith.index_cast %add3A_389 : i32 to index
      %swap3A_440 = arith.constant 80 : index
      %swap3A_441 = tpu.vector_load %arg18[%swap3A_439, %swap3A_440] {strides = array<i32>} : memref<128x128xf32, #tpu.memory_space<vmem>>, vector<1x16xf32>,
      %swap3A_442 = vector.shape_cast %swap3A_441 : vector<1x16xf32> to vector<16xf32>
      %swap3A_443 = vector.shape_cast %get3A_438 : vector<16xf32> to vector<1x16xf32>
      tpu.vector_store %arg18[%swap3A_439, %swap3A_440], %swap3A_443 {add = true, strides = array<i32>} : memref<128x128xf32, #tpu.memory_space<vmem>>, vector<1x16xf32>,
      %get3A_444 = arith.index_cast %add3A_389 : i32 to index
      %get3A_445 = arith.constant 96 : index
      %get3A_446 = tpu.vector_load %arg15[%get3A_444, %get3A_445] {strides = array<i32>} : memref<128x128xf32, #tpu.memory_space<vmem>>, vector<1x16xf32>,
      %get3A_447 = vector.shape_cast %get3A_446 : vector<1x16xf32> to vector<16xf32>
      %swap3A_448 = arith.index_cast %add3A_389 : i32 to index
      %swap3A_449 = arith.constant 96 : index
      %swap3A_450 = tpu.vector_load %arg18[%swap3A_448, %swap3A_449] {strides = array<i32>} : memref<128x128xf32, #tpu.memory_space<vmem>>, vector<1x16xf32>,
      %swap3A_451 = vector.shape_cast %swap3A_450 : vector<1x16xf32> to vector<16xf32>
      %swap3A_452 = vector.shape_cast %get3A_447 : vector<16xf32> to vector<1x16xf32>
      tpu.vector_store %arg18[%swap3A_448, %swap3A_449], %swap3A_452 {add = true, strides = array<i32>} : memref<128x128xf32, #tpu.memory_space<vmem>>, vector<1x16xf32>,
      %get3A_453 = arith.index_cast %add3A_389 : i32 to index
      %get3A_454 = arith.constant 112 : index
      %get3A_455 = tpu.vector_load %arg15[%get3A_453, %get3A_454] {strides = array<i32>} : memref<128x128xf32, #tpu.memory_space<vmem>>, vector<1x16xf32>,
      %get3A_456 = vector.shape_cast %get3A_455 : vector<1x16xf32> to vector<16xf32>
      %swap3A_457 = arith.index_cast %add3A_389 : i32 to index
      %swap3A_458 = arith.constant 112 : index
      %swap3A_459 = tpu.vector_load %arg18[%swap3A_457, %swap3A_458] {strides = array<i32>} : memref<128x128xf32, #tpu.memory_space<vmem>>, vector<1x16xf32>,
      %swap3A_460 = vector.shape_cast %swap3A_459 : vector<1x16xf32> to vector<16xf32>
      %swap3A_461 = vector.shape_cast %get3A_456 : vector<16xf32> to vector<1x16xf32>
      tpu.vector_store %arg18[%swap3A_457, %swap3A_458], %swap3A_461 {add = true, strides = array<i32>} : memref<128x128xf32, #tpu.memory_space<vmem>>, vector<1x16xf32>,
    }
    %scan3A_256 = arith.constant 64 : i32
    %add3A_257 = arith.constant 128 : i32
    %add3A_258 = arith.addi %mul3A_2, %add3A_257 : i32
    %add3A_259 = arith.constant 8192 : i32
    %add3A_260 = arith.addi %add3A_259, %add3A_258 : i32
    %dma_start3A_261 = arith.constant 0 : i32
    %dma_start3A_262 = tpu.memref_slice %arg5[%add3A_260, %dma_start3A_261] : memref<32768x128xf32, #tpu.memory_space<hbm>> -> memref<128x128xf32, #tpu.memory_space<hbm>>
    %dma_start3A_263 = arith.constant 0 : i32
    %dma_start3A_264 = tpu.memref_slice %arg5[%add3A_260, %dma_start3A_263] : memref<32768x128xf32, #tpu.memory_space<hbm>> -> memref<128x128xf32, #tpu.memory_space<hbm>>
    tpu.enqueue_dma source(%arg18 : memref<128x128xf32, #tpu.memory_space<vmem>>) target(%dma_start3A_264 : memref<128x128xf32, #tpu.memory_space<hbm>>) target_semaphore(%arg35 : memref<!tpu.dma_semaphore, #tpu.memory_space<semaphore_mem>>)
    %dma_wait3A_265 = arith.constant 0 : i32
    %dma_wait3A_266 = arith.constant 0 : i32
    %dma_wait3A_267 = tpu.memref_slice %arg19[%dma_wait3A_265, %dma_wait3A_266] : memref<1000x128xf32, #tpu.memory_space<vmem_shared>> -> memref<1000x128xf32, #tpu.memory_space<vmem_shared>>
    tpu.wait_indirect_dma semaphore(%arg30 : memref<!tpu.dma_semaphore, #tpu.memory_space<semaphore_mem>>) src(%dma_wait3A_267 : memref<1000x128xf32, #tpu.memory_space<vmem_shared>>) dst(%arg16 : memref<128x128xf32, #tpu.memory_space<vmem>>)
    %scan3A_268 = arith.constant 0 : i32
    %scan3A_269 = arith.constant 0 : i32
    %scan3A_270 = arith.constant 64 : i32
    %scan3A_271 = arith.addi %scan3A_269, %scan3A_270 : i32
    %scan3A_272 = arith.constant 1 : i32
    scf.for %scan3A_311 = %scan3A_269 to %scan3A_271 step %scan3A_272  : i32 {
      %mul3A_312 = arith.constant 2 : i32
      %mul3A_313 = arith.muli %scan3A_311, %mul3A_312 : i32
      %add3A_314 = arith.constant 0 : i32
      %add3A_315 = arith.addi %mul3A_313, %add3A_314 : i32
      %get3A = arith.index_cast %add3A_315 : i32 to index
      %get3A_316 = arith.constant 0 : index
      %get3A_317 = tpu.vector_load %arg15[%get3A, %get3A_316] {strides = array<i32>} : memref<128x128xf32, #tpu.memory_space<vmem>>, vector<1x16xf32>,
      %get3A_318 = vector.shape_cast %get3A_317 : vector<1x16xf32> to vector<16xf32>
      %swap3A = arith.index_cast %add3A_315 : i32 to index
      %swap3A_319 = arith.constant 0 : index
      %swap3A_320 = tpu.vector_load %arg16[%swap3A, %swap3A_319] {strides = array<i32>} : memref<128x128xf32, #tpu.memory_space<vmem>>, vector<1x16xf32>,
      %swap3A_321 = vector.shape_cast %swap3A_320 : vector<1x16xf32> to vector<16xf32>
      %swap3A_322 = vector.shape_cast %get3A_318 : vector<16xf32> to vector<1x16xf32>
      tpu.vector_store %arg16[%swap3A, %swap3A_319], %swap3A_322 {add = true, strides = array<i32>} : memref<128x128xf32, #tpu.memory_space<vmem>>, vector<1x16xf32>,
      %get3A_323 = arith.index_cast %add3A_315 : i32 to index
      %get3A_324 = arith.constant 16 : index
      %get3A_325 = tpu.vector_load %arg15[%get3A_323, %get3A_324] {strides = array<i32>} : memref<128x128xf32, #tpu.memory_space<vmem>>, vector<1x16xf32>,
      %get3A_326 = vector.shape_cast %get3A_325 : vector<1x16xf32> to vector<16xf32>
      %swap3A_327 = arith.index_cast %add3A_315 : i32 to index
      %swap3A_328 = arith.constant 16 : index
      %swap3A_329 = tpu.vector_load %arg16[%swap3A_327, %swap3A_328] {strides = array<i32>} : memref<128x128xf32, #tpu.memory_space<vmem>>, vector<1x16xf32>,
      %swap3A_330 = vector.shape_cast %swap3A_329 : vector<1x16xf32> to vector<16xf32>
      %swap3A_331 = vector.shape_cast %get3A_326 : vector<16xf32> to vector<1x16xf32>
      tpu.vector_store %arg16[%swap3A_327, %swap3A_328], %swap3A_331 {add = true, strides = array<i32>} : memref<128x128xf32, #tpu.memory_space<vmem>>, vector<1x16xf32>,
      %get3A_332 = arith.index_cast %add3A_315 : i32 to index
      %get3A_333 = arith.constant 32 : index
      %get3A_334 = tpu.vector_load %arg15[%get3A_332, %get3A_333] {strides = array<i32>} : memref<128x128xf32, #tpu.memory_space<vmem>>, vector<1x16xf32>,
      %get3A_335 = vector.shape_cast %get3A_334 : vector<1x16xf32> to vector<16xf32>
      %swap3A_336 = arith.index_cast %add3A_315 : i32 to index
      %swap3A_337 = arith.constant 32 : index
      %swap3A_338 = tpu.vector_load %arg16[%swap3A_336, %swap3A_337] {strides = array<i32>} : memref<128x128xf32, #tpu.memory_space<vmem>>, vector<1x16xf32>,
      %swap3A_339 = vector.shape_cast %swap3A_338 : vector<1x16xf32> to vector<16xf32>
      %swap3A_340 = vector.shape_cast %get3A_335 : vector<16xf32> to vector<1x16xf32>
      tpu.vector_store %arg16[%swap3A_336, %swap3A_337], %swap3A_340 {add = true, strides = array<i32>} : memref<128x128xf32, #tpu.memory_space<vmem>>, vector<1x16xf32>,
      %get3A_341 = arith.index_cast %add3A_315 : i32 to index
      %get3A_342 = arith.constant 48 : index
      %get3A_343 = tpu.vector_load %arg15[%get3A_341, %get3A_342] {strides = array<i32>} : memref<128x128xf32, #tpu.memory_space<vmem>>, vector<1x16xf32>,
      %get3A_344 = vector.shape_cast %get3A_343 : vector<1x16xf32> to vector<16xf32>
      %swap3A_345 = arith.index_cast %add3A_315 : i32 to index
      %swap3A_346 = arith.constant 48 : index
      %swap3A_347 = tpu.vector_load %arg16[%swap3A_345, %swap3A_346] {strides = array<i32>} : memref<128x128xf32, #tpu.memory_space<vmem>>, vector<1x16xf32>,
      %swap3A_348 = vector.shape_cast %swap3A_347 : vector<1x16xf32> to vector<16xf32>
      %swap3A_349 = vector.shape_cast %get3A_344 : vector<16xf32> to vector<1x16xf32>
      tpu.vector_store %arg16[%swap3A_345, %swap3A_346], %swap3A_349 {add = true, strides = array<i32>} : memref<128x128xf32, #tpu.memory_space<vmem>>, vector<1x16xf32>,
      %get3A_350 = arith.index_cast %add3A_315 : i32 to index
      %get3A_351 = arith.constant 64 : index
      %get3A_352 = tpu.vector_load %arg15[%get3A_350, %get3A_351] {strides = array<i32>} : memref<128x128xf32, #tpu.memory_space<vmem>>, vector<1x16xf32>,
      %get3A_353 = vector.shape_cast %get3A_352 : vector<1x16xf32> to vector<16xf32>
      %swap3A_354 = arith.index_cast %add3A_315 : i32 to index
      %swap3A_355 = arith.constant 64 : index
      %swap3A_356 = tpu.vector_load %arg16[%swap3A_354, %swap3A_355] {strides = array<i32>} : memref<128x128xf32, #tpu.memory_space<vmem>>, vector<1x16xf32>,
      %swap3A_357 = vector.shape_cast %swap3A_356 : vector<1x16xf32> to vector<16xf32>
      %swap3A_358 = vector.shape_cast %get3A_353 : vector<16xf32> to vector<1x16xf32>
      tpu.vector_store %arg16[%swap3A_354, %swap3A_355], %swap3A_358 {add = true, strides = array<i32>} : memref<128x128xf32, #tpu.memory_space<vmem>>, vector<1x16xf32>,
      %get3A_359 = arith.index_cast %add3A_315 : i32 to index
      %get3A_360 = arith.constant 80 : index
      %get3A_361 = tpu.vector_load %arg15[%get3A_359, %get3A_360] {strides = array<i32>} : memref<128x128xf32, #tpu.memory_space<vmem>>, vector<1x16xf32>,
      %get3A_362 = vector.shape_cast %get3A_361 : vector<1x16xf32> to vector<16xf32>
      %swap3A_363 = arith.index_cast %add3A_315 : i32 to index
      %swap3A_364 = arith.constant 80 : index
      %swap3A_365 = tpu.vector_load %arg16[%swap3A_363, %swap3A_364] {strides = array<i32>} : memref<128x128xf32, #tpu.memory_space<vmem>>, vector<1x16xf32>,
      %swap3A_366 = vector.shape_cast %swap3A_365 : vector<1x16xf32> to vector<16xf32>
      %swap3A_367 = vector.shape_cast %get3A_362 : vector<16xf32> to vector<1x16xf32>
      tpu.vector_store %arg16[%swap3A_363, %swap3A_364], %swap3A_367 {add = true, strides = array<i32>} : memref<128x128xf32, #tpu.memory_space<vmem>>, vector<1x16xf32>,
      %get3A_368 = arith.index_cast %add3A_315 : i32 to index
      %get3A_369 = arith.constant 96 : index
      %get3A_370 = tpu.vector_load %arg15[%get3A_368, %get3A_369] {strides = array<i32>} : memref<128x128xf32, #tpu.memory_space<vmem>>, vector<1x16xf32>,
      %get3A_371 = vector.shape_cast %get3A_370 : vector<1x16xf32> to vector<16xf32>
      %swap3A_372 = arith.index_cast %add3A_315 : i32 to index
      %swap3A_373 = arith.constant 96 : index
      %swap3A_374 = tpu.vector_load %arg16[%swap3A_372, %swap3A_373] {strides = array<i32>} : memref<128x128xf32, #tpu.memory_space<vmem>>, vector<1x16xf32>,
      %swap3A_375 = vector.shape_cast %swap3A_374 : vector<1x16xf32> to vector<16xf32>
      %swap3A_376 = vector.shape_cast %get3A_371 : vector<16xf32> to vector<1x16xf32>
      tpu.vector_store %arg16[%swap3A_372, %swap3A_373], %swap3A_376 {add = true, strides = array<i32>} : memref<128x128xf32, #tpu.memory_space<vmem>>, vector<1x16xf32>,
      %get3A_377 = arith.index_cast %add3A_315 : i32 to index
      %get3A_378 = arith.constant 112 : index
      %get3A_379 = tpu.vector_load %arg15[%get3A_377, %get3A_378] {strides = array<i32>} : memref<128x128xf32, #tpu.memory_space<vmem>>, vector<1x16xf32>,
      %get3A_380 = vector.shape_cast %get3A_379 : vector<1x16xf32> to vector<16xf32>
      %swap3A_381 = arith.index_cast %add3A_315 : i32 to index
      %swap3A_382 = arith.constant 112 : index
      %swap3A_383 = tpu.vector_load %arg16[%swap3A_381, %swap3A_382] {strides = array<i32>} : memref<128x128xf32, #tpu.memory_space<vmem>>, vector<1x16xf32>,
      %swap3A_384 = vector.shape_cast %swap3A_383 : vector<1x16xf32> to vector<16xf32>
      %swap3A_385 = vector.shape_cast %get3A_380 : vector<16xf32> to vector<1x16xf32>
      tpu.vector_store %arg16[%swap3A_381, %swap3A_382], %swap3A_385 {add = true, strides = array<i32>} : memref<128x128xf32, #tpu.memory_space<vmem>>, vector<1x16xf32>,
      %mul3A_386 = arith.constant 2 : i32
      %mul3A_387 = arith.muli %scan3A_311, %mul3A_386 : i32
      %add3A_388 = arith.constant 1 : i32
      %add3A_389 = arith.addi %mul3A_387, %add3A_388 : i32
      %get3A_390 = arith.index_cast %add3A_389 : i32 to index
      %get3A_391 = arith.constant 0 : index
      %get3A_392 = tpu.vector_load %arg15[%get3A_390, %get3A_391] {strides = array<i32>} : memref<128x128xf32, #tpu.memory_space<vmem>>, vector<1x16xf32>,
      %get3A_393 = vector.shape_cast %get3A_392 : vector<1x16xf32> to vector<16xf32>
      %swap3A_394 = arith.index_cast %add3A_389 : i32 to index
      %swap3A_395 = arith.constant 0 : index
      %swap3A_396 = tpu.vector_load %arg16[%swap3A_394, %swap3A_395] {strides = array<i32>} : memref<128x128xf32, #tpu.memory_space<vmem>>, vector<1x16xf32>,
      %swap3A_397 = vector.shape_cast %swap3A_396 : vector<1x16xf32> to vector<16xf32>
      %swap3A_398 = vector.shape_cast %get3A_393 : vector<16xf32> to vector<1x16xf32>
      tpu.vector_store %arg16[%swap3A_394, %swap3A_395], %swap3A_398 {add = true, strides = array<i32>} : memref<128x128xf32, #tpu.memory_space<vmem>>, vector<1x16xf32>,
      %get3A_399 = arith.index_cast %add3A_389 : i32 to index
      %get3A_400 = arith.constant 16 : index
      %get3A_401 = tpu.vector_load %arg15[%get3A_399, %get3A_400] {strides = array<i32>} : memref<128x128xf32, #tpu.memory_space<vmem>>, vector<1x16xf32>,
      %get3A_402 = vector.shape_cast %get3A_401 : vector<1x16xf32> to vector<16xf32>
      %swap3A_403 = arith.index_cast %add3A_389 : i32 to index
      %swap3A_404 = arith.constant 16 : index
      %swap3A_405 = tpu.vector_load %arg16[%swap3A_403, %swap3A_404] {strides = array<i32>} : memref<128x128xf32, #tpu.memory_space<vmem>>, vector<1x16xf32>,
      %swap3A_406 = vector.shape_cast %swap3A_405 : vector<1x16xf32> to vector<16xf32>
      %swap3A_407 = vector.shape_cast %get3A_402 : vector<16xf32> to vector<1x16xf32>
      tpu.vector_store %arg16[%swap3A_403, %swap3A_404], %swap3A_407 {add = true, strides = array<i32>} : memref<128x128xf32, #tpu.memory_space<vmem>>, vector<1x16xf32>,
      %get3A_408 = arith.index_cast %add3A_389 : i32 to index
      %get3A_409 = arith.constant 32 : index
      %get3A_410 = tpu.vector_load %arg15[%get3A_408, %get3A_409] {strides = array<i32>} : memref<128x128xf32, #tpu.memory_space<vmem>>, vector<1x16xf32>,
      %get3A_411 = vector.shape_cast %get3A_410 : vector<1x16xf32> to vector<16xf32>
      %swap3A_412 = arith.index_cast %add3A_389 : i32 to index
      %swap3A_413 = arith.constant 32 : index
      %swap3A_414 = tpu.vector_load %arg16[%swap3A_412, %swap3A_413] {strides = array<i32>} : memref<128x128xf32, #tpu.memory_space<vmem>>, vector<1x16xf32>,
      %swap3A_415 = vector.shape_cast %swap3A_414 : vector<1x16xf32> to vector<16xf32>
      %swap3A_416 = vector.shape_cast %get3A_411 : vector<16xf32> to vector<1x16xf32>
      tpu.vector_store %arg16[%swap3A_412, %swap3A_413], %swap3A_416 {add = true, strides = array<i32>} : memref<128x128xf32, #tpu.memory_space<vmem>>, vector<1x16xf32>,
      %get3A_417 = arith.index_cast %add3A_389 : i32 to index
      %get3A_418 = arith.constant 48 : index
      %get3A_419 = tpu.vector_load %arg15[%get3A_417, %get3A_418] {strides = array<i32>} : memref<128x128xf32, #tpu.memory_space<vmem>>, vector<1x16xf32>,
      %get3A_420 = vector.shape_cast %get3A_419 : vector<1x16xf32> to vector<16xf32>
      %swap3A_421 = arith.index_cast %add3A_389 : i32 to index
      %swap3A_422 = arith.constant 48 : index
      %swap3A_423 = tpu.vector_load %arg16[%swap3A_421, %swap3A_422] {strides = array<i32>} : memref<128x128xf32, #tpu.memory_space<vmem>>, vector<1x16xf32>,
      %swap3A_424 = vector.shape_cast %swap3A_423 : vector<1x16xf32> to vector<16xf32>
      %swap3A_425 = vector.shape_cast %get3A_420 : vector<16xf32> to vector<1x16xf32>
      tpu.vector_store %arg16[%swap3A_421, %swap3A_422], %swap3A_425 {add = true, strides = array<i32>} : memref<128x128xf32, #tpu.memory_space<vmem>>, vector<1x16xf32>,
      %get3A_426 = arith.index_cast %add3A_389 : i32 to index
      %get3A_427 = arith.constant 64 : index
      %get3A_428 = tpu.vector_load %arg15[%get3A_426, %get3A_427] {strides = array<i32>} : memref<128x128xf32, #tpu.memory_space<vmem>>, vector<1x16xf32>,
      %get3A_429 = vector.shape_cast %get3A_428 : vector<1x16xf32> to vector<16xf32>
      %swap3A_430 = arith.index_cast %add3A_389 : i32 to index
      %swap3A_431 = arith.constant 64 : index
      %swap3A_432 = tpu.vector_load %arg16[%swap3A_430, %swap3A_431] {strides = array<i32>} : memref<128x128xf32, #tpu.memory_space<vmem>>, vector<1x16xf32>,
      %swap3A_433 = vector.shape_cast %swap3A_432 : vector<1x16xf32> to vector<16xf32>
      %swap3A_434 = vector.shape_cast %get3A_429 : vector<16xf32> to vector<1x16xf32>
      tpu.vector_store %arg16[%swap3A_430, %swap3A_431], %swap3A_434 {add = true, strides = array<i32>} : memref<128x128xf32, #tpu.memory_space<vmem>>, vector<1x16xf32>,
      %get3A_435 = arith.index_cast %add3A_389 : i32 to index
      %get3A_436 = arith.constant 80 : index
      %get3A_437 = tpu.vector_load %arg15[%get3A_435, %get3A_436] {strides = array<i32>} : memref<128x128xf32, #tpu.memory_space<vmem>>, vector<1x16xf32>,
      %get3A_438 = vector.shape_cast %get3A_437 : vector<1x16xf32> to vector<16xf32>
      %swap3A_439 = arith.index_cast %add3A_389 : i32 to index
      %swap3A_440 = arith.constant 80 : index
      %swap3A_441 = tpu.vector_load %arg16[%swap3A_439, %swap3A_440] {strides = array<i32>} : memref<128x128xf32, #tpu.memory_space<vmem>>, vector<1x16xf32>,
      %swap3A_442 = vector.shape_cast %swap3A_441 : vector<1x16xf32> to vector<16xf32>
      %swap3A_443 = vector.shape_cast %get3A_438 : vector<16xf32> to vector<1x16xf32>
      tpu.vector_store %arg16[%swap3A_439, %swap3A_440], %swap3A_443 {add = true, strides = array<i32>} : memref<128x128xf32, #tpu.memory_space<vmem>>, vector<1x16xf32>,
      %get3A_444 = arith.index_cast %add3A_389 : i32 to index
      %get3A_445 = arith.constant 96 : index
      %get3A_446 = tpu.vector_load %arg15[%get3A_444, %get3A_445] {strides = array<i32>} : memref<128x128xf32, #tpu.memory_space<vmem>>, vector<1x16xf32>,
      %get3A_447 = vector.shape_cast %get3A_446 : vector<1x16xf32> to vector<16xf32>
      %swap3A_448 = arith.index_cast %add3A_389 : i32 to index
      %swap3A_449 = arith.constant 96 : index
      %swap3A_450 = tpu.vector_load %arg16[%swap3A_448, %swap3A_449] {strides = array<i32>} : memref<128x128xf32, #tpu.memory_space<vmem>>, vector<1x16xf32>,
      %swap3A_451 = vector.shape_cast %swap3A_450 : vector<1x16xf32> to vector<16xf32>
      %swap3A_452 = vector.shape_cast %get3A_447 : vector<16xf32> to vector<1x16xf32>
      tpu.vector_store %arg16[%swap3A_448, %swap3A_449], %swap3A_452 {add = true, strides = array<i32>} : memref<128x128xf32, #tpu.memory_space<vmem>>, vector<1x16xf32>,
      %get3A_453 = arith.index_cast %add3A_389 : i32 to index
      %get3A_454 = arith.constant 112 : index
      %get3A_455 = tpu.vector_load %arg15[%get3A_453, %get3A_454] {strides = array<i32>} : memref<128x128xf32, #tpu.memory_space<vmem>>, vector<1x16xf32>,
      %get3A_456 = vector.shape_cast %get3A_455 : vector<1x16xf32> to vector<16xf32>
      %swap3A_457 = arith.index_cast %add3A_389 : i32 to index
      %swap3A_458 = arith.constant 112 : index
      %swap3A_459 = tpu.vector_load %arg16[%swap3A_457, %swap3A_458] {strides = array<i32>} : memref<128x128xf32, #tpu.memory_space<vmem>>, vector<1x16xf32>,
      %swap3A_460 = vector.shape_cast %swap3A_459 : vector<1x16xf32> to vector<16xf32>
      %swap3A_461 = vector.shape_cast %get3A_456 : vector<16xf32> to vector<1x16xf32>
      tpu.vector_store %arg16[%swap3A_457, %swap3A_458], %swap3A_461 {add = true, strides = array<i32>} : memref<128x128xf32, #tpu.memory_space<vmem>>, vector<1x16xf32>,
    }
    %scan3A_273 = arith.constant 64 : i32
    %add3A_274 = arith.constant 128 : i32
    %add3A_275 = arith.addi %mul3A_2, %add3A_274 : i32
    %add3A_276 = arith.constant 16384 : i32
    %add3A_277 = arith.addi %add3A_276, %add3A_275 : i32
    %dma_start3A_278 = arith.constant 0 : i32
    %dma_start3A_279 = tpu.memref_slice %arg5[%add3A_277, %dma_start3A_278] : memref<32768x128xf32, #tpu.memory_space<hbm>> -> memref<128x128xf32, #tpu.memory_space<hbm>>
    %dma_start3A_280 = arith.constant 0 : i32
    %dma_start3A_281 = tpu.memref_slice %arg5[%add3A_277, %dma_start3A_280] : memref<32768x128xf32, #tpu.memory_space<hbm>> -> memref<128x128xf32, #tpu.memory_space<hbm>>
    tpu.enqueue_dma source(%arg16 : memref<128x128xf32, #tpu.memory_space<vmem>>) target(%dma_start3A_281 : memref<128x128xf32, #tpu.memory_space<hbm>>) target_semaphore(%arg33 : memref<!tpu.dma_semaphore, #tpu.memory_space<semaphore_mem>>)
    %dma_wait3A_282 = arith.constant 0 : i32
    %dma_wait3A_283 = arith.constant 0 : i32
    %dma_wait3A_284 = tpu.memref_slice %arg19[%dma_wait3A_282, %dma_wait3A_283] : memref<1000x128xf32, #tpu.memory_space<vmem_shared>> -> memref<1000x128xf32, #tpu.memory_space<vmem_shared>>
    tpu.wait_indirect_dma semaphore(%arg31 : memref<!tpu.dma_semaphore, #tpu.memory_space<semaphore_mem>>) src(%dma_wait3A_284 : memref<1000x128xf32, #tpu.memory_space<vmem_shared>>) dst(%arg17 : memref<128x128xf32, #tpu.memory_space<vmem>>)
    %scan3A_285 = arith.constant 0 : i32
    %scan3A_286 = arith.constant 0 : i32
    %scan3A_287 = arith.constant 64 : i32
    %scan3A_288 = arith.addi %scan3A_286, %scan3A_287 : i32
    %scan3A_289 = arith.constant 1 : i32
    scf.for %scan3A_311 = %scan3A_286 to %scan3A_288 step %scan3A_289  : i32 {
      %mul3A_312 = arith.constant 2 : i32
      %mul3A_313 = arith.muli %scan3A_311, %mul3A_312 : i32
      %add3A_314 = arith.constant 0 : i32
      %add3A_315 = arith.addi %mul3A_313, %add3A_314 : i32
      %get3A = arith.index_cast %add3A_315 : i32 to index
      %get3A_316 = arith.constant 0 : index
      %get3A_317 = tpu.vector_load %arg15[%get3A, %get3A_316] {strides = array<i32>} : memref<128x128xf32, #tpu.memory_space<vmem>>, vector<1x16xf32>,
      %get3A_318 = vector.shape_cast %get3A_317 : vector<1x16xf32> to vector<16xf32>
      %swap3A = arith.index_cast %add3A_315 : i32 to index
      %swap3A_319 = arith.constant 0 : index
      %swap3A_320 = tpu.vector_load %arg17[%swap3A, %swap3A_319] {strides = array<i32>} : memref<128x128xf32, #tpu.memory_space<vmem>>, vector<1x16xf32>,
      %swap3A_321 = vector.shape_cast %swap3A_320 : vector<1x16xf32> to vector<16xf32>
      %swap3A_322 = vector.shape_cast %get3A_318 : vector<16xf32> to vector<1x16xf32>
      tpu.vector_store %arg17[%swap3A, %swap3A_319], %swap3A_322 {add = true, strides = array<i32>} : memref<128x128xf32, #tpu.memory_space<vmem>>, vector<1x16xf32>,
      %get3A_323 = arith.index_cast %add3A_315 : i32 to index
      %get3A_324 = arith.constant 16 : index
      %get3A_325 = tpu.vector_load %arg15[%get3A_323, %get3A_324] {strides = array<i32>} : memref<128x128xf32, #tpu.memory_space<vmem>>, vector<1x16xf32>,
      %get3A_326 = vector.shape_cast %get3A_325 : vector<1x16xf32> to vector<16xf32>
      %swap3A_327 = arith.index_cast %add3A_315 : i32 to index
      %swap3A_328 = arith.constant 16 : index
      %swap3A_329 = tpu.vector_load %arg17[%swap3A_327, %swap3A_328] {strides = array<i32>} : memref<128x128xf32, #tpu.memory_space<vmem>>, vector<1x16xf32>,
      %swap3A_330 = vector.shape_cast %swap3A_329 : vector<1x16xf32> to vector<16xf32>
      %swap3A_331 = vector.shape_cast %get3A_326 : vector<16xf32> to vector<1x16xf32>
      tpu.vector_store %arg17[%swap3A_327, %swap3A_328], %swap3A_331 {add = true, strides = array<i32>} : memref<128x128xf32, #tpu.memory_space<vmem>>, vector<1x16xf32>,
      %get3A_332 = arith.index_cast %add3A_315 : i32 to index
      %get3A_333 = arith.constant 32 : index
      %get3A_334 = tpu.vector_load %arg15[%get3A_332, %get3A_333] {strides = array<i32>} : memref<128x128xf32, #tpu.memory_space<vmem>>, vector<1x16xf32>,
      %get3A_335 = vector.shape_cast %get3A_334 : vector<1x16xf32> to vector<16xf32>
      %swap3A_336 = arith.index_cast %add3A_315 : i32 to index
      %swap3A_337 = arith.constant 32 : index
      %swap3A_338 = tpu.vector_load %arg17[%swap3A_336, %swap3A_337] {strides = array<i32>} : memref<128x128xf32, #tpu.memory_space<vmem>>, vector<1x16xf32>,
      %swap3A_339 = vector.shape_cast %swap3A_338 : vector<1x16xf32> to vector<16xf32>
      %swap3A_340 = vector.shape_cast %get3A_335 : vector<16xf32> to vector<1x16xf32>
      tpu.vector_store %arg17[%swap3A_336, %swap3A_337], %swap3A_340 {add = true, strides = array<i32>} : memref<128x128xf32, #tpu.memory_space<vmem>>, vector<1x16xf32>,
      %get3A_341 = arith.index_cast %add3A_315 : i32 to index
      %get3A_342 = arith.constant 48 : index
      %get3A_343 = tpu.vector_load %arg15[%get3A_341, %get3A_342] {strides = array<i32>} : memref<128x128xf32, #tpu.memory_space<vmem>>, vector<1x16xf32>,
      %get3A_344 = vector.shape_cast %get3A_343 : vector<1x16xf32> to vector<16xf32>
      %swap3A_345 = arith.index_cast %add3A_315 : i32 to index
      %swap3A_346 = arith.constant 48 : index
      %swap3A_347 = tpu.vector_load %arg17[%swap3A_345, %swap3A_346] {strides = array<i32>} : memref<128x128xf32, #tpu.memory_space<vmem>>, vector<1x16xf32>,
      %swap3A_348 = vector.shape_cast %swap3A_347 : vector<1x16xf32> to vector<16xf32>
      %swap3A_349 = vector.shape_cast %get3A_344 : vector<16xf32> to vector<1x16xf32>
      tpu.vector_store %arg17[%swap3A_345, %swap3A_346], %swap3A_349 {add = true, strides = array<i32>} : memref<128x128xf32, #tpu.memory_space<vmem>>, vector<1x16xf32>,
      %get3A_350 = arith.index_cast %add3A_315 : i32 to index
      %get3A_351 = arith.constant 64 : index
      %get3A_352 = tpu.vector_load %arg15[%get3A_350, %get3A_351] {strides = array<i32>} : memref<128x128xf32, #tpu.memory_space<vmem>>, vector<1x16xf32>,
      %get3A_353 = vector.shape_cast %get3A_352 : vector<1x16xf32> to vector<16xf32>
      %swap3A_354 = arith.index_cast %add3A_315 : i32 to index
      %swap3A_355 = arith.constant 64 : index
      %swap3A_356 = tpu.vector_load %arg17[%swap3A_354, %swap3A_355] {strides = array<i32>} : memref<128x128xf32, #tpu.memory_space<vmem>>, vector<1x16xf32>,
      %swap3A_357 = vector.shape_cast %swap3A_356 : vector<1x16xf32> to vector<16xf32>
      %swap3A_358 = vector.shape_cast %get3A_353 : vector<16xf32> to vector<1x16xf32>
      tpu.vector_store %arg17[%swap3A_354, %swap3A_355], %swap3A_358 {add = true, strides = array<i32>} : memref<128x128xf32, #tpu.memory_space<vmem>>, vector<1x16xf32>,
      %get3A_359 = arith.index_cast %add3A_315 : i32 to index
      %get3A_360 = arith.constant 80 : index
      %get3A_361 = tpu.vector_load %arg15[%get3A_359, %get3A_360] {strides = array<i32>} : memref<128x128xf32, #tpu.memory_space<vmem>>, vector<1x16xf32>,
      %get3A_362 = vector.shape_cast %get3A_361 : vector<1x16xf32> to vector<16xf32>
      %swap3A_363 = arith.index_cast %add3A_315 : i32 to index
      %swap3A_364 = arith.constant 80 : index
      %swap3A_365 = tpu.vector_load %arg17[%swap3A_363, %swap3A_364] {strides = array<i32>} : memref<128x128xf32, #tpu.memory_space<vmem>>, vector<1x16xf32>,
      %swap3A_366 = vector.shape_cast %swap3A_365 : vector<1x16xf32> to vector<16xf32>
      %swap3A_367 = vector.shape_cast %get3A_362 : vector<16xf32> to vector<1x16xf32>
      tpu.vector_store %arg17[%swap3A_363, %swap3A_364], %swap3A_367 {add = true, strides = array<i32>} : memref<128x128xf32, #tpu.memory_space<vmem>>, vector<1x16xf32>,
      %get3A_368 = arith.index_cast %add3A_315 : i32 to index
      %get3A_369 = arith.constant 96 : index
      %get3A_370 = tpu.vector_load %arg15[%get3A_368, %get3A_369] {strides = array<i32>} : memref<128x128xf32, #tpu.memory_space<vmem>>, vector<1x16xf32>,
      %get3A_371 = vector.shape_cast %get3A_370 : vector<1x16xf32> to vector<16xf32>
      %swap3A_372 = arith.index_cast %add3A_315 : i32 to index
      %swap3A_373 = arith.constant 96 : index
      %swap3A_374 = tpu.vector_load %arg17[%swap3A_372, %swap3A_373] {strides = array<i32>} : memref<128x128xf32, #tpu.memory_space<vmem>>, vector<1x16xf32>,
      %swap3A_375 = vector.shape_cast %swap3A_374 : vector<1x16xf32> to vector<16xf32>
      %swap3A_376 = vector.shape_cast %get3A_371 : vector<16xf32> to vector<1x16xf32>
      tpu.vector_store %arg17[%swap3A_372, %swap3A_373], %swap3A_376 {add = true, strides = array<i32>} : memref<128x128xf32, #tpu.memory_space<vmem>>, vector<1x16xf32>,
      %get3A_377 = arith.index_cast %add3A_315 : i32 to index
      %get3A_378 = arith.constant 112 : index
      %get3A_379 = tpu.vector_load %arg15[%get3A_377, %get3A_378] {strides = array<i32>} : memref<128x128xf32, #tpu.memory_space<vmem>>, vector<1x16xf32>,
      %get3A_380 = vector.shape_cast %get3A_379 : vector<1x16xf32> to vector<16xf32>
      %swap3A_381 = arith.index_cast %add3A_315 : i32 to index
      %swap3A_382 = arith.constant 112 : index
      %swap3A_383 = tpu.vector_load %arg17[%swap3A_381, %swap3A_382] {strides = array<i32>} : memref<128x128xf32, #tpu.memory_space<vmem>>, vector<1x16xf32>,
      %swap3A_384 = vector.shape_cast %swap3A_383 : vector<1x16xf32> to vector<16xf32>
      %swap3A_385 = vector.shape_cast %get3A_380 : vector<16xf32> to vector<1x16xf32>
      tpu.vector_store %arg17[%swap3A_381, %swap3A_382], %swap3A_385 {add = true, strides = array<i32>} : memref<128x128xf32, #tpu.memory_space<vmem>>, vector<1x16xf32>,
      %mul3A_386 = arith.constant 2 : i32
      %mul3A_387 = arith.muli %scan3A_311, %mul3A_386 : i32
      %add3A_388 = arith.constant 1 : i32
      %add3A_389 = arith.addi %mul3A_387, %add3A_388 : i32
      %get3A_390 = arith.index_cast %add3A_389 : i32 to index
      %get3A_391 = arith.constant 0 : index
      %get3A_392 = tpu.vector_load %arg15[%get3A_390, %get3A_391] {strides = array<i32>} : memref<128x128xf32, #tpu.memory_space<vmem>>, vector<1x16xf32>,
      %get3A_393 = vector.shape_cast %get3A_392 : vector<1x16xf32> to vector<16xf32>
      %swap3A_394 = arith.index_cast %add3A_389 : i32 to index
      %swap3A_395 = arith.constant 0 : index
      %swap3A_396 = tpu.vector_load %arg17[%swap3A_394, %swap3A_395] {strides = array<i32>} : memref<128x128xf32, #tpu.memory_space<vmem>>, vector<1x16xf32>,
      %swap3A_397 = vector.shape_cast %swap3A_396 : vector<1x16xf32> to vector<16xf32>
      %swap3A_398 = vector.shape_cast %get3A_393 : vector<16xf32> to vector<1x16xf32>
      tpu.vector_store %arg17[%swap3A_394, %swap3A_395], %swap3A_398 {add = true, strides = array<i32>} : memref<128x128xf32, #tpu.memory_space<vmem>>, vector<1x16xf32>,
      %get3A_399 = arith.index_cast %add3A_389 : i32 to index
      %get3A_400 = arith.constant 16 : index
      %get3A_401 = tpu.vector_load %arg15[%get3A_399, %get3A_400] {strides = array<i32>} : memref<128x128xf32, #tpu.memory_space<vmem>>, vector<1x16xf32>,
      %get3A_402 = vector.shape_cast %get3A_401 : vector<1x16xf32> to vector<16xf32>
      %swap3A_403 = arith.index_cast %add3A_389 : i32 to index
      %swap3A_404 = arith.constant 16 : index
      %swap3A_405 = tpu.vector_load %arg17[%swap3A_403, %swap3A_404] {strides = array<i32>} : memref<128x128xf32, #tpu.memory_space<vmem>>, vector<1x16xf32>,
      %swap3A_406 = vector.shape_cast %swap3A_405 : vector<1x16xf32> to vector<16xf32>
      %swap3A_407 = vector.shape_cast %get3A_402 : vector<16xf32> to vector<1x16xf32>
      tpu.vector_store %arg17[%swap3A_403, %swap3A_404], %swap3A_407 {add = true, strides = array<i32>} : memref<128x128xf32, #tpu.memory_space<vmem>>, vector<1x16xf32>,
      %get3A_408 = arith.index_cast %add3A_389 : i32 to index
      %get3A_409 = arith.constant 32 : index
      %get3A_410 = tpu.vector_load %arg15[%get3A_408, %get3A_409] {strides = array<i32>} : memref<128x128xf32, #tpu.memory_space<vmem>>, vector<1x16xf32>,
      %get3A_411 = vector.shape_cast %get3A_410 : vector<1x16xf32> to vector<16xf32>
      %swap3A_412 = arith.index_cast %add3A_389 : i32 to index
      %swap3A_413 = arith.constant 32 : index
      %swap3A_414 = tpu.vector_load %arg17[%swap3A_412, %swap3A_413] {strides = array<i32>} : memref<128x128xf32, #tpu.memory_space<vmem>>, vector<1x16xf32>,
      %swap3A_415 = vector.shape_cast %swap3A_414 : vector<1x16xf32> to vector<16xf32>
      %swap3A_416 = vector.shape_cast %get3A_411 : vector<16xf32> to vector<1x16xf32>
      tpu.vector_store %arg17[%swap3A_412, %swap3A_413], %swap3A_416 {add = true, strides = array<i32>} : memref<128x128xf32, #tpu.memory_space<vmem>>, vector<1x16xf32>,
      %get3A_417 = arith.index_cast %add3A_389 : i32 to index
      %get3A_418 = arith.constant 48 : index
      %get3A_419 = tpu.vector_load %arg15[%get3A_417, %get3A_418] {strides = array<i32>} : memref<128x128xf32, #tpu.memory_space<vmem>>, vector<1x16xf32>,
      %get3A_420 = vector.shape_cast %get3A_419 : vector<1x16xf32> to vector<16xf32>
      %swap3A_421 = arith.index_cast %add3A_389 : i32 to index
      %swap3A_422 = arith.constant 48 : index
      %swap3A_423 = tpu.vector_load %arg17[%swap3A_421, %swap3A_422] {strides = array<i32>} : memref<128x128xf32, #tpu.memory_space<vmem>>, vector<1x16xf32>,
      %swap3A_424 = vector.shape_cast %swap3A_423 : vector<1x16xf32> to vector<16xf32>
      %swap3A_425 = vector.shape_cast %get3A_420 : vector<16xf32> to vector<1x16xf32>
      tpu.vector_store %arg17[%swap3A_421, %swap3A_422], %swap3A_425 {add = true, strides = array<i32>} : memref<128x128xf32, #tpu.memory_space<vmem>>, vector<1x16xf32>,
      %get3A_426 = arith.index_cast %add3A_389 : i32 to index
      %get3A_427 = arith.constant 64 : index
      %get3A_428 = tpu.vector_load %arg15[%get3A_426, %get3A_427] {strides = array<i32>} : memref<128x128xf32, #tpu.memory_space<vmem>>, vector<1x16xf32>,
      %get3A_429 = vector.shape_cast %get3A_428 : vector<1x16xf32> to vector<16xf32>
      %swap3A_430 = arith.index_cast %add3A_389 : i32 to index
      %swap3A_431 = arith.constant 64 : index
      %swap3A_432 = tpu.vector_load %arg17[%swap3A_430, %swap3A_431] {strides = array<i32>} : memref<128x128xf32, #tpu.memory_space<vmem>>, vector<1x16xf32>,
      %swap3A_433 = vector.shape_cast %swap3A_432 : vector<1x16xf32> to vector<16xf32>
      %swap3A_434 = vector.shape_cast %get3A_429 : vector<16xf32> to vector<1x16xf32>
      tpu.vector_store %arg17[%swap3A_430, %swap3A_431], %swap3A_434 {add = true, strides = array<i32>} : memref<128x128xf32, #tpu.memory_space<vmem>>, vector<1x16xf32>,
      %get3A_435 = arith.index_cast %add3A_389 : i32 to index
      %get3A_436 = arith.constant 80 : index
      %get3A_437 = tpu.vector_load %arg15[%get3A_435, %get3A_436] {strides = array<i32>} : memref<128x128xf32, #tpu.memory_space<vmem>>, vector<1x16xf32>,
      %get3A_438 = vector.shape_cast %get3A_437 : vector<1x16xf32> to vector<16xf32>
      %swap3A_439 = arith.index_cast %add3A_389 : i32 to index
      %swap3A_440 = arith.constant 80 : index
      %swap3A_441 = tpu.vector_load %arg17[%swap3A_439, %swap3A_440] {strides = array<i32>} : memref<128x128xf32, #tpu.memory_space<vmem>>, vector<1x16xf32>,
      %swap3A_442 = vector.shape_cast %swap3A_441 : vector<1x16xf32> to vector<16xf32>
      %swap3A_443 = vector.shape_cast %get3A_438 : vector<16xf32> to vector<1x16xf32>
      tpu.vector_store %arg17[%swap3A_439, %swap3A_440], %swap3A_443 {add = true, strides = array<i32>} : memref<128x128xf32, #tpu.memory_space<vmem>>, vector<1x16xf32>,
      %get3A_444 = arith.index_cast %add3A_389 : i32 to index
      %get3A_445 = arith.constant 96 : index
      %get3A_446 = tpu.vector_load %arg15[%get3A_444, %get3A_445] {strides = array<i32>} : memref<128x128xf32, #tpu.memory_space<vmem>>, vector<1x16xf32>,
      %get3A_447 = vector.shape_cast %get3A_446 : vector<1x16xf32> to vector<16xf32>
      %swap3A_448 = arith.index_cast %add3A_389 : i32 to index
      %swap3A_449 = arith.constant 96 : index
      %swap3A_450 = tpu.vector_load %arg17[%swap3A_448, %swap3A_449] {strides = array<i32>} : memref<128x128xf32, #tpu.memory_space<vmem>>, vector<1x16xf32>,
      %swap3A_451 = vector.shape_cast %swap3A_450 : vector<1x16xf32> to vector<16xf32>
      %swap3A_452 = vector.shape_cast %get3A_447 : vector<16xf32> to vector<1x16xf32>
      tpu.vector_store %arg17[%swap3A_448, %swap3A_449], %swap3A_452 {add = true, strides = array<i32>} : memref<128x128xf32, #tpu.memory_space<vmem>>, vector<1x16xf32>,
      %get3A_453 = arith.index_cast %add3A_389 : i32 to index
      %get3A_454 = arith.constant 112 : index
      %get3A_455 = tpu.vector_load %arg15[%get3A_453, %get3A_454] {strides = array<i32>} : memref<128x128xf32, #tpu.memory_space<vmem>>, vector<1x16xf32>,
      %get3A_456 = vector.shape_cast %get3A_455 : vector<1x16xf32> to vector<16xf32>
      %swap3A_457 = arith.index_cast %add3A_389 : i32 to index
      %swap3A_458 = arith.constant 112 : index
      %swap3A_459 = tpu.vector_load %arg17[%swap3A_457, %swap3A_458] {strides = array<i32>} : memref<128x128xf32, #tpu.memory_space<vmem>>, vector<1x16xf32>,
      %swap3A_460 = vector.shape_cast %swap3A_459 : vector<1x16xf32> to vector<16xf32>
      %swap3A_461 = vector.shape_cast %get3A_456 : vector<16xf32> to vector<1x16xf32>
      tpu.vector_store %arg17[%swap3A_457, %swap3A_458], %swap3A_461 {add = true, strides = array<i32>} : memref<128x128xf32, #tpu.memory_space<vmem>>, vector<1x16xf32>,
    }
    %scan3A_290 = arith.constant 64 : i32
    %add3A_291 = arith.constant 128 : i32
    %add3A_292 = arith.addi %mul3A_2, %add3A_291 : i32
    %add3A_293 = arith.constant 24576 : i32
    %add3A_294 = arith.addi %add3A_293, %add3A_292 : i32
    %dma_start3A_295 = arith.constant 0 : i32
    %dma_start3A_296 = tpu.memref_slice %arg5[%add3A_294, %dma_start3A_295] : memref<32768x128xf32, #tpu.memory_space<hbm>> -> memref<128x128xf32, #tpu.memory_space<hbm>>
    %dma_start3A_297 = arith.constant 0 : i32
    %dma_start3A_298 = tpu.memref_slice %arg5[%add3A_294, %dma_start3A_297] : memref<32768x128xf32, #tpu.memory_space<hbm>> -> memref<128x128xf32, #tpu.memory_space<hbm>>
    tpu.enqueue_dma source(%arg17 : memref<128x128xf32, #tpu.memory_space<vmem>>) target(%dma_start3A_298 : memref<128x128xf32, #tpu.memory_space<hbm>>) target_semaphore(%arg34 : memref<!tpu.dma_semaphore, #tpu.memory_space<semaphore_mem>>)
    %dma_wait3A_299 = arith.constant 0 : i32
    %dma_wait3A_300 = tpu.memref_slice %arg5[%add3A_277, %dma_wait3A_299] : memref<32768x128xf32, #tpu.memory_space<hbm>> -> memref<128x128xf32, #tpu.memory_space<hbm>>
    %dma_wait3A_301 = arith.constant 0 : i32
    %dma_wait3A_302 = tpu.memref_slice %arg5[%add3A_277, %dma_wait3A_301] : memref<32768x128xf32, #tpu.memory_space<hbm>> -> memref<128x128xf32, #tpu.memory_space<hbm>>
    tpu.wait_dma2 semaphore(%arg33 : memref<!tpu.dma_semaphore, #tpu.memory_space<semaphore_mem>>) src(%arg16 : memref<128x128xf32, #tpu.memory_space<vmem>>) dst(%dma_wait3A_302 : memref<128x128xf32, #tpu.memory_space<hbm>>)
    %dma_wait3A_303 = arith.constant 0 : i32
    %dma_wait3A_304 = tpu.memref_slice %arg5[%add3A_294, %dma_wait3A_303] : memref<32768x128xf32, #tpu.memory_space<hbm>> -> memref<128x128xf32, #tpu.memory_space<hbm>>
    %dma_wait3A_305 = arith.constant 0 : i32
    %dma_wait3A_306 = tpu.memref_slice %arg5[%add3A_294, %dma_wait3A_305] : memref<32768x128xf32, #tpu.memory_space<hbm>> -> memref<128x128xf32, #tpu.memory_space<hbm>>
    tpu.wait_dma2 semaphore(%arg34 : memref<!tpu.dma_semaphore, #tpu.memory_space<semaphore_mem>>) src(%arg17 : memref<128x128xf32, #tpu.memory_space<vmem>>) dst(%dma_wait3A_306 : memref<128x128xf32, #tpu.memory_space<hbm>>)
    %dma_wait3A_307 = arith.constant 0 : i32
    %dma_wait3A_308 = tpu.memref_slice %arg5[%add3A_260, %dma_wait3A_307] : memref<32768x128xf32, #tpu.memory_space<hbm>> -> memref<128x128xf32, #tpu.memory_space<hbm>>
    %dma_wait3A_309 = arith.constant 0 : i32
    %dma_wait3A_310 = tpu.memref_slice %arg5[%add3A_260, %dma_wait3A_309] : memref<32768x128xf32, #tpu.memory_space<hbm>> -> memref<128x128xf32, #tpu.memory_space<hbm>>
    tpu.wait_dma2 semaphore(%arg35 : memref<!tpu.dma_semaphore, #tpu.memory_space<semaphore_mem>>) src(%arg18 : memref<128x128xf32, #tpu.memory_space<vmem>>) dst(%dma_wait3A_310 : memref<128x128xf32, #tpu.memory_space<hbm>>)
    return
  }
}

</mosaic_0001>

<sc_bundles>
// kernel: kernel.3.cloned.1.call-start
scs
__scs_entry_jumppad:
0x0: {  	(pc) =	sbr.rel $0x88, $3  }
0x1: {  	(tag) =	ssettag $0x0;
	lr =	simm.s32 $0x1  }
0x2: {  	[smem:$0x3F9B] =	sst lr;
	_ =	strace $0xD0000000  }
0x3: {  	_ = 	snop  }
0x4: {  	_ = 	snop  }
0x5: {  	_ = 	snop  }
0x6: {  	_ = 	snop  }
0x7: {  	_ = 	snop  }
__scs_overlays_trampoline_lowered:
0x8: {  	[smem:$0x3FAA] =	sst s0  }
0x9: {  	[smem:$0x3FAB] =	sst s1  }
0xa: {  	[smem:$0x3FAC] =	sst s2  }
0xb: {  	[smem:$0x3FAD] =	sst s3  }
0xc: {  	[smem:$0x3FAE] =	sst s4  }
0xd: {  	[smem:$0x3FAF] =	sst s5  }
0xe: {  	[smem:$0x3FB0] =	sst s6  }
0xf: {  	[smem:$0x3FB1] =	sst s7  }
0x10: {  	[smem:$0x3FB2] =	sst s8  }
0x11: {  	[smem:$0x3FB3] =	sst s9;
	s0 =	simm.s32 @!p0 $0x0  }
0x12: {  	s1 =	sld [smem:$0x3F99];
	s0 =	simm.s32 @p0 $0x1  }
0x13: {  	[smem:$0x3FB4] =	sst s0;
	s0 =	simm.s32 @!p1 $0x0  }
0x14: {  	s2 =	sld [smem:$0x3F98];
	s0 =	simm.s32 @p1 $0x1  }
0x15: {  	[smem:$0x3FB5] =	sst s0;
	s0 =	simm.s32 @!p2 $0x0  }
0x16: {  	s3 =	sld [smem:$0x3FDB];
	s0 =	simm.s32 @p2 $0x1  }
0x17: {  	s4 =	simm.s32 $0x1BF5;
	[smem:$0x3FB7] =	sst s0  }
0x18: {  	s0 =	sld [smem:$0x3F9A];
	_ =	swait.ge [sflag:s4], $0x0  }
0x19: {  	s7 =	sld [smem:$0x3F9B]  }
0x1a: {  	s8 =	sadd.s32 $0xFFFFE003, lr  }
0x1b: {  	s9 =	sadd.s32 $0xFFFFFEF7, lr;
	s5 =	simm.s32 $0xFFFFFFFF;
	p2 =	slt.u32 s8, $0xFFFFF086  }
0x1c: {  	p1 =	slt.u32 s9, $0xF7A;
	s5 =	simm.s32 @!p2 $0x0  }
0x1d: {  	s5 =	simm.s32 @p1 $0x1;
	p0 =	seq.s32 s7, s2  }
0x1e: {  	s7 =	smul.u32 @!p0 $0xF7A, s2;
	p2 =	seq.s32 @!p0 s5, $0x0  }
0x1f: {  	s9 =	smul.u32 $0xF7A, s1;
	s8 =	simm.s32 @!p0 $0x1BF5;
	p2 =	por !p2, p0  }
0x20: {  	[sflag:s8] =	ssyncset.s32 @!p0 $0xFFFFF086;
	s6 =	sadd.s32 @!p0 s3, s7;
	s7 =	simm.s32 @!p0 $0x108  }
0x21: {  	s3 =	sadd.s32 s3, s9;
	s6 =	sadd.s32 @!p0 $0x88, s6;
	s7 =	simm.s32 @p2 $0x1082  }
0x22: {  	[simem:s7], [sflag:s8] =	dma.local @!p0 [hbm:s6], $0xF7A  }
0x23: {  	s9 =	sor.u32 $0xD0000000, s2;
	s6 =	simm.s32 $0x108;
	_ =	swait.ge @!p0 [sflag:s8], $0x0  }
0x24: {  	s3 =	sadd.s32 $0x88, s3;
	s6 =	simm.s32 @!p1 $0x1082;
	[sflag:s4] =	ssyncset.s32 $0xFFFFF086  }
0x25: {  	[simem:s6], [sflag:s4] =	dma.local [hbm:s3], $0xF7A  }
0x26: {  	[smem:$0x3F9B] =	sst s1;
	(tag) =	ssettag s2;
	_ =	strace s9  }
0x27: {  	s1 =	sld [smem:$0x3FAB]  }
0x28: {  	s2 =	sld [smem:$0x3FAC]  }
0x29: {  	s4 =	sld [smem:$0x3FAE]  }
0x2a: {  	p0 =	seq.s32 s5, $0x0;
	s5 =	sld [smem:$0x3FAF]  }
0x2b: {  	s6 =	sld [smem:$0x3FB0]  }
0x2c: {  	s7 =	sld [smem:$0x3FB1]  }
0x2d: {  	s3 =	simm.s32 $0x108;
	s8 =	sld [smem:$0x3FB2]  }
0x2e: {  	s3 =	simm.s32 @!p0 $0x1082;
	s9 =	sld [smem:$0x3FB3]  }
0x2f: {  	lr =	sadd.s32 s0, s3;
	s0 =	sld [smem:$0x3FAA]  }
0x30: {  	s3 =	sld [smem:$0x3FAD]  }
0x31: {  	[smem:$0x3FB6] =	sst s10  }
0x32: {  	s10 =	sld [smem:$0x3FB4];
	_ =	sdelay $0x3  }
0x33: {  	p0 =	seq.s32 s10, $0x1;
	s10 =	sld [smem:$0x3FB6];
	_ =	sdelay $0x3  }
0x34: {  	[smem:$0x3FB6] =	sst s10  }
0x35: {  	s10 =	sld [smem:$0x3FB5];
	_ =	sdelay $0x3  }
0x36: {  	p1 =	seq.s32 s10, $0x1;
	s10 =	sld [smem:$0x3FB6];
	_ =	sdelay $0x3  }
0x37: {  	[smem:$0x3FB6] =	sst s10  }
0x38: {  	s10 =	sld [smem:$0x3FB7]  }
0x39: {  	_ = 	snop;
	(pc) =	sbr.ind lr, $3  }
0x3a: {  	_ = 	snop  }
0x3b: {  	_ = 	snop  }
0x3c: {  	p2 =	seq.s32 s10, $0x1;
	s10 =	sld [smem:$0x3FB6]  }
0x3d: {  	_ =	shalt  }
0x3e: {  	_ =	shalt  }
0x3f: {  	_ =	shalt  }
0x40: {  	_ =	shalt  }
0x41: {  	_ =	shalt  }
0x42: {  	_ =	shalt  }
0x43: {  	_ =	shalt  }
0x44: {  	_ =	shalt  }
0x45: {  	_ =	shalt  }
0x46: {  	_ =	shalt  }
0x47: {  	_ =	shalt  }
0x48: {  	_ =	shalt  }
0x49: {  	_ =	shalt  }
0x4a: {  	_ =	shalt  }
0x4b: {  	_ =	shalt  }
0x4c: {  	_ =	shalt  }
0x4d: {  	_ =	shalt  }
0x4e: {  	_ =	shalt  }
0x4f: {  	_ =	shalt  }
0x50: {  	_ =	shalt  }
0x51: {  	_ =	shalt  }
0x52: {  	_ =	shalt  }
0x53: {  	_ =	shalt  }
0x54: {  	_ =	shalt  }
0x55: {  	_ =	shalt  }
0x56: {  	_ =	shalt  }
0x57: {  	_ =	shalt  }
0x58: {  	_ =	shalt  }
0x59: {  	_ =	shalt  }
0x5a: {  	_ =	shalt  }
0x5b: {  	_ =	shalt  }
0x5c: {  	_ =	shalt  }
0x5d: {  	_ =	shalt  }
0x5e: {  	_ =	shalt  }
0x5f: {  	_ =	shalt  }
0x60: {  	_ =	shalt  }
0x61: {  	_ =	shalt  }
0x62: {  	_ =	shalt  }
0x63: {  	_ =	shalt  }
0x64: {  	_ =	shalt  }
0x65: {  	_ =	shalt  }
0x66: {  	_ =	shalt  }
0x67: {  	_ =	shalt  }
0x68: {  	_ =	shalt  }
0x69: {  	_ =	shalt  }
0x6a: {  	_ =	shalt  }
0x6b: {  	_ =	shalt  }
0x6c: {  	_ =	shalt  }
0x6d: {  	_ =	shalt  }
0x6e: {  	_ =	shalt  }
0x6f: {  	_ =	shalt  }
0x70: {  	_ =	shalt  }
0x71: {  	_ =	shalt  }
0x72: {  	_ =	shalt  }
0x73: {  	_ =	shalt  }
0x74: {  	_ =	shalt  }
0x75: {  	_ =	shalt  }
0x76: {  	_ =	shalt  }
0x77: {  	_ =	shalt  }
0x78: {  	_ =	shalt  }
0x79: {  	_ =	shalt  }
0x7a: {  	_ =	shalt  }
0x7b: {  	_ =	shalt  }
0x7c: {  	_ =	shalt  }
0x7d: {  	_ =	shalt  }
0x7e: {  	_ =	shalt  }
0x7f: {  	_ =	shalt  }
0x80: {  	_ =	shalt  }
0x81: {  	_ =	shalt  }
0x82: {  	_ =	shalt  }
0x83: {  	_ =	shalt  }
0x84: {  	_ =	shalt  }
0x85: {  	_ =	shalt  }
0x86: {  	_ =	shalt  }
0x87: {  	_ =	shalt  }
.Lfunc_end0:
.L_simem_size_0:
called_computation_lowered:
.L_overlay_start_0:
0x88: {  	s2 =	sld [smem:$0x3FD9]  }
0x89: {  	s3 =	sld [smem:$0x3FFE];
	_ =	sdelay $0x1  }
0x8a: {  	s1 =	srdreg.scid  }
0x8b: {  	s0 =	sand.u32 $0x1, s1  }
0x8c: {  	s17 =	sshll.u32 s0, $0xA;
	s2 =	sadd.s32 s3, s2  }
0x8d: {  	s2 =	sadd.s32 s2, s17  }
0x8e: {  	[smem:$0x3FC2] =	sst s2  }
0x8f: {  	_ = 	snop  }
0x90: {  	s2 =	sld [smem:$0x3FC9]  }
0x91: {  	s18 =	sld [smem:$0x3FC4]  }
0x92: {  	s4 =	sld [smem:$0x3FD0];
	(tm) =	ssettm $0x1  }
0x93: {  	s5 =	sld [smem:$0x3FFB];
	_ =	sdelay $0x3  }
0x94: {  	_ =	strace s5  }
0x95: {  	s5 =	sld [smem:$0x3FFC];
	_ =	sdelay $0x3  }
0x96: {  	_ =	strace s5  }
0x97: {  	s5 =	sld [smem:$0x3FFD];
	_ =	sdelay $0x3  }
0x98: {  	_ =	strace s5  }
0x99: {  	_ =	strace $0x8FFFFFFF  }
0x9a: {  	s19 =	sld [smem:$0x3FDB];
	_ =	sdelay $0x1  }
0x9b: {  	s6 =	simm.s32 $_scs_section_size  }
0x9c: {  	s7 =	simm.s32 $_size__tile_overlayer_lowered;
	s8 =	simm.s32 $_tile_overlayer_lowered  }
0x9d: {  	s22 =	simm.s32 $0x1BFF;
	s21 =	sshll.u32 s8, $0x1;
	s5 =	sadd.s32 s6, s19  }
0x9e: {  	s9 =	simm.s32 $0x0;
	s20 =	sshll.u32 s7, $0x1;
	s7 =	sadd.s32 s21, s5  }
0x9f: {  	[timem:s9], [sflag:s22] =	dma.local [hbm:s7], s20  }
0xa0: {  	_ =	swait.ge [sflag:s22], s20  }
0xa1: {  	s6 =	ssub.s32 $0x0, s20;
	[sflag:s22] =	ssyncset.done $0x0  }
0xa2: {  	[sflag:s22] =	ssyncadd.s32 s6;
	_ =	sdelay $0x1  }
0xa3: {  	s23 =	simm.s32 $0x1B8B  }
0xa4: {  	_ =	swait.ge [sflag:s23], $0x1  }
0xa5: {  	[sflag:s23] =	ssyncset.done $0x0  }
0xa6: {  	s25 =	simm.s32 $0x1B8E;
	s24 =	sld [smem:$0x3FFE];
	[sflag:s23] =	ssyncadd.s32 $0xFFFFFFFF  }
0xa7: {  	s26 =	simm.s32 $execute0_lowered;
	[smem:$0x3FD2] =	sst s25  }
0xa8: {  	s7 =	sshll.u32 s26, $0x1;
	_ =	strace $0x80000046;
	[dreg:$0x1] =	wrdreg $0xFFFFFFFF  }
0xa9: {  	s28 =	simm.s32 $_size_execute0_lowered;
	s5 =	sadd.s32 s5, s7;
	[dreg:$0x0] =	wrdreg $0x0  }
0xaa: {  	s7 =	sshll.u32 s28, $0x1;
	[dreg:$0x2] =	wrdreg s5  }
0xab: {  	[dreg:$0x3] =	wrdreg s7  }
0xac: {  	[dreg:$0x4] =	wrdreg $0xC0  }
0xad: {  	_ =	task [dreg:s9], $0x5FFFF  }
0xae: {  	[dreg:$0x1] =	wrdreg $0xFFFFFFFF  }
0xaf: {  	[dreg:$0x0] =	wrdreg $0x60  }
0xb0: {  	[dreg:$0x2] =	wrdreg s2  }
0xb1: {  	[dreg:$0x3] =	wrdreg s24  }
0xb2: {  	[dreg:$0x4] =	wrdreg s18  }
0xb3: {  	[dreg:$0x5] =	wrdreg s4  }
0xb4: {  	[dreg:$0x6] =	wrdreg $0x144000  }
0xb5: {  	[dreg:$0x7] =	wrdreg $0x9  }
0xb6: {  	_ =	task.clear_ibuf [dreg:s9], $0x8FFFF;
	_ =	strace $0x90000046  }
0xb7: {  	s29 =	simm.s32 $0x9;
	_ =	strace $0x80000048  }
0xb8: {  	_ =	swait.ge [sflag:s29], $0x1  }
0xb9: {  	[sflag:s29] =	ssyncadd.s32 $0xFFFFFFFF  }
0xba: {  	_ =	strace $0x90000048  }
0xbb: {  	_ =	sfence  }
0xbc: {  	s30 =	sld [smem:$0x0];
	_ =	sdelay $0x2  }
0xbd: {  	s31 =	sshll.u32 s1, $0xD;
	s1 =	sshrl.u32 s1, $0x2  }
0xbe: {  	s3 =	sand.u32 $0x4000, s31;
	s1 =	sadd.s32 s1, s30  }
0xbf: {  	s0 =	sor.u32 s3, s0;
	s1 =	sshll.u32 s1, $0x11  }
0xc0: {  	s0 =	sor.u32 s1, s0  }
0xc1: {  	s0 =	sadd.s32 $0x8F2B, s0  }
0xc2: {  	[sflag:s0] =	ssyncadd.remote.s32 $0x1  }
0xc3: {  	_ =	sfence.sel $0xFFFF  }
0xc4: {  	[dreg:$0x0] =	wrdreg $0xFFFFFFFF;
	(pc) =	sbr.abs _section_cstart, $3  }
0xc5: {  	[dreg:$0x1] =	wrdreg $0xFFFFFFFF  }
0xc6: {  	_ =	task.clear_ibuf [dreg:s9], $0x2FFFF;
	_ =	strace $0x9FFFFFFF  }
0xc7: {  	(tm) =	ssettm $0x7FFFFFFF  }
tec
execute0_lowered:
.L_overlay_start_1:
0x0: {  	(tag) =	ssettag $0x1  }
0x1: {  	s0 =	rddreg [dreg:$0x0]  }
0x2: {  	s1 =	rddreg [dreg:$0x1]  }
0x3: {  	s4 =	rddreg [dreg:$0x2]  }
0x4: {  	s5 =	rddreg [dreg:$0x3]  }
0x5: {  	s2 =	rddreg [dreg:$0x4];
	s11 =	stileid.u32  }
0x6: {  	s7 =	srdreg.scid;
	s3 =	simm.s32 $0x0;
	s30 =	simm.s32 $0x80  }
0x7: {  	s31 =	simm.s32 $0x4;
	s28 =	simm.s32 $0x10;
	s29 =	simm.s32 $0x7  }
0x8: {  	s6 =	sshll.u32 s11, $0x6;
	s7 =	sand.u32 $0x1, s7;
	[smem:$0x7FF] =	sst s3  }
0x9: {  	s11 =	sshll.u32 s11, $0x9;
	s26 =	sadd.s32 $0x10, s0;
	s14 =	sadd.s32 $0x20, s0  }
0xa: {  	s15 =	sadd.s32 $0x30, s0;
	s8 =	smin.u32 s6, $0x3A8;
	s10 =	ssub.s32 $0x2, s7  }
0xb: {  	_ =	strace $0x80000047;
	s7 =	sshll.u32 s7, $0x8;
	s20 =	sor.u32 $0x1C11, s6  }
0xc: {  	s6 =	simm.s32 $0x2;
	s9 =	sshll.u32 s8, $0x4;
	s19 =	sshrl.u32 s10, $0x1  }
0xd: {  	s8 =	sshll.u32 s8, $0x7;
	s7 =	sor.u32 s7, s11;
	[dreg:$0x7] =	wrdreg s20  }
0xe: {  	s11 =	simm.s32 $0x3;
	s1 =	sadd.s32 s9, s1;
	s9 =	ssub.s32 s10, s19  }
0xf: {  	s8 =	sadd.s32 s8, s2;
	s21 =	sshrl.u32 s7, $0x1;
	s1 =	sadd.s32 $0x400, s1  }
0x10: {  	s23 =	sshll.u32 s7, $0x4;
	s22 =	sadd.s32 s0, s21;
	[dreg:$0x6] =	wrdreg s1  }
0x11: {  	s7 =	sor.u32 $0x80, s7;
	s24 =	sadd.s32 s4, s23;
	[dreg:$0x8] =	wrdreg s22  }
0x12: {  	s10 =	simm.s32 $0xA;
	s13 =	sadd.s32 s21, s26;
	[dreg:$0x9] =	wrdreg s24  }
0x13: {  	s25 =	sshll.u32 s7, $0x4;
	s12 =	sadd.s32 s21, s14;
	[dreg:$0xb] =	wrdreg s13  }
0x14: {  	s7 =	sshrl.u32 s7, $0x1;
	s4 =	sadd.s32 s4, s25;
	[dreg:$0xc] =	wrdreg s12  }
0x15: {  	s1 =	sadd.s32 s21, s15;
	s0 =	sadd.s32 s0, s7;
	[dreg:$0xa] =	wrdreg s4  }
0x16: {  	s16 =	sadd.s32 s7, s26;
	s17 =	sadd.s32 s7, s14;
	[dreg:$0xd] =	wrdreg s1  }
0x17: {  	s18 =	sadd.s32 s7, s15;
	s22 =	sadd.s32 s5, s25;
	[dreg:$0xe] =	wrdreg s0  }
0x18: {  	s26 =	smax.u32 s9, $0x1;
	s7 =	simm.s32 $0x8400;
	[dreg:$0xf] =	wrdreg s16  }
0x19: {  	s9 =	simm.s32 $0x9;
	s12 =	simm.s32 $0x10400;
	[dreg:$0x10] =	wrdreg s17  }
0x1a: {  	s13 =	simm.s32 $0xB;
	s14 =	simm.s32 $0xE;
	[dreg:$0x11] =	wrdreg s18  }
0x1b: {  	s15 =	simm.s32 $0xC;
	s16 =	sadd.s32 s5, s23;
	[dreg:$0x15] =	wrdreg s22  }
0x1c: {  	[dreg:$0x19] =	wrdreg s26;
	s26 =	simm.s32 $0x11;
	s19 =	sadd.s32 $0x20000, s16  }
0x1d: {  	s5 =	simm.s32 $0x1;
	s20 =	sadd.s32 $0x40000, s16;
	[dreg:$0x12] =	wrdreg s19  }
0x1e: {  	s0 =	simm.s32 $0xF;
	s21 =	sadd.s32 $0x60000, s16;
	[dreg:$0x13] =	wrdreg s20  }
0x1f: {  	s1 =	simm.s32 $0x5;
	s23 =	sadd.s32 $0x20800, s16;
	[dreg:$0x14] =	wrdreg s21  }
0x20: {  	s17 =	simm.s32 $0xD;
	s24 =	sadd.s32 $0x40800, s16;
	[dreg:$0x16] =	wrdreg s23  }
0x21: {  	s18 =	simm.s32 $0x6;
	s25 =	sadd.s32 $0x60800, s16;
	[dreg:$0x17] =	wrdreg s24  }
0x22: {  	s4 =	simm.s32 $0x0;
	[dreg:$0x18] =	wrdreg s25;
	s25 =	sshrl.u32 s8, $0x3  }
0x23: {  	s8 =	simm.s32 $0xC400;
	s19 =	simm.s32 $0x8;
	s24 =	simm.s32 $0x380  }
.LBB2_1:
0x24: {  	s20 =	rddreg [dreg:$0x6]  }
0x25: {  	s21 =	rddreg [dreg:$0x7]  }
0x26: {  	[spmem:s25], [sflag:s21] =	dma.local [hbm:s20], $0x400  }
0x27: {  	_ =	swait.ge [sflag:s26], $0x400  }
0x28: {  	[sflag:s26] =	ssyncset.done $0x0  }
0x29: {  	[sflag:s26] =	ssyncadd.s32 $0xFFFFFC00  }
0x2a: {  	[bflag:$0x0] =	sbarrier.arrive $0xFFFF  }
0x2b: {  	s21 =	rddreg [dreg:$0x8]  }
0x2c: {  	[tilespmem:s3], [sflag:$0x1] =	stream.linear.gather [hbm4b:s21+s3], $0x80, $0x38;
	[tilespmem:$0x16340] =	vst v63  }
0x2d: {  	s23 =	simm.s32 $0x400;
	s22 =	rddreg [dreg:$0x9]  }
0x2e: {  	[tilespmem:s23], [sflag:$0x9] =	stream.linear.gather [hbm4b:s22+s3], $0x4000, $0x38;
	[tilespmem:$0x16340] =	vst v63  }
0x2f: {  	s22 =	rddreg [dreg:$0xa];
	s23 =	simm.s32 $0x4400  }
0x30: {  	[tilespmem:s23], [sflag:$0xA] =	stream.linear.gather [hbm4b:s22+s3], $0x4000, $0x38;
	[tilespmem:$0x16340] =	vst v63  }
0x31: {  	s21 =	rddreg [dreg:$0xb]  }
0x32: {  	[tilespmem:s30], [sflag:$0x2] =	stream.linear.gather [hbm4b:s21+s3], $0x80, $0x38;
	[tilespmem:$0x16340] =	vst v63  }
0x33: {  	s22 =	rddreg [dreg:$0xc];
	s21 =	simm.s32 $0x100  }
0x34: {  	[tilespmem:s21], [sflag:$0x3] =	stream.linear.gather [hbm4b:s22+s3], $0x80, $0x38;
	[tilespmem:$0x16340] =	vst v63  }
0x35: {  	s23 =	rddreg [dreg:$0xd];
	s22 =	simm.s32 $0x180  }
0x36: {  	[tilespmem:s22], [sflag:$0x4] =	stream.linear.gather [hbm4b:s23+s3], $0x80, $0x38;
	[tilespmem:$0x16340] =	vst v63  }
0x37: {  	s22 =	simm.s32 $0x200;
	s23 =	rddreg [dreg:$0xe]  }
0x38: {  	[tilespmem:s22], [sflag:$0x5] =	stream.linear.gather [hbm4b:s23+s3], $0x80, $0x38;
	[tilespmem:$0x16340] =	vst v63  }
0x39: {  	s20 =	rddreg [dreg:$0xf];
	s23 =	simm.s32 $0x280  }
0x3a: {  	[tilespmem:s23], [sflag:$0x6] =	stream.linear.gather [hbm4b:s20+s3], $0x80, $0x38;
	[tilespmem:$0x16340] =	vst v63  }
0x3b: {  	s23 =	simm.s32 $0x300;
	s20 =	rddreg [dreg:$0x10]  }
0x3c: {  	[tilespmem:s23], [sflag:$0x7] =	stream.linear.gather [hbm4b:s20+s3], $0x80, $0x38;
	[tilespmem:$0x16340] =	vst v63  }
0x3d: {  	s20 =	rddreg [dreg:$0x11]  }
0x3e: {  	[tilespmem:s24], [sflag:$0x8] =	stream.linear.gather [hbm4b:s20+s3], $0x80, $0x38;
	[tilespmem:$0x16340] =	vst v63  }
0x3f: {  	_ =	swait.ge [sflag:s5], $0x80  }
0x40: {  	[sflag:s5] =	ssyncset.done $0x0  }
0x41: {  	[sflag:s5] =	ssyncadd.s32 $0xFFFFFF80  }
0x42: {  	_ =	swait.ge [sflag:s6], $0x80  }
0x43: {  	[sflag:s6] =	ssyncset.done $0x0  }
0x44: {  	[sflag:s6] =	ssyncadd.s32 $0xFFFFFF80  }
0x45: {  	[tilespmem:s7], [sflag:$0xB] =	stream.indirect.gather [spmem:s2], $0x80, s3, s30, $0xb8;
	[tilespmem:$0x16340] =	vst v63  }
0x46: {  	_ = 	snop  }
0x47: {  	[tilespmem:s8], [sflag:$0xC] =	stream.indirect.gather [spmem:s2], $0x80, s30, s30, $0xb8;
	[tilespmem:$0x16340] =	vst v63  }
0x48: {  	_ =	swait.ge [sflag:s9], $0x4000  }
0x49: {  	[sflag:s9] =	ssyncset.done $0x0  }
0x4a: {  	[sflag:s9] =	ssyncadd.s32 $0xFFFFC000  }
0x4b: {  	_ =	swait.ge [sflag:s10], $0x4000  }
0x4c: {  	[sflag:s10] =	ssyncset.done $0x0  }
0x4d: {  	[sflag:s10] =	ssyncadd.s32 $0xFFFFC000  }
0x4e: {  	_ =	swait.ge [sflag:s11], $0x80  }
0x4f: {  	[sflag:s11] =	ssyncset.done $0x0  }
0x50: {  	[sflag:s11] =	ssyncadd.s32 $0xFFFFFF80  }
0x51: {  	[tilespmem:s12], [sflag:$0xD] =	stream.indirect.gather [spmem:s2], $0x80, s21, s30, $0xb8;
	[tilespmem:$0x16340] =	vst v63  }
0x52: {  	_ =	swait.ge [sflag:s13], $0x4000  }
0x53: {  	[sflag:s13] =	ssyncset.done $0x0  }
0x54: {  	s20 =	simm.s32 $0x0;
	s21 =	simm.s32 $0x400;
	[sflag:s13] =	ssyncadd.s32 $0xFFFFC000  }
.LBB2_2:
0x55: {  	p0 =	sne.s32 s21, $0xFC00;
	v0 =	vld [tilespmem:s20+$0x4F0]  }
0x56: {  	v1 =	vld [tilespmem:s20+$0x400]  }
0x57: {  	v2 =	vld [tilespmem:s20+$0x410]  }
0x58: {  	v3 =	vld [tilespmem:s20+$0x420]  }
0x59: {  	v4 =	vld [tilespmem:s20+$0x430]  }
0x5a: {  	[tilespmem:s20+$0x84F0] =	vst.add.f32.msk $0xffff, v0  }
0x5b: {  	v0 =	vld [tilespmem:s20+$0x440]  }
0x5c: {  	v5 =	vld [tilespmem:s20+$0x450]  }
0x5d: {  	v6 =	vld [tilespmem:s20+$0x460]  }
0x5e: {  	v7 =	vld [tilespmem:s20+$0x470]  }
0x5f: {  	v8 =	vld [tilespmem:s20+$0x480]  }
0x60: {  	v9 =	vld [tilespmem:s20+$0x490]  }
0x61: {  	v10 =	vld [tilespmem:s20+$0x4A0]  }
0x62: {  	v11 =	vld [tilespmem:s20+$0x4B0]  }
0x63: {  	v12 =	vld [tilespmem:s20+$0x4C0]  }
0x64: {  	v13 =	vld [tilespmem:s20+$0x4D0]  }
0x65: {  	v14 =	vld [tilespmem:s20+$0x4E0]  }
0x66: {  	[tilespmem:s20+$0x8400] =	vst.add.f32.msk $0xffff, v1  }
0x67: {  	[tilespmem:s20+$0x8410] =	vst.add.f32.msk $0xffff, v2  }
0x68: {  	[tilespmem:s20+$0x8420] =	vst.add.f32.msk $0xffff, v3  }
0x69: {  	[tilespmem:s20+$0x8430] =	vst.add.f32.msk $0xffff, v4  }
0x6a: {  	[tilespmem:s20+$0x8440] =	vst.add.f32.msk $0xffff, v0  }
0x6b: {  	[tilespmem:s20+$0x8450] =	vst.add.f32.msk $0xffff, v5  }
0x6c: {  	[tilespmem:s20+$0x8460] =	vst.add.f32.msk $0xffff, v6  }
0x6d: {  	[tilespmem:s20+$0x8470] =	vst.add.f32.msk $0xffff, v7  }
0x6e: {  	[tilespmem:s20+$0x8480] =	vst.add.f32.msk $0xffff, v8  }
0x6f: {  	[tilespmem:s20+$0x8490] =	vst.add.f32.msk $0xffff, v9  }
.Ltmp0:
0x70: {  	[tilespmem:s20+$0x84A0] =	vst.add.f32.msk $0xffff, v10;
	(pc) =	sbr.rel @p0 .LBB2_2-.Ltmp0, $4  }
0x71: {  	[tilespmem:s20+$0x84B0] =	vst.add.f32.msk $0xffff, v11  }
0x72: {  	[tilespmem:s20+$0x84C0] =	vst.add.f32.msk $0xffff, v12  }
0x73: {  	[tilespmem:s20+$0x84D0] =	vst.add.f32.msk $0xffff, v13  }
0x74: {  	[tilespmem:s20+$0x84E0] =	vst.add.f32.msk $0xffff, v14;
	s20 =	sshra.s32 s21, $0x2;
	s21 =	sadd.s32 $0x400, s21  }
0x75: {  	v0 =	vld [tilespmem:s20+$0x4F0]  }
0x76: {  	v1 =	vld [tilespmem:s20+$0x400]  }
0x77: {  	v2 =	vld [tilespmem:s20+$0x410]  }
0x78: {  	v3 =	vld [tilespmem:s20+$0x420]  }
0x79: {  	v4 =	vld [tilespmem:s20+$0x430]  }
0x7a: {  	v63 =	vld [tilespmem:s20+$0x440]  }
0x7b: {  	v5 =	vld [tilespmem:s20+$0x450]  }
0x7c: {  	v6 =	vld [tilespmem:s20+$0x460]  }
0x7d: {  	v7 =	vld [tilespmem:s20+$0x470]  }
0x7e: {  	v8 =	vld [tilespmem:s20+$0x480]  }
0x7f: {  	v9 =	vld [tilespmem:s20+$0x490]  }
0x80: {  	v10 =	vld [tilespmem:s20+$0x4A0]  }
0x81: {  	v11 =	vld [tilespmem:s20+$0x4B0]  }
0x82: {  	v12 =	vld [tilespmem:s20+$0x4C0]  }
0x83: {  	v13 =	vld [tilespmem:s20+$0x4D0]  }
0x84: {  	v14 =	vld [tilespmem:s20+$0x4E0]  }
0x85: {  	[tilespmem:s20+$0x84F0] =	vst.add.f32.msk $0xffff, v0  }
0x86: {  	[tilespmem:s20+$0x8400] =	vst.add.f32.msk $0xffff, v1  }
0x87: {  	[tilespmem:s20+$0x8410] =	vst.add.f32.msk $0xffff, v2  }
0x88: {  	[tilespmem:s20+$0x8420] =	vst.add.f32.msk $0xffff, v3  }
0x89: {  	[tilespmem:s20+$0x8430] =	vst.add.f32.msk $0xffff, v4  }
0x8a: {  	[tilespmem:s20+$0x8440] =	vst.add.f32.msk $0xffff, v63  }
0x8b: {  	[tilespmem:s20+$0x8450] =	vst.add.f32.msk $0xffff, v5  }
0x8c: {  	[tilespmem:s20+$0x8460] =	vst.add.f32.msk $0xffff, v6  }
0x8d: {  	[tilespmem:s20+$0x8470] =	vst.add.f32.msk $0xffff, v7  }
0x8e: {  	[tilespmem:s20+$0x8480] =	vst.add.f32.msk $0xffff, v8  }
0x8f: {  	[tilespmem:s20+$0x8490] =	vst.add.f32.msk $0xffff, v9  }
0x90: {  	[tilespmem:s20+$0x84A0] =	vst.add.f32.msk $0xffff, v10  }
0x91: {  	[tilespmem:s20+$0x84B0] =	vst.add.f32.msk $0xffff, v11  }
0x92: {  	[tilespmem:s20+$0x84C0] =	vst.add.f32.msk $0xffff, v12  }
0x93: {  	[tilespmem:s20+$0x84D0] =	vst.add.f32.msk $0xffff, v13  }
0x94: {  	s21 =	simm.s32 $0x0;
	[tilespmem:s20+$0x84E0] =	vst.add.f32.msk $0xffff, v14  }
0x95: {  	[hbm4b:s16+s21] =	stream.linear.scatter [tilespmem:s7], [sflag:$0xE], $0x4000, $0x38;
	[tilespmem:$0x16340] =	vst v63  }
0x96: {  	_ =	swait.ge [sflag:s14], $0x4000  }
0x97: {  	[sflag:s14] =	ssyncset.done $0x0  }
0x98: {  	[sflag:s14] =	ssyncadd.s32 $0xFFFFC000  }
0x99: {  	_ =	swait.ge [sflag:s31], $0x80  }
0x9a: {  	[sflag:s31] =	ssyncset.done $0x0  }
0x9b: {  	s21 =	simm.s32 $0x180;
	[sflag:s31] =	ssyncadd.s32 $0xFFFFFF80  }
0x9c: {  	[tilespmem:s7], [sflag:$0xB] =	stream.indirect.gather [spmem:s2], $0x80, s21, s30, $0xb8;
	[tilespmem:$0x16340] =	vst v63  }
0x9d: {  	_ =	swait.ge [sflag:s15], $0x4000  }
0x9e: {  	[sflag:s15] =	ssyncset.done $0x0  }
0x9f: {  	s20 =	simm.s32 $0x0;
	s21 =	simm.s32 $0x400;
	[sflag:s15] =	ssyncadd.s32 $0xFFFFC000  }
.LBB2_4:
0xa0: {  	p0 =	sne.s32 s21, $0xFC00;
	v0 =	vld [tilespmem:s20+$0x4F0]  }
0xa1: {  	v1 =	vld [tilespmem:s20+$0x400]  }
0xa2: {  	v2 =	vld [tilespmem:s20+$0x410]  }
0xa3: {  	v3 =	vld [tilespmem:s20+$0x420]  }
0xa4: {  	v4 =	vld [tilespmem:s20+$0x430]  }
0xa5: {  	[tilespmem:s20+$0xC4F0] =	vst.add.f32.msk $0xffff, v0  }
0xa6: {  	v0 =	vld [tilespmem:s20+$0x440]  }
0xa7: {  	v5 =	vld [tilespmem:s20+$0x450]  }
0xa8: {  	v6 =	vld [tilespmem:s20+$0x460]  }
0xa9: {  	v7 =	vld [tilespmem:s20+$0x470]  }
0xaa: {  	v8 =	vld [tilespmem:s20+$0x480]  }
0xab: {  	v9 =	vld [tilespmem:s20+$0x490]  }
0xac: {  	v10 =	vld [tilespmem:s20+$0x4A0]  }
0xad: {  	v11 =	vld [tilespmem:s20+$0x4B0]  }
0xae: {  	v12 =	vld [tilespmem:s20+$0x4C0]  }
0xaf: {  	v13 =	vld [tilespmem:s20+$0x4D0]  }
0xb0: {  	v14 =	vld [tilespmem:s20+$0x4E0]  }
0xb1: {  	[tilespmem:s20+$0xC400] =	vst.add.f32.msk $0xffff, v1  }
0xb2: {  	[tilespmem:s20+$0xC410] =	vst.add.f32.msk $0xffff, v2  }
0xb3: {  	[tilespmem:s20+$0xC420] =	vst.add.f32.msk $0xffff, v3  }
0xb4: {  	[tilespmem:s20+$0xC430] =	vst.add.f32.msk $0xffff, v4  }
0xb5: {  	[tilespmem:s20+$0xC440] =	vst.add.f32.msk $0xffff, v0  }
0xb6: {  	[tilespmem:s20+$0xC450] =	vst.add.f32.msk $0xffff, v5  }
0xb7: {  	[tilespmem:s20+$0xC460] =	vst.add.f32.msk $0xffff, v6  }
0xb8: {  	[tilespmem:s20+$0xC470] =	vst.add.f32.msk $0xffff, v7  }
0xb9: {  	[tilespmem:s20+$0xC480] =	vst.add.f32.msk $0xffff, v8  }
0xba: {  	[tilespmem:s20+$0xC490] =	vst.add.f32.msk $0xffff, v9  }
.Ltmp1:
0xbb: {  	[tilespmem:s20+$0xC4A0] =	vst.add.f32.msk $0xffff, v10;
	(pc) =	sbr.rel @p0 .LBB2_4-.Ltmp1, $4  }
0xbc: {  	[tilespmem:s20+$0xC4B0] =	vst.add.f32.msk $0xffff, v11  }
0xbd: {  	[tilespmem:s20+$0xC4C0] =	vst.add.f32.msk $0xffff, v12  }
0xbe: {  	[tilespmem:s20+$0xC4D0] =	vst.add.f32.msk $0xffff, v13  }
0xbf: {  	[tilespmem:s20+$0xC4E0] =	vst.add.f32.msk $0xffff, v14;
	s20 =	sshra.s32 s21, $0x2;
	s21 =	sadd.s32 $0x400, s21  }
0xc0: {  	v0 =	vld [tilespmem:s20+$0x4F0]  }
0xc1: {  	v1 =	vld [tilespmem:s20+$0x400]  }
0xc2: {  	v2 =	vld [tilespmem:s20+$0x410]  }
0xc3: {  	v3 =	vld [tilespmem:s20+$0x420]  }
0xc4: {  	v4 =	vld [tilespmem:s20+$0x430]  }
0xc5: {  	v63 =	vld [tilespmem:s20+$0x440]  }
0xc6: {  	v5 =	vld [tilespmem:s20+$0x450]  }
0xc7: {  	v6 =	vld [tilespmem:s20+$0x460]  }
0xc8: {  	v7 =	vld [tilespmem:s20+$0x470]  }
0xc9: {  	v8 =	vld [tilespmem:s20+$0x480]  }
0xca: {  	v9 =	vld [tilespmem:s20+$0x490]  }
0xcb: {  	v10 =	vld [tilespmem:s20+$0x4A0]  }
0xcc: {  	v11 =	vld [tilespmem:s20+$0x4B0]  }
0xcd: {  	v12 =	vld [tilespmem:s20+$0x4C0]  }
0xce: {  	v13 =	vld [tilespmem:s20+$0x4D0]  }
0xcf: {  	v14 =	vld [tilespmem:s20+$0x4E0]  }
0xd0: {  	[tilespmem:s20+$0xC4F0] =	vst.add.f32.msk $0xffff, v0  }
0xd1: {  	[tilespmem:s20+$0xC400] =	vst.add.f32.msk $0xffff, v1  }
0xd2: {  	[tilespmem:s20+$0xC410] =	vst.add.f32.msk $0xffff, v2  }
0xd3: {  	[tilespmem:s20+$0xC420] =	vst.add.f32.msk $0xffff, v3  }
0xd4: {  	[tilespmem:s20+$0xC430] =	vst.add.f32.msk $0xffff, v4  }
0xd5: {  	[tilespmem:s20+$0xC440] =	vst.add.f32.msk $0xffff, v63  }
0xd6: {  	[tilespmem:s20+$0xC450] =	vst.add.f32.msk $0xffff, v5  }
0xd7: {  	[tilespmem:s20+$0xC460] =	vst.add.f32.msk $0xffff, v6  }
0xd8: {  	[tilespmem:s20+$0xC470] =	vst.add.f32.msk $0xffff, v7  }
0xd9: {  	[tilespmem:s20+$0xC480] =	vst.add.f32.msk $0xffff, v8  }
0xda: {  	[tilespmem:s20+$0xC490] =	vst.add.f32.msk $0xffff, v9  }
0xdb: {  	[tilespmem:s20+$0xC4A0] =	vst.add.f32.msk $0xffff, v10  }
0xdc: {  	[tilespmem:s20+$0xC4B0] =	vst.add.f32.msk $0xffff, v11  }
0xdd: {  	[tilespmem:s20+$0xC4C0] =	vst.add.f32.msk $0xffff, v12  }
0xde: {  	[tilespmem:s20+$0xC4D0] =	vst.add.f32.msk $0xffff, v13  }
0xdf: {  	s21 =	rddreg [dreg:$0x12];
	[tilespmem:s20+$0xC4E0] =	vst.add.f32.msk $0xffff, v14;
	s20 =	simm.s32 $0x0  }
0xe0: {  	[hbm4b:s21+s20] =	stream.linear.scatter [tilespmem:s8], [sflag:$0xF], $0x4000, $0x38;
	[tilespmem:$0x16340] =	vst v63  }
0xe1: {  	_ =	swait.ge [sflag:s0], $0x4000  }
0xe2: {  	[sflag:s0] =	ssyncset.done $0x0  }
0xe3: {  	[sflag:s0] =	ssyncadd.s32 $0xFFFFC000  }
0xe4: {  	_ =	swait.ge [sflag:s1], $0x80  }
0xe5: {  	[sflag:s1] =	ssyncset.done $0x0  }
0xe6: {  	[sflag:s1] =	ssyncadd.s32 $0xFFFFFF80  }
0xe7: {  	[tilespmem:s8], [sflag:$0xC] =	stream.indirect.gather [spmem:s2], $0x80, s22, s30, $0xb8;
	[tilespmem:$0x16340] =	vst v63  }
0xe8: {  	_ =	swait.ge [sflag:s17], $0x4000  }
0xe9: {  	[sflag:s17] =	ssyncset.done $0x0  }
0xea: {  	s20 =	simm.s32 $0x0;
	s21 =	simm.s32 $0x400;
	[sflag:s17] =	ssyncadd.s32 $0xFFFFC000  }
.LBB2_6:
0xeb: {  	p0 =	sne.s32 s21, $0xFC00;
	v0 =	vld [tilespmem:s20+$0x4F0]  }
0xec: {  	v1 =	vld [tilespmem:s20+$0x400]  }
0xed: {  	v2 =	vld [tilespmem:s20+$0x410]  }
0xee: {  	v3 =	vld [tilespmem:s20+$0x420]  }
0xef: {  	v4 =	vld [tilespmem:s20+$0x430]  }
0xf0: {  	[tilespmem:s20+$0x104F0] =	vst.add.f32.msk $0xffff, v0  }
0xf1: {  	v0 =	vld [tilespmem:s20+$0x440]  }
0xf2: {  	v5 =	vld [tilespmem:s20+$0x450]  }
0xf3: {  	v6 =	vld [tilespmem:s20+$0x460]  }
0xf4: {  	v7 =	vld [tilespmem:s20+$0x470]  }
0xf5: {  	v8 =	vld [tilespmem:s20+$0x480]  }
0xf6: {  	v9 =	vld [tilespmem:s20+$0x490]  }
0xf7: {  	v10 =	vld [tilespmem:s20+$0x4A0]  }
0xf8: {  	v11 =	vld [tilespmem:s20+$0x4B0]  }
0xf9: {  	v12 =	vld [tilespmem:s20+$0x4C0]  }
0xfa: {  	v13 =	vld [tilespmem:s20+$0x4D0]  }
0xfb: {  	v14 =	vld [tilespmem:s20+$0x4E0]  }
0xfc: {  	[tilespmem:s20+$0x10400] =	vst.add.f32.msk $0xffff, v1  }
0xfd: {  	[tilespmem:s20+$0x10410] =	vst.add.f32.msk $0xffff, v2  }
0xfe: {  	[tilespmem:s20+$0x10420] =	vst.add.f32.msk $0xffff, v3  }
0xff: {  	[tilespmem:s20+$0x10430] =	vst.add.f32.msk $0xffff, v4  }
0x100: {  	[tilespmem:s20+$0x10440] =	vst.add.f32.msk $0xffff, v0  }
0x101: {  	[tilespmem:s20+$0x10450] =	vst.add.f32.msk $0xffff, v5  }
0x102: {  	[tilespmem:s20+$0x10460] =	vst.add.f32.msk $0xffff, v6  }
0x103: {  	[tilespmem:s20+$0x10470] =	vst.add.f32.msk $0xffff, v7  }
0x104: {  	[tilespmem:s20+$0x10480] =	vst.add.f32.msk $0xffff, v8  }
0x105: {  	[tilespmem:s20+$0x10490] =	vst.add.f32.msk $0xffff, v9  }
.Ltmp2:
0x106: {  	[tilespmem:s20+$0x104A0] =	vst.add.f32.msk $0xffff, v10;
	(pc) =	sbr.rel @p0 .LBB2_6-.Ltmp2, $4  }
0x107: {  	[tilespmem:s20+$0x104B0] =	vst.add.f32.msk $0xffff, v11  }
0x108: {  	[tilespmem:s20+$0x104C0] =	vst.add.f32.msk $0xffff, v12  }
0x109: {  	[tilespmem:s20+$0x104D0] =	vst.add.f32.msk $0xffff, v13  }
0x10a: {  	[tilespmem:s20+$0x104E0] =	vst.add.f32.msk $0xffff, v14;
	s20 =	sshra.s32 s21, $0x2;
	s21 =	sadd.s32 $0x400, s21  }
0x10b: {  	v0 =	vld [tilespmem:s20+$0x4F0]  }
0x10c: {  	v1 =	vld [tilespmem:s20+$0x400]  }
0x10d: {  	v2 =	vld [tilespmem:s20+$0x410]  }
0x10e: {  	v3 =	vld [tilespmem:s20+$0x420]  }
0x10f: {  	v4 =	vld [tilespmem:s20+$0x430]  }
0x110: {  	v63 =	vld [tilespmem:s20+$0x440]  }
0x111: {  	v5 =	vld [tilespmem:s20+$0x450]  }
0x112: {  	v6 =	vld [tilespmem:s20+$0x460]  }
0x113: {  	v7 =	vld [tilespmem:s20+$0x470]  }
0x114: {  	v8 =	vld [tilespmem:s20+$0x480]  }
0x115: {  	v9 =	vld [tilespmem:s20+$0x490]  }
0x116: {  	v10 =	vld [tilespmem:s20+$0x4A0]  }
0x117: {  	v11 =	vld [tilespmem:s20+$0x4B0]  }
0x118: {  	v12 =	vld [tilespmem:s20+$0x4C0]  }
0x119: {  	v13 =	vld [tilespmem:s20+$0x4D0]  }
0x11a: {  	v14 =	vld [tilespmem:s20+$0x4E0]  }
0x11b: {  	[tilespmem:s20+$0x104F0] =	vst.add.f32.msk $0xffff, v0  }
0x11c: {  	[tilespmem:s20+$0x10400] =	vst.add.f32.msk $0xffff, v1  }
0x11d: {  	[tilespmem:s20+$0x10410] =	vst.add.f32.msk $0xffff, v2  }
0x11e: {  	[tilespmem:s20+$0x10420] =	vst.add.f32.msk $0xffff, v3  }
0x11f: {  	[tilespmem:s20+$0x10430] =	vst.add.f32.msk $0xffff, v4  }
0x120: {  	[tilespmem:s20+$0x10440] =	vst.add.f32.msk $0xffff, v63  }
0x121: {  	[tilespmem:s20+$0x10450] =	vst.add.f32.msk $0xffff, v5  }
0x122: {  	[tilespmem:s20+$0x10460] =	vst.add.f32.msk $0xffff, v6  }
0x123: {  	[tilespmem:s20+$0x10470] =	vst.add.f32.msk $0xffff, v7  }
0x124: {  	[tilespmem:s20+$0x10480] =	vst.add.f32.msk $0xffff, v8  }
0x125: {  	[tilespmem:s20+$0x10490] =	vst.add.f32.msk $0xffff, v9  }
0x126: {  	[tilespmem:s20+$0x104A0] =	vst.add.f32.msk $0xffff, v10  }
0x127: {  	[tilespmem:s20+$0x104B0] =	vst.add.f32.msk $0xffff, v11  }
0x128: {  	[tilespmem:s20+$0x104C0] =	vst.add.f32.msk $0xffff, v12  }
0x129: {  	[tilespmem:s20+$0x104D0] =	vst.add.f32.msk $0xffff, v13  }
0x12a: {  	s22 =	simm.s32 $0x0;
	s21 =	rddreg [dreg:$0x13];
	[tilespmem:s20+$0x104E0] =	vst.add.f32.msk $0xffff, v14  }
0x12b: {  	[hbm4b:s21+s22] =	stream.linear.scatter [tilespmem:s12], [sflag:$0x10], $0x4000, $0x38;
	[tilespmem:$0x16340] =	vst v63  }
0x12c: {  	_ =	swait.ge [sflag:s28], $0x4000  }
0x12d: {  	[sflag:s28] =	ssyncset.done $0x0  }
0x12e: {  	[sflag:s28] =	ssyncadd.s32 $0xFFFFC000  }
0x12f: {  	_ =	swait.ge [sflag:s18], $0x80  }
0x130: {  	[sflag:s18] =	ssyncset.done $0x0  }
0x131: {  	s22 =	simm.s32 $0x280;
	[sflag:s18] =	ssyncadd.s32 $0xFFFFFF80  }
0x132: {  	[tilespmem:s12], [sflag:$0xD] =	stream.indirect.gather [spmem:s2], $0x80, s22, s30, $0xb8;
	[tilespmem:$0x16340] =	vst v63  }
0x133: {  	_ =	swait.ge [sflag:s13], $0x4000  }
0x134: {  	[sflag:s13] =	ssyncset.done $0x0  }
0x135: {  	s20 =	simm.s32 $0x0;
	s21 =	simm.s32 $0x400;
	[sflag:s13] =	ssyncadd.s32 $0xFFFFC000  }
.LBB2_8:
0x136: {  	p0 =	sne.s32 s21, $0xFC00;
	v0 =	vld [tilespmem:s20+$0x4F0]  }
0x137: {  	v1 =	vld [tilespmem:s20+$0x400]  }
0x138: {  	v2 =	vld [tilespmem:s20+$0x410]  }
0x139: {  	v3 =	vld [tilespmem:s20+$0x420]  }
0x13a: {  	v4 =	vld [tilespmem:s20+$0x430]  }
0x13b: {  	[tilespmem:s20+$0x84F0] =	vst.add.f32.msk $0xffff, v0  }
0x13c: {  	v0 =	vld [tilespmem:s20+$0x440]  }
0x13d: {  	v5 =	vld [tilespmem:s20+$0x450]  }
0x13e: {  	v6 =	vld [tilespmem:s20+$0x460]  }
0x13f: {  	v7 =	vld [tilespmem:s20+$0x470]  }
0x140: {  	v8 =	vld [tilespmem:s20+$0x480]  }
0x141: {  	v9 =	vld [tilespmem:s20+$0x490]  }
0x142: {  	v10 =	vld [tilespmem:s20+$0x4A0]  }
0x143: {  	v11 =	vld [tilespmem:s20+$0x4B0]  }
0x144: {  	v12 =	vld [tilespmem:s20+$0x4C0]  }
0x145: {  	v13 =	vld [tilespmem:s20+$0x4D0]  }
0x146: {  	v14 =	vld [tilespmem:s20+$0x4E0]  }
0x147: {  	[tilespmem:s20+$0x8400] =	vst.add.f32.msk $0xffff, v1  }
0x148: {  	[tilespmem:s20+$0x8410] =	vst.add.f32.msk $0xffff, v2  }
0x149: {  	[tilespmem:s20+$0x8420] =	vst.add.f32.msk $0xffff, v3  }
0x14a: {  	[tilespmem:s20+$0x8430] =	vst.add.f32.msk $0xffff, v4  }
0x14b: {  	[tilespmem:s20+$0x8440] =	vst.add.f32.msk $0xffff, v0  }
0x14c: {  	[tilespmem:s20+$0x8450] =	vst.add.f32.msk $0xffff, v5  }
0x14d: {  	[tilespmem:s20+$0x8460] =	vst.add.f32.msk $0xffff, v6  }
0x14e: {  	[tilespmem:s20+$0x8470] =	vst.add.f32.msk $0xffff, v7  }
0x14f: {  	[tilespmem:s20+$0x8480] =	vst.add.f32.msk $0xffff, v8  }
0x150: {  	[tilespmem:s20+$0x8490] =	vst.add.f32.msk $0xffff, v9  }
.Ltmp3:
0x151: {  	[tilespmem:s20+$0x84A0] =	vst.add.f32.msk $0xffff, v10;
	(pc) =	sbr.rel @p0 .LBB2_8-.Ltmp3, $4  }
0x152: {  	[tilespmem:s20+$0x84B0] =	vst.add.f32.msk $0xffff, v11  }
0x153: {  	[tilespmem:s20+$0x84C0] =	vst.add.f32.msk $0xffff, v12  }
0x154: {  	[tilespmem:s20+$0x84D0] =	vst.add.f32.msk $0xffff, v13  }
0x155: {  	[tilespmem:s20+$0x84E0] =	vst.add.f32.msk $0xffff, v14;
	s20 =	sshra.s32 s21, $0x2;
	s21 =	sadd.s32 $0x400, s21  }
0x156: {  	v0 =	vld [tilespmem:s20+$0x4F0]  }
0x157: {  	v1 =	vld [tilespmem:s20+$0x400]  }
0x158: {  	v2 =	vld [tilespmem:s20+$0x410]  }
0x159: {  	v3 =	vld [tilespmem:s20+$0x420]  }
0x15a: {  	v4 =	vld [tilespmem:s20+$0x430]  }
0x15b: {  	v63 =	vld [tilespmem:s20+$0x440]  }
0x15c: {  	v5 =	vld [tilespmem:s20+$0x450]  }
0x15d: {  	v6 =	vld [tilespmem:s20+$0x460]  }
0x15e: {  	v7 =	vld [tilespmem:s20+$0x470]  }
0x15f: {  	v8 =	vld [tilespmem:s20+$0x480]  }
0x160: {  	v9 =	vld [tilespmem:s20+$0x490]  }
0x161: {  	v10 =	vld [tilespmem:s20+$0x4A0]  }
0x162: {  	v11 =	vld [tilespmem:s20+$0x4B0]  }
0x163: {  	v12 =	vld [tilespmem:s20+$0x4C0]  }
0x164: {  	v13 =	vld [tilespmem:s20+$0x4D0]  }
0x165: {  	v14 =	vld [tilespmem:s20+$0x4E0]  }
0x166: {  	[tilespmem:s20+$0x84F0] =	vst.add.f32.msk $0xffff, v0  }
0x167: {  	[tilespmem:s20+$0x8400] =	vst.add.f32.msk $0xffff, v1  }
0x168: {  	[tilespmem:s20+$0x8410] =	vst.add.f32.msk $0xffff, v2  }
0x169: {  	[tilespmem:s20+$0x8420] =	vst.add.f32.msk $0xffff, v3  }
0x16a: {  	[tilespmem:s20+$0x8430] =	vst.add.f32.msk $0xffff, v4  }
0x16b: {  	[tilespmem:s20+$0x8440] =	vst.add.f32.msk $0xffff, v63  }
0x16c: {  	[tilespmem:s20+$0x8450] =	vst.add.f32.msk $0xffff, v5  }
0x16d: {  	[tilespmem:s20+$0x8460] =	vst.add.f32.msk $0xffff, v6  }
0x16e: {  	[tilespmem:s20+$0x8470] =	vst.add.f32.msk $0xffff, v7  }
0x16f: {  	[tilespmem:s20+$0x8480] =	vst.add.f32.msk $0xffff, v8  }
0x170: {  	[tilespmem:s20+$0x8490] =	vst.add.f32.msk $0xffff, v9  }
0x171: {  	[tilespmem:s20+$0x84A0] =	vst.add.f32.msk $0xffff, v10  }
0x172: {  	[tilespmem:s20+$0x84B0] =	vst.add.f32.msk $0xffff, v11  }
0x173: {  	[tilespmem:s20+$0x84C0] =	vst.add.f32.msk $0xffff, v12  }
0x174: {  	[tilespmem:s20+$0x84D0] =	vst.add.f32.msk $0xffff, v13  }
0x175: {  	s22 =	simm.s32 $0x0;
	s21 =	rddreg [dreg:$0x14];
	[tilespmem:s20+$0x84E0] =	vst.add.f32.msk $0xffff, v14  }
0x176: {  	[hbm4b:s21+s22] =	stream.linear.scatter [tilespmem:s7], [sflag:$0xE], $0x4000, $0x38;
	[tilespmem:$0x16340] =	vst v63  }
0x177: {  	_ =	swait.ge [sflag:s14], $0x4000  }
0x178: {  	[sflag:s14] =	ssyncset.done $0x0  }
0x179: {  	[sflag:s14] =	ssyncadd.s32 $0xFFFFC000  }
0x17a: {  	_ =	swait.ge [sflag:s29], $0x80  }
0x17b: {  	[sflag:s29] =	ssyncset.done $0x0  }
0x17c: {  	[sflag:s29] =	ssyncadd.s32 $0xFFFFFF80  }
0x17d: {  	[tilespmem:s7], [sflag:$0xB] =	stream.indirect.gather [spmem:s2], $0x80, s23, s30, $0xb8;
	[tilespmem:$0x16340] =	vst v63  }
0x17e: {  	_ =	swait.ge [sflag:s15], $0x4000  }
0x17f: {  	[sflag:s15] =	ssyncset.done $0x0  }
0x180: {  	s20 =	simm.s32 $0x0;
	s21 =	simm.s32 $0x400;
	[sflag:s15] =	ssyncadd.s32 $0xFFFFC000  }
.LBB2_10:
0x181: {  	p0 =	sne.s32 s21, $0xFC00;
	v0 =	vld [tilespmem:s20+$0x44F0]  }
0x182: {  	v1 =	vld [tilespmem:s20+$0x4400]  }
0x183: {  	v2 =	vld [tilespmem:s20+$0x4410]  }
0x184: {  	v3 =	vld [tilespmem:s20+$0x4420]  }
0x185: {  	v4 =	vld [tilespmem:s20+$0x4430]  }
0x186: {  	[tilespmem:s20+$0xC4F0] =	vst.add.f32.msk $0xffff, v0  }
0x187: {  	v0 =	vld [tilespmem:s20+$0x4440]  }
0x188: {  	v5 =	vld [tilespmem:s20+$0x4450]  }
0x189: {  	v6 =	vld [tilespmem:s20+$0x4460]  }
0x18a: {  	v7 =	vld [tilespmem:s20+$0x4470]  }
0x18b: {  	v8 =	vld [tilespmem:s20+$0x4480]  }
0x18c: {  	v9 =	vld [tilespmem:s20+$0x4490]  }
0x18d: {  	v10 =	vld [tilespmem:s20+$0x44A0]  }
0x18e: {  	v11 =	vld [tilespmem:s20+$0x44B0]  }
0x18f: {  	v12 =	vld [tilespmem:s20+$0x44C0]  }
0x190: {  	v13 =	vld [tilespmem:s20+$0x44D0]  }
0x191: {  	v14 =	vld [tilespmem:s20+$0x44E0]  }
0x192: {  	[tilespmem:s20+$0xC400] =	vst.add.f32.msk $0xffff, v1  }
0x193: {  	[tilespmem:s20+$0xC410] =	vst.add.f32.msk $0xffff, v2  }
0x194: {  	[tilespmem:s20+$0xC420] =	vst.add.f32.msk $0xffff, v3  }
0x195: {  	[tilespmem:s20+$0xC430] =	vst.add.f32.msk $0xffff, v4  }
0x196: {  	[tilespmem:s20+$0xC440] =	vst.add.f32.msk $0xffff, v0  }
0x197: {  	[tilespmem:s20+$0xC450] =	vst.add.f32.msk $0xffff, v5  }
0x198: {  	[tilespmem:s20+$0xC460] =	vst.add.f32.msk $0xffff, v6  }
0x199: {  	[tilespmem:s20+$0xC470] =	vst.add.f32.msk $0xffff, v7  }
0x19a: {  	[tilespmem:s20+$0xC480] =	vst.add.f32.msk $0xffff, v8  }
0x19b: {  	[tilespmem:s20+$0xC490] =	vst.add.f32.msk $0xffff, v9  }
.Ltmp4:
0x19c: {  	[tilespmem:s20+$0xC4A0] =	vst.add.f32.msk $0xffff, v10;
	(pc) =	sbr.rel @p0 .LBB2_10-.Ltmp4, $4  }
0x19d: {  	[tilespmem:s20+$0xC4B0] =	vst.add.f32.msk $0xffff, v11  }
0x19e: {  	[tilespmem:s20+$0xC4C0] =	vst.add.f32.msk $0xffff, v12  }
0x19f: {  	[tilespmem:s20+$0xC4D0] =	vst.add.f32.msk $0xffff, v13  }
0x1a0: {  	[tilespmem:s20+$0xC4E0] =	vst.add.f32.msk $0xffff, v14;
	s20 =	sshra.s32 s21, $0x2;
	s21 =	sadd.s32 $0x400, s21  }
0x1a1: {  	v0 =	vld [tilespmem:s20+$0x44F0]  }
0x1a2: {  	v1 =	vld [tilespmem:s20+$0x4400]  }
0x1a3: {  	v2 =	vld [tilespmem:s20+$0x4410]  }
0x1a4: {  	v3 =	vld [tilespmem:s20+$0x4420]  }
0x1a5: {  	v4 =	vld [tilespmem:s20+$0x4430]  }
0x1a6: {  	v63 =	vld [tilespmem:s20+$0x4440]  }
0x1a7: {  	v5 =	vld [tilespmem:s20+$0x4450]  }
0x1a8: {  	v6 =	vld [tilespmem:s20+$0x4460]  }
0x1a9: {  	v7 =	vld [tilespmem:s20+$0x4470]  }
0x1aa: {  	v8 =	vld [tilespmem:s20+$0x4480]  }
0x1ab: {  	v9 =	vld [tilespmem:s20+$0x4490]  }
0x1ac: {  	v10 =	vld [tilespmem:s20+$0x44A0]  }
0x1ad: {  	v11 =	vld [tilespmem:s20+$0x44B0]  }
0x1ae: {  	v12 =	vld [tilespmem:s20+$0x44C0]  }
0x1af: {  	v13 =	vld [tilespmem:s20+$0x44D0]  }
0x1b0: {  	v14 =	vld [tilespmem:s20+$0x44E0]  }
0x1b1: {  	[tilespmem:s20+$0xC4F0] =	vst.add.f32.msk $0xffff, v0  }
0x1b2: {  	[tilespmem:s20+$0xC400] =	vst.add.f32.msk $0xffff, v1  }
0x1b3: {  	[tilespmem:s20+$0xC410] =	vst.add.f32.msk $0xffff, v2  }
0x1b4: {  	[tilespmem:s20+$0xC420] =	vst.add.f32.msk $0xffff, v3  }
0x1b5: {  	[tilespmem:s20+$0xC430] =	vst.add.f32.msk $0xffff, v4  }
0x1b6: {  	[tilespmem:s20+$0xC440] =	vst.add.f32.msk $0xffff, v63  }
0x1b7: {  	[tilespmem:s20+$0xC450] =	vst.add.f32.msk $0xffff, v5  }
0x1b8: {  	[tilespmem:s20+$0xC460] =	vst.add.f32.msk $0xffff, v6  }
0x1b9: {  	[tilespmem:s20+$0xC470] =	vst.add.f32.msk $0xffff, v7  }
0x1ba: {  	[tilespmem:s20+$0xC480] =	vst.add.f32.msk $0xffff, v8  }
0x1bb: {  	[tilespmem:s20+$0xC490] =	vst.add.f32.msk $0xffff, v9  }
0x1bc: {  	[tilespmem:s20+$0xC4A0] =	vst.add.f32.msk $0xffff, v10  }
0x1bd: {  	[tilespmem:s20+$0xC4B0] =	vst.add.f32.msk $0xffff, v11  }
0x1be: {  	[tilespmem:s20+$0xC4C0] =	vst.add.f32.msk $0xffff, v12  }
0x1bf: {  	[tilespmem:s20+$0xC4D0] =	vst.add.f32.msk $0xffff, v13  }
0x1c0: {  	s22 =	simm.s32 $0x0;
	s21 =	rddreg [dreg:$0x15];
	[tilespmem:s20+$0xC4E0] =	vst.add.f32.msk $0xffff, v14  }
0x1c1: {  	[hbm4b:s21+s22] =	stream.linear.scatter [tilespmem:s8], [sflag:$0xF], $0x4000, $0x38;
	[tilespmem:$0x16340] =	vst v63  }
0x1c2: {  	_ =	swait.ge [sflag:s0], $0x4000  }
0x1c3: {  	[sflag:s0] =	ssyncset.done $0x0  }
0x1c4: {  	[sflag:s0] =	ssyncadd.s32 $0xFFFFC000  }
0x1c5: {  	_ =	swait.ge [sflag:s19], $0x80  }
0x1c6: {  	[sflag:s19] =	ssyncset.done $0x0  }
0x1c7: {  	s23 =	simm.s32 $0x380;
	[sflag:s19] =	ssyncadd.s32 $0xFFFFFF80  }
0x1c8: {  	[tilespmem:s8], [sflag:$0xC] =	stream.indirect.gather [spmem:s2], $0x80, s23, s30, $0xb8;
	[tilespmem:$0x16340] =	vst v63  }
0x1c9: {  	_ =	swait.ge [sflag:s17], $0x4000  }
0x1ca: {  	[sflag:s17] =	ssyncset.done $0x0  }
0x1cb: {  	s20 =	simm.s32 $0x0;
	s21 =	simm.s32 $0x400;
	[sflag:s17] =	ssyncadd.s32 $0xFFFFC000  }
.LBB2_12:
0x1cc: {  	p0 =	sne.s32 s21, $0xFC00;
	v0 =	vld [tilespmem:s20+$0x44F0]  }
0x1cd: {  	v1 =	vld [tilespmem:s20+$0x4400]  }
0x1ce: {  	v2 =	vld [tilespmem:s20+$0x4410]  }
0x1cf: {  	v3 =	vld [tilespmem:s20+$0x4420]  }
0x1d0: {  	v4 =	vld [tilespmem:s20+$0x4430]  }
0x1d1: {  	[tilespmem:s20+$0x104F0] =	vst.add.f32.msk $0xffff, v0  }
0x1d2: {  	v0 =	vld [tilespmem:s20+$0x4440]  }
0x1d3: {  	v5 =	vld [tilespmem:s20+$0x4450]  }
0x1d4: {  	v6 =	vld [tilespmem:s20+$0x4460]  }
0x1d5: {  	v7 =	vld [tilespmem:s20+$0x4470]  }
0x1d6: {  	v8 =	vld [tilespmem:s20+$0x4480]  }
0x1d7: {  	v9 =	vld [tilespmem:s20+$0x4490]  }
0x1d8: {  	v10 =	vld [tilespmem:s20+$0x44A0]  }
0x1d9: {  	v11 =	vld [tilespmem:s20+$0x44B0]  }
0x1da: {  	v12 =	vld [tilespmem:s20+$0x44C0]  }
0x1db: {  	v13 =	vld [tilespmem:s20+$0x44D0]  }
0x1dc: {  	v14 =	vld [tilespmem:s20+$0x44E0]  }
0x1dd: {  	[tilespmem:s20+$0x10400] =	vst.add.f32.msk $0xffff, v1  }
0x1de: {  	[tilespmem:s20+$0x10410] =	vst.add.f32.msk $0xffff, v2  }
0x1df: {  	[tilespmem:s20+$0x10420] =	vst.add.f32.msk $0xffff, v3  }
0x1e0: {  	[tilespmem:s20+$0x10430] =	vst.add.f32.msk $0xffff, v4  }
0x1e1: {  	[tilespmem:s20+$0x10440] =	vst.add.f32.msk $0xffff, v0  }
0x1e2: {  	[tilespmem:s20+$0x10450] =	vst.add.f32.msk $0xffff, v5  }
0x1e3: {  	[tilespmem:s20+$0x10460] =	vst.add.f32.msk $0xffff, v6  }
0x1e4: {  	[tilespmem:s20+$0x10470] =	vst.add.f32.msk $0xffff, v7  }
0x1e5: {  	[tilespmem:s20+$0x10480] =	vst.add.f32.msk $0xffff, v8  }
0x1e6: {  	[tilespmem:s20+$0x10490] =	vst.add.f32.msk $0xffff, v9  }
.Ltmp5:
0x1e7: {  	[tilespmem:s20+$0x104A0] =	vst.add.f32.msk $0xffff, v10;
	(pc) =	sbr.rel @p0 .LBB2_12-.Ltmp5, $4  }
0x1e8: {  	[tilespmem:s20+$0x104B0] =	vst.add.f32.msk $0xffff, v11  }
0x1e9: {  	[tilespmem:s20+$0x104C0] =	vst.add.f32.msk $0xffff, v12  }
0x1ea: {  	[tilespmem:s20+$0x104D0] =	vst.add.f32.msk $0xffff, v13  }
0x1eb: {  	[tilespmem:s20+$0x104E0] =	vst.add.f32.msk $0xffff, v14;
	s20 =	sshra.s32 s21, $0x2;
	s21 =	sadd.s32 $0x400, s21  }
0x1ec: {  	v0 =	vld [tilespmem:s20+$0x44F0]  }
0x1ed: {  	v1 =	vld [tilespmem:s20+$0x4400]  }
0x1ee: {  	v2 =	vld [tilespmem:s20+$0x4410]  }
0x1ef: {  	v3 =	vld [tilespmem:s20+$0x4420]  }
0x1f0: {  	v4 =	vld [tilespmem:s20+$0x4430]  }
0x1f1: {  	v63 =	vld [tilespmem:s20+$0x4440]  }
0x1f2: {  	v5 =	vld [tilespmem:s20+$0x4450]  }
0x1f3: {  	v6 =	vld [tilespmem:s20+$0x4460]  }
0x1f4: {  	v7 =	vld [tilespmem:s20+$0x4470]  }
0x1f5: {  	v8 =	vld [tilespmem:s20+$0x4480]  }
0x1f6: {  	v9 =	vld [tilespmem:s20+$0x4490]  }
0x1f7: {  	v10 =	vld [tilespmem:s20+$0x44A0]  }
0x1f8: {  	v11 =	vld [tilespmem:s20+$0x44B0]  }
0x1f9: {  	v12 =	vld [tilespmem:s20+$0x44C0]  }
0x1fa: {  	v13 =	vld [tilespmem:s20+$0x44D0]  }
0x1fb: {  	v14 =	vld [tilespmem:s20+$0x44E0]  }
0x1fc: {  	[tilespmem:s20+$0x104F0] =	vst.add.f32.msk $0xffff, v0  }
0x1fd: {  	[tilespmem:s20+$0x10400] =	vst.add.f32.msk $0xffff, v1  }
0x1fe: {  	[tilespmem:s20+$0x10410] =	vst.add.f32.msk $0xffff, v2  }
0x1ff: {  	[tilespmem:s20+$0x10420] =	vst.add.f32.msk $0xffff, v3  }
0x200: {  	[tilespmem:s20+$0x10430] =	vst.add.f32.msk $0xffff, v4  }
0x201: {  	[tilespmem:s20+$0x10440] =	vst.add.f32.msk $0xffff, v63  }
0x202: {  	[tilespmem:s20+$0x10450] =	vst.add.f32.msk $0xffff, v5  }
0x203: {  	[tilespmem:s20+$0x10460] =	vst.add.f32.msk $0xffff, v6  }
0x204: {  	[tilespmem:s20+$0x10470] =	vst.add.f32.msk $0xffff, v7  }
0x205: {  	[tilespmem:s20+$0x10480] =	vst.add.f32.msk $0xffff, v8  }
0x206: {  	[tilespmem:s20+$0x10490] =	vst.add.f32.msk $0xffff, v9  }
0x207: {  	[tilespmem:s20+$0x104A0] =	vst.add.f32.msk $0xffff, v10  }
0x208: {  	[tilespmem:s20+$0x104B0] =	vst.add.f32.msk $0xffff, v11  }
0x209: {  	[tilespmem:s20+$0x104C0] =	vst.add.f32.msk $0xffff, v12  }
0x20a: {  	[tilespmem:s20+$0x104D0] =	vst.add.f32.msk $0xffff, v13  }
0x20b: {  	s23 =	simm.s32 $0x0;
	s21 =	rddreg [dreg:$0x16];
	[tilespmem:s20+$0x104E0] =	vst.add.f32.msk $0xffff, v14  }
0x20c: {  	[hbm4b:s21+s23] =	stream.linear.scatter [tilespmem:s12], [sflag:$0x10], $0x4000, $0x38;
	[tilespmem:$0x16340] =	vst v63  }
0x20d: {  	_ =	swait.ge [sflag:s13], $0x4000  }
0x20e: {  	[sflag:s13] =	ssyncset.done $0x0  }
0x20f: {  	s20 =	simm.s32 $0x0;
	s21 =	simm.s32 $0x400;
	[sflag:s13] =	ssyncadd.s32 $0xFFFFC000  }
.LBB2_14:
0x210: {  	p0 =	sne.s32 s21, $0xFC00;
	v0 =	vld [tilespmem:s20+$0x44F0]  }
0x211: {  	v1 =	vld [tilespmem:s20+$0x4400]  }
0x212: {  	v2 =	vld [tilespmem:s20+$0x4410]  }
0x213: {  	v3 =	vld [tilespmem:s20+$0x4420]  }
0x214: {  	v4 =	vld [tilespmem:s20+$0x4430]  }
0x215: {  	[tilespmem:s20+$0x84F0] =	vst.add.f32.msk $0xffff, v0  }
0x216: {  	v0 =	vld [tilespmem:s20+$0x4440]  }
0x217: {  	v5 =	vld [tilespmem:s20+$0x4450]  }
0x218: {  	v6 =	vld [tilespmem:s20+$0x4460]  }
0x219: {  	v7 =	vld [tilespmem:s20+$0x4470]  }
0x21a: {  	v8 =	vld [tilespmem:s20+$0x4480]  }
0x21b: {  	v9 =	vld [tilespmem:s20+$0x4490]  }
0x21c: {  	v10 =	vld [tilespmem:s20+$0x44A0]  }
0x21d: {  	v11 =	vld [tilespmem:s20+$0x44B0]  }
0x21e: {  	v12 =	vld [tilespmem:s20+$0x44C0]  }
0x21f: {  	v13 =	vld [tilespmem:s20+$0x44D0]  }
0x220: {  	v14 =	vld [tilespmem:s20+$0x44E0]  }
0x221: {  	[tilespmem:s20+$0x8400] =	vst.add.f32.msk $0xffff, v1  }
0x222: {  	[tilespmem:s20+$0x8410] =	vst.add.f32.msk $0xffff, v2  }
0x223: {  	[tilespmem:s20+$0x8420] =	vst.add.f32.msk $0xffff, v3  }
0x224: {  	[tilespmem:s20+$0x8430] =	vst.add.f32.msk $0xffff, v4  }
0x225: {  	[tilespmem:s20+$0x8440] =	vst.add.f32.msk $0xffff, v0  }
0x226: {  	[tilespmem:s20+$0x8450] =	vst.add.f32.msk $0xffff, v5  }
0x227: {  	[tilespmem:s20+$0x8460] =	vst.add.f32.msk $0xffff, v6  }
0x228: {  	[tilespmem:s20+$0x8470] =	vst.add.f32.msk $0xffff, v7  }
0x229: {  	[tilespmem:s20+$0x8480] =	vst.add.f32.msk $0xffff, v8  }
0x22a: {  	[tilespmem:s20+$0x8490] =	vst.add.f32.msk $0xffff, v9  }
.Ltmp6:
0x22b: {  	[tilespmem:s20+$0x84A0] =	vst.add.f32.msk $0xffff, v10;
	(pc) =	sbr.rel @p0 .LBB2_14-.Ltmp6, $4  }
0x22c: {  	[tilespmem:s20+$0x84B0] =	vst.add.f32.msk $0xffff, v11  }
0x22d: {  	[tilespmem:s20+$0x84C0] =	vst.add.f32.msk $0xffff, v12  }
0x22e: {  	[tilespmem:s20+$0x84D0] =	vst.add.f32.msk $0xffff, v13  }
0x22f: {  	[tilespmem:s20+$0x84E0] =	vst.add.f32.msk $0xffff, v14;
	s20 =	sshra.s32 s21, $0x2;
	s21 =	sadd.s32 $0x400, s21  }
0x230: {  	v0 =	vld [tilespmem:s20+$0x44F0]  }
0x231: {  	v1 =	vld [tilespmem:s20+$0x4400]  }
0x232: {  	v2 =	vld [tilespmem:s20+$0x4410]  }
0x233: {  	v3 =	vld [tilespmem:s20+$0x4420]  }
0x234: {  	v4 =	vld [tilespmem:s20+$0x4430]  }
0x235: {  	v63 =	vld [tilespmem:s20+$0x4440]  }
0x236: {  	v5 =	vld [tilespmem:s20+$0x4450]  }
0x237: {  	v6 =	vld [tilespmem:s20+$0x4460]  }
0x238: {  	v7 =	vld [tilespmem:s20+$0x4470]  }
0x239: {  	v8 =	vld [tilespmem:s20+$0x4480]  }
0x23a: {  	v9 =	vld [tilespmem:s20+$0x4490]  }
0x23b: {  	v10 =	vld [tilespmem:s20+$0x44A0]  }
0x23c: {  	v11 =	vld [tilespmem:s20+$0x44B0]  }
0x23d: {  	v12 =	vld [tilespmem:s20+$0x44C0]  }
0x23e: {  	v13 =	vld [tilespmem:s20+$0x44D0]  }
0x23f: {  	v14 =	vld [tilespmem:s20+$0x44E0]  }
0x240: {  	[tilespmem:s20+$0x84F0] =	vst.add.f32.msk $0xffff, v0  }
0x241: {  	[tilespmem:s20+$0x8400] =	vst.add.f32.msk $0xffff, v1  }
0x242: {  	[tilespmem:s20+$0x8410] =	vst.add.f32.msk $0xffff, v2  }
0x243: {  	[tilespmem:s20+$0x8420] =	vst.add.f32.msk $0xffff, v3  }
0x244: {  	[tilespmem:s20+$0x8430] =	vst.add.f32.msk $0xffff, v4  }
0x245: {  	[tilespmem:s20+$0x8440] =	vst.add.f32.msk $0xffff, v63  }
0x246: {  	[tilespmem:s20+$0x8450] =	vst.add.f32.msk $0xffff, v5  }
0x247: {  	[tilespmem:s20+$0x8460] =	vst.add.f32.msk $0xffff, v6  }
0x248: {  	[tilespmem:s20+$0x8470] =	vst.add.f32.msk $0xffff, v7  }
0x249: {  	[tilespmem:s20+$0x8480] =	vst.add.f32.msk $0xffff, v8  }
0x24a: {  	[tilespmem:s20+$0x8490] =	vst.add.f32.msk $0xffff, v9  }
0x24b: {  	[tilespmem:s20+$0x84A0] =	vst.add.f32.msk $0xffff, v10  }
0x24c: {  	[tilespmem:s20+$0x84B0] =	vst.add.f32.msk $0xffff, v11  }
0x24d: {  	[tilespmem:s20+$0x84C0] =	vst.add.f32.msk $0xffff, v12  }
0x24e: {  	[tilespmem:s20+$0x84D0] =	vst.add.f32.msk $0xffff, v13  }
0x24f: {  	s23 =	simm.s32 $0x0;
	s21 =	rddreg [dreg:$0x17];
	[tilespmem:s20+$0x84E0] =	vst.add.f32.msk $0xffff, v14  }
0x250: {  	[hbm4b:s21+s23] =	stream.linear.scatter [tilespmem:s7], [sflag:$0xE], $0x4000, $0x38;
	[tilespmem:$0x16340] =	vst v63  }
0x251: {  	_ =	swait.ge [sflag:s15], $0x4000  }
0x252: {  	[sflag:s15] =	ssyncset.done $0x0  }
0x253: {  	s20 =	simm.s32 $0x0;
	s21 =	simm.s32 $0x400;
	[sflag:s15] =	ssyncadd.s32 $0xFFFFC000  }
.LBB2_16:
0x254: {  	p0 =	sne.s32 s21, $0xFC00;
	v0 =	vld [tilespmem:s20+$0x44F0]  }
0x255: {  	v1 =	vld [tilespmem:s20+$0x4400]  }
0x256: {  	v2 =	vld [tilespmem:s20+$0x4410]  }
0x257: {  	v3 =	vld [tilespmem:s20+$0x4420]  }
0x258: {  	v4 =	vld [tilespmem:s20+$0x4430]  }
0x259: {  	[tilespmem:s20+$0xC4F0] =	vst.add.f32.msk $0xffff, v0  }
0x25a: {  	v0 =	vld [tilespmem:s20+$0x4440]  }
0x25b: {  	v5 =	vld [tilespmem:s20+$0x4450]  }
0x25c: {  	v6 =	vld [tilespmem:s20+$0x4460]  }
0x25d: {  	v7 =	vld [tilespmem:s20+$0x4470]  }
0x25e: {  	v8 =	vld [tilespmem:s20+$0x4480]  }
0x25f: {  	v9 =	vld [tilespmem:s20+$0x4490]  }
0x260: {  	v10 =	vld [tilespmem:s20+$0x44A0]  }
0x261: {  	v11 =	vld [tilespmem:s20+$0x44B0]  }
0x262: {  	v12 =	vld [tilespmem:s20+$0x44C0]  }
0x263: {  	v13 =	vld [tilespmem:s20+$0x44D0]  }
0x264: {  	v14 =	vld [tilespmem:s20+$0x44E0]  }
0x265: {  	[tilespmem:s20+$0xC400] =	vst.add.f32.msk $0xffff, v1  }
0x266: {  	[tilespmem:s20+$0xC410] =	vst.add.f32.msk $0xffff, v2  }
0x267: {  	[tilespmem:s20+$0xC420] =	vst.add.f32.msk $0xffff, v3  }
0x268: {  	[tilespmem:s20+$0xC430] =	vst.add.f32.msk $0xffff, v4  }
0x269: {  	[tilespmem:s20+$0xC440] =	vst.add.f32.msk $0xffff, v0  }
0x26a: {  	[tilespmem:s20+$0xC450] =	vst.add.f32.msk $0xffff, v5  }
0x26b: {  	[tilespmem:s20+$0xC460] =	vst.add.f32.msk $0xffff, v6  }
0x26c: {  	[tilespmem:s20+$0xC470] =	vst.add.f32.msk $0xffff, v7  }
0x26d: {  	[tilespmem:s20+$0xC480] =	vst.add.f32.msk $0xffff, v8  }
0x26e: {  	[tilespmem:s20+$0xC490] =	vst.add.f32.msk $0xffff, v9  }
.Ltmp7:
0x26f: {  	[tilespmem:s20+$0xC4A0] =	vst.add.f32.msk $0xffff, v10;
	(pc) =	sbr.rel @p0 .LBB2_16-.Ltmp7, $4  }
0x270: {  	[tilespmem:s20+$0xC4B0] =	vst.add.f32.msk $0xffff, v11  }
0x271: {  	[tilespmem:s20+$0xC4C0] =	vst.add.f32.msk $0xffff, v12  }
0x272: {  	[tilespmem:s20+$0xC4D0] =	vst.add.f32.msk $0xffff, v13  }
0x273: {  	[tilespmem:s20+$0xC4E0] =	vst.add.f32.msk $0xffff, v14;
	s20 =	sshra.s32 s21, $0x2;
	s21 =	sadd.s32 $0x400, s21  }
0x274: {  	v0 =	vld [tilespmem:s20+$0x44F0]  }
0x275: {  	v1 =	vld [tilespmem:s20+$0x4400]  }
0x276: {  	v2 =	vld [tilespmem:s20+$0x4410]  }
0x277: {  	v3 =	vld [tilespmem:s20+$0x4420]  }
0x278: {  	v4 =	vld [tilespmem:s20+$0x4430]  }
0x279: {  	v63 =	vld [tilespmem:s20+$0x4440]  }
0x27a: {  	v5 =	vld [tilespmem:s20+$0x4450]  }
0x27b: {  	v6 =	vld [tilespmem:s20+$0x4460]  }
0x27c: {  	v7 =	vld [tilespmem:s20+$0x4470]  }
0x27d: {  	v8 =	vld [tilespmem:s20+$0x4480]  }
0x27e: {  	v9 =	vld [tilespmem:s20+$0x4490]  }
0x27f: {  	v10 =	vld [tilespmem:s20+$0x44A0]  }
0x280: {  	v11 =	vld [tilespmem:s20+$0x44B0]  }
0x281: {  	v12 =	vld [tilespmem:s20+$0x44C0]  }
0x282: {  	v13 =	vld [tilespmem:s20+$0x44D0]  }
0x283: {  	v14 =	vld [tilespmem:s20+$0x44E0]  }
0x284: {  	[tilespmem:s20+$0xC4F0] =	vst.add.f32.msk $0xffff, v0  }
0x285: {  	[tilespmem:s20+$0xC400] =	vst.add.f32.msk $0xffff, v1  }
0x286: {  	[tilespmem:s20+$0xC410] =	vst.add.f32.msk $0xffff, v2  }
0x287: {  	[tilespmem:s20+$0xC420] =	vst.add.f32.msk $0xffff, v3  }
0x288: {  	[tilespmem:s20+$0xC430] =	vst.add.f32.msk $0xffff, v4  }
0x289: {  	[tilespmem:s20+$0xC440] =	vst.add.f32.msk $0xffff, v63  }
0x28a: {  	[tilespmem:s20+$0xC450] =	vst.add.f32.msk $0xffff, v5  }
0x28b: {  	[tilespmem:s20+$0xC460] =	vst.add.f32.msk $0xffff, v6  }
0x28c: {  	[tilespmem:s20+$0xC470] =	vst.add.f32.msk $0xffff, v7  }
0x28d: {  	[tilespmem:s20+$0xC480] =	vst.add.f32.msk $0xffff, v8  }
0x28e: {  	[tilespmem:s20+$0xC490] =	vst.add.f32.msk $0xffff, v9  }
0x28f: {  	[tilespmem:s20+$0xC4A0] =	vst.add.f32.msk $0xffff, v10  }
0x290: {  	[tilespmem:s20+$0xC4B0] =	vst.add.f32.msk $0xffff, v11  }
0x291: {  	[tilespmem:s20+$0xC4C0] =	vst.add.f32.msk $0xffff, v12  }
0x292: {  	[tilespmem:s20+$0xC4D0] =	vst.add.f32.msk $0xffff, v13  }
0x293: {  	s22 =	rddreg [dreg:$0x18];
	[tilespmem:s20+$0xC4E0] =	vst.add.f32.msk $0xffff, v14  }
0x294: {  	[hbm4b:s22+s3] =	stream.linear.scatter [tilespmem:s8], [sflag:$0xF], $0x4000, $0x38;
	[tilespmem:$0x16340] =	vst v63  }
0x295: {  	_ =	swait.ge [sflag:s14], $0x4000  }
0x296: {  	[sflag:s14] =	ssyncset.done $0x0  }
0x297: {  	[sflag:s14] =	ssyncadd.s32 $0xFFFFC000  }
0x298: {  	_ =	swait.ge [sflag:s0], $0x4000  }
0x299: {  	[sflag:s0] =	ssyncset.done $0x0  }
0x29a: {  	[sflag:s0] =	ssyncadd.s32 $0xFFFFC000  }
0x29b: {  	_ =	swait.ge [sflag:s28], $0x4000  }
0x29c: {  	s4 =	sadd.s32 $0x1, s4;
	s23 =	rddreg [dreg:$0x19]  }
0x29d: {  	p0 =	sne.s32 s4, s23  }
.Ltmp8:
0x29e: {  	_ = 	snop;
	(pc) =	sbr.rel @p0 .LBB2_1-.Ltmp8, $3  }
0x29f: {  	_ =	sdelay $0x1  }
0x2a0: {  	[sflag:s28] =	ssyncset.done $0x0  }
0x2a1: {  	[sflag:s28] =	ssyncadd.s32 $0xFFFFC000  }
0x2a2: {  	_ =	sfence.sel $0x180000  }
0x2a3: {  	[bflag:$0x0] =	sbarrier.arrive $0xFFFF  }
0x2a4: {  	_ =	strace $0x90000047  }
0x2a5: {  	s0 =	stileid.u32;
	[bflag:$0x2] =	sbarrier.arrive $0xFFFF  }
0x2a6: {  	p0 =	sne.s32 s0, $0x0;
	s0 =	rddreg [dreg:$0x5]  }
0x2a7: {  	s0 =	sadd.s32 @!p0 $0x100000, s0  }
0x2a8: {  	[sflag:s0] =	ssyncadd.tile.s32 @!p0 $0x1;
	_ =	shalt  }
.Lfunc_end2:
_tile_overlayer_lowered:
.L_overlay_start_2:
0x2a9: {  	(tag) =	ssettag $0x2  }
0x2aa: {  	s0 =	rddreg [dreg:$0x0];
	s2 =	stileid.u32  }
0x2ab: {  	s1 =	rddreg [dreg:$0x1];
	p0 =	sne.s32 s2, $0x0  }
0x2ac: {  	s3 =	rddreg [dreg:$0x2];
	[bflag:$0x3] =	sbarrier.arrive $0xFFFF;
	s2 =	simm.s32 @!p0 $0x1C11  }
0x2ad: {  	[timem:s3], [sflag:s2] =	dma.local @!p0 [hbm:s0], s1  }
0x2ae: {  	s0 =	simm.s32 @!p0 $0x11  }
0x2af: {  	_ =	swait.ge @!p0 [sflag:s0], s1  }
0x2b0: {  	s1 =	ssub.s32 @!p0 $0x0, s1;
	[sflag:s0] =	ssyncset.done @!p0 $0x0  }
0x2b1: {  	[sflag:s0] =	ssyncadd.s32 @!p0 s1  }
0x2b2: {  	[bflag:$0x3] =	sbarrier.arrive $0xFFFF  }
0x2b3: {  	_ =	shalt  }

</sc_bundles>
